<compile_context>
chip_gen: v7x
topology: tpu7x:2x2x1
jax: 0.10.2.dev20260603
libtpu: 0.0.44.dev20260713+nightly
codegen_flags: <defaults>
</compile_context>

<pallas_src>
import functools

import jax
import jax.numpy as jnp
from jax import lax
from jax.experimental import pallas as pl
from jax.experimental.pallas import tpu as pltpu
from jax.experimental.pallas import tpu_sc as plsc

N_USER = 1000000
N_ITEM = 100000
N_INP = 64
BATCH = 16384

_info = plsc.get_sparse_core_info()
_NC, _NS = _info.num_cores, _info.num_subcores
_NW = _NC * _NS
_BPW = BATCH // _NW
_C = 256


def _gather_body(tab3, nid_hbm, out_hbm, idx_v, rows0, rows1, sem0, sem1):
    wid = lax.axis_index("s") * _NC + lax.axis_index("c")
    base = wid * _BPW
    pltpu.sync_copy(nid_hbm.at[pl.ds(base, _BPW)], idx_v)

    def burst(rows, sem, off):
        def issue(k, c):
            vec = idx_v[pl.ds(off + k * 16, 16)]
            for i in range(16):
                v = vec[i]
                pltpu.make_async_copy(tab3.at[v >> 3, v & 7],
                                      rows.at[k * 16 + i], sem).start()
            return c
        lax.fori_loop(0, _C // 16, issue, 0)

    def drain_write(rows, sem, off):
        pltpu.make_async_copy(out_hbm.at[pl.ds(base + off, _C)], rows,
                              sem).wait()
        pltpu.sync_copy(rows, out_hbm.at[pl.ds(base + off, _C)])

    burst(rows0, sem0, 0)
    burst(rows1, sem1, _C)
    drain_write(rows0, sem0, 0)
    drain_write(rows1, sem1, _C)


def _make_gather():
    mesh = plsc.VectorSubcoreMesh(core_axis_name="c", subcore_axis_name="s")
    return functools.partial(
        pl.kernel,
        mesh=mesh,
        out_type=jax.ShapeDtypeStruct((BATCH, N_INP), jnp.float32),
        scratch_types=[
            pltpu.VMEM((_BPW,), jnp.int32),
            pltpu.VMEM((_C, N_INP), jnp.float32),
            pltpu.VMEM((_C, N_INP), jnp.float32),
            pltpu.SemaphoreType.DMA,
            pltpu.SemaphoreType.DMA,
        ],
        compiler_params=pltpu.CompilerParams(needs_layout_passes=False),
    )(_gather_body)


@jax.jit
def kernel(embed_user, embed_item, nid_user, nid_item):
    user3 = embed_user.reshape(N_USER // 8, 8, N_INP)
    item3 = embed_item.reshape(N_ITEM // 8, 8, N_INP)
    out_i = _make_gather()(item3, nid_item)
    out_u = _make_gather()(user3, nid_user)
    return (out_u, out_i)

# --- scband reference (transcript-rebuilt; emitter-appended) ---
"""Pipeline reference for scband-rel-graph-embed-57389353009591 (READ-ONLY COPY).

The authoritative reference and input builder live on the scoring server;
editing this copy changes nothing except your own understanding.
"""

import jax, jax.numpy as jnp
import numpy as np
import math

N_USER = 1000000
N_ITEM = 100000
N_INP = 64
BATCH = 16384

def _xavier_uniform(key, fan_out, fan_in, gain):
    bound = gain * math.sqrt(6.0 / (fan_in + fan_out))
    return jax.random.uniform(key, (fan_out, fan_in), dtype=jnp.float32, minval=-bound, maxval=bound)

def setup_inputs(seed: int = 0) -> dict:
    key = jax.random.key(seed)
    k1, k2, k3, k4 = jax.random.split(key, 4)
    gain = math.sqrt(2.0)  # calculate_gain('relu')
    embed_user = _xavier_uniform(k1, N_USER, N_INP, gain)
    embed_item = _xavier_uniform(k2, N_ITEM, N_INP, gain)
    nid_user = jax.random.randint(k3, (BATCH,), 0, N_USER, dtype=jnp.int64 if jax.config.jax_enable_x64 else jnp.int32)
    nid_item = jax.random.randint(k4, (BATCH,), 0, N_ITEM, dtype=jnp.int64 if jax.config.jax_enable_x64 else jnp.int32)
    return {"embed_user": embed_user, "embed_item": embed_item, "nid_user": nid_user, "nid_item": nid_item}

def reference(embed_user, embed_item, nid_user, nid_item):
    # batch_train=True path: extract_embed gathers rows per ntype.
    # dropout p=0.0 and activation=None are identity at inference.
    emb_user = jnp.take(embed_user, nid_user, axis=0)
    emb_item = jnp.take(embed_item, nid_item, axis=0)
    return (emb_user, emb_item)

if __name__ == "__main__":
    import jax
    _d = setup_inputs()
    print(jax.jit(kernel)(*tuple(_d.values())))

</pallas_src>

<mosaic_0001>
#map = affine_map<(d0, d1) -> (0, 0, 0)>
#map1 = affine_map<(d0, d1) -> (0)>
#map2 = affine_map<(d0, d1) -> (0, 0)>
module attributes {stable_mosaic.version = 14 : i64} {
  func.func @_gather_body(%arg0: i32, %arg1: i32, %arg2: memref<12500x8x64xf32, #tpu.memory_space<hbm>>, %arg3: memref<16384xi32, #tpu.memory_space<hbm>>, %arg4: memref<16384x64xf32, #tpu.memory_space<hbm>>, %arg5: memref<512xi32, #tpu.memory_space<vmem>>, %arg6: memref<256x64xf32, #tpu.memory_space<vmem>>, %arg7: memref<256x64xf32, #tpu.memory_space<vmem>>, %arg8: memref<!tpu.dma_semaphore, #tpu.memory_space<semaphore_mem>>, %arg9: memref<!tpu.dma_semaphore, #tpu.memory_space<semaphore_mem>>) attributes {dimension_semantics = [#tpu.dimension_semantics<core_parallel>, #tpu.dimension_semantics<subcore_parallel>], iteration_bounds = array<i64: 2, 16>, scalar_prefetch = 0 : i64, scratch_operands = 5 : i64, tpu.core_type = #tpu.core_type<sc_vector_subcore>, window_params = [{transform_indices = #map}, {transform_indices = #map1}, {transform_indices = #map2}]} {
    %mul3A = arith.constant 2 : i32
    %mul3A_0 = arith.muli %arg1, %mul3A : i32
    %add3A = arith.addi %mul3A_0, %arg0 : i32
    %mul3A_1 = arith.constant 512 : i32
    %mul3A_2 = arith.muli %add3A, %mul3A_1 : i32
    "tpu.region"() ({
      %run_scoped3A = tpu.sem_alloc : memref<!tpu.dma_semaphore, #tpu.memory_space<semaphore_mem>>
      %dma_start3A = tpu.memref_slice %arg3[%mul3A_2] : memref<16384xi32, #tpu.memory_space<hbm>> -> memref<512xi32, #tpu.memory_space<hbm>>
      %dma_start3A_29 = tpu.memref_slice %arg3[%mul3A_2] : memref<16384xi32, #tpu.memory_space<hbm>> -> memref<512xi32, #tpu.memory_space<hbm>>
      tpu.enqueue_dma source(%dma_start3A_29 : memref<512xi32, #tpu.memory_space<hbm>>) target(%arg5 : memref<512xi32, #tpu.memory_space<vmem>>) target_semaphore(%run_scoped3A : memref<!tpu.dma_semaphore, #tpu.memory_space<semaphore_mem>>)
      %dma_wait3A_30 = tpu.memref_slice %arg3[%mul3A_2] : memref<16384xi32, #tpu.memory_space<hbm>> -> memref<512xi32, #tpu.memory_space<hbm>>
      %dma_wait3A_31 = tpu.memref_slice %arg3[%mul3A_2] : memref<16384xi32, #tpu.memory_space<hbm>> -> memref<512xi32, #tpu.memory_space<hbm>>
      tpu.wait_dma2 semaphore(%run_scoped3A : memref<!tpu.dma_semaphore, #tpu.memory_space<semaphore_mem>>) src(%dma_wait3A_31 : memref<512xi32, #tpu.memory_space<hbm>>) dst(%arg5 : memref<512xi32, #tpu.memory_space<vmem>>)
      tpu.yield
    }) : () -> ()
    %scan3A = arith.constant 0 : i32
    %scan3A_3 = arith.constant 0 : i32
    %scan3A_4 = arith.constant 16 : i32
    %scan3A_5 = arith.addi %scan3A_3, %scan3A_4 : i32
    %scan3A_6 = arith.constant 1 : i32
    scf.for %scan3A_29 = %scan3A_3 to %scan3A_5 step %scan3A_6  : i32 {
      %mul3A_30 = arith.constant 16 : i32
      %mul3A_31 = arith.muli %scan3A_29, %mul3A_30 : i32
      %add3A_32 = arith.constant 0 : i32
      %add3A_33 = arith.addi %add3A_32, %mul3A_31 : i32
      %get3A = arith.index_cast %add3A_33 : i32 to index
      %get3A_34 = tpu.vector_load %arg5[%get3A] {strides = array<i32>} : memref<512xi32, #tpu.memory_space<vmem>>, vector<16xi32>,
      %slice3A = vector.extract_strided_slice %get3A_34 {offsets = [0], sizes = [1], strides = [1]} : vector<16xi32> to vector<1xi32>
      %squeeze3A = vector.extract %slice3A[0] : i32 from vector<1xi32>
      %shift_right_arithmetic3A = arith.constant 3 : i32
      %shift_right_arithmetic3A_35 = arith.shrsi %squeeze3A, %shift_right_arithmetic3A : i32
      %and3A = arith.constant 7 : i32
      %and3A_36 = arith.andi %squeeze3A, %and3A : i32
      %mul3A_37 = arith.constant 16 : i32
      %mul3A_38 = arith.muli %scan3A_29, %mul3A_37 : i32
      %add3A_39 = arith.constant 0 : i32
      %add3A_40 = arith.addi %mul3A_38, %add3A_39 : i32
      %dma_start3A = arith.constant 0 : i32
      %dma_start3A_41 = tpu.memref_slice %arg6[%add3A_40, %dma_start3A] : memref<256x64xf32, #tpu.memory_space<vmem>> -> memref<1x64xf32, #tpu.memory_space<vmem>>
      %dma_start3A_42 = tpu.memref_squeeze %dma_start3A_41 : memref<1x64xf32, #tpu.memory_space<vmem>> -> memref<64xf32, #tpu.memory_space<vmem>>
      %dma_start3A_43 = arith.constant 0 : i32
      %dma_start3A_44 = tpu.memref_slice %arg2[%shift_right_arithmetic3A_35, %and3A_36, %dma_start3A_43] : memref<12500x8x64xf32, #tpu.memory_space<hbm>> -> memref<1x1x64xf32, #tpu.memory_space<hbm>>
      %dma_start3A_45 = tpu.memref_squeeze %dma_start3A_44 : memref<1x1x64xf32, #tpu.memory_space<hbm>> -> memref<64xf32, #tpu.memory_space<hbm>>
      %dma_start3A_46 = arith.constant 0 : i32
      %dma_start3A_47 = tpu.memref_slice %arg6[%add3A_40, %dma_start3A_46] : memref<256x64xf32, #tpu.memory_space<vmem>> -> memref<1x64xf32, #tpu.memory_space<vmem>>
      %dma_start3A_48 = tpu.memref_squeeze %dma_start3A_47 : memref<1x64xf32, #tpu.memory_space<vmem>> -> memref<64xf32, #tpu.memory_space<vmem>>
      %dma_start3A_49 = arith.constant 0 : i32
      %dma_start3A_50 = tpu.memref_slice %arg2[%shift_right_arithmetic3A_35, %and3A_36, %dma_start3A_49] : memref<12500x8x64xf32, #tpu.memory_space<hbm>> -> memref<1x1x64xf32, #tpu.memory_space<hbm>>
      %dma_start3A_51 = tpu.memref_squeeze %dma_start3A_50 : memref<1x1x64xf32, #tpu.memory_space<hbm>> -> memref<64xf32, #tpu.memory_space<hbm>>
      tpu.enqueue_dma source(%dma_start3A_51 : memref<64xf32, #tpu.memory_space<hbm>>) target(%dma_start3A_48 : memref<64xf32, #tpu.memory_space<vmem>>) target_semaphore(%arg8 : memref<!tpu.dma_semaphore, #tpu.memory_space<semaphore_mem>>)
      %slice3A_52 = vector.extract_strided_slice %get3A_34 {offsets = [1], sizes = [1], strides = [1]} : vector<16xi32> to vector<1xi32>
      %squeeze3A_53 = vector.extract %slice3A_52[0] : i32 from vector<1xi32>
      %shift_right_arithmetic3A_54 = arith.constant 3 : i32
      %shift_right_arithmetic3A_55 = arith.shrsi %squeeze3A_53, %shift_right_arithmetic3A_54 : i32
      %and3A_56 = arith.constant 7 : i32
      %and3A_57 = arith.andi %squeeze3A_53, %and3A_56 : i32
      %mul3A_58 = arith.constant 16 : i32
      %mul3A_59 = arith.muli %scan3A_29, %mul3A_58 : i32
      %add3A_60 = arith.constant 1 : i32
      %add3A_61 = arith.addi %mul3A_59, %add3A_60 : i32
      %dma_start3A_62 = arith.constant 0 : i32
      %dma_start3A_63 = tpu.memref_slice %arg6[%add3A_61, %dma_start3A_62] : memref<256x64xf32, #tpu.memory_space<vmem>> -> memref<1x64xf32, #tpu.memory_space<vmem>>
      %dma_start3A_64 = tpu.memref_squeeze %dma_start3A_63 : memref<1x64xf32, #tpu.memory_space<vmem>> -> memref<64xf32, #tpu.memory_space<vmem>>
      %dma_start3A_65 = arith.constant 0 : i32
      %dma_start3A_66 = tpu.memref_slice %arg2[%shift_right_arithmetic3A_55, %and3A_57, %dma_start3A_65] : memref<12500x8x64xf32, #tpu.memory_space<hbm>> -> memref<1x1x64xf32, #tpu.memory_space<hbm>>
      %dma_start3A_67 = tpu.memref_squeeze %dma_start3A_66 : memref<1x1x64xf32, #tpu.memory_space<hbm>> -> memref<64xf32, #tpu.memory_space<hbm>>
      %dma_start3A_68 = arith.constant 0 : i32
      %dma_start3A_69 = tpu.memref_slice %arg6[%add3A_61, %dma_start3A_68] : memref<256x64xf32, #tpu.memory_space<vmem>> -> memref<1x64xf32, #tpu.memory_space<vmem>>
      %dma_start3A_70 = tpu.memref_squeeze %dma_start3A_69 : memref<1x64xf32, #tpu.memory_space<vmem>> -> memref<64xf32, #tpu.memory_space<vmem>>
      %dma_start3A_71 = arith.constant 0 : i32
      %dma_start3A_72 = tpu.memref_slice %arg2[%shift_right_arithmetic3A_55, %and3A_57, %dma_start3A_71] : memref<12500x8x64xf32, #tpu.memory_space<hbm>> -> memref<1x1x64xf32, #tpu.memory_space<hbm>>
      %dma_start3A_73 = tpu.memref_squeeze %dma_start3A_72 : memref<1x1x64xf32, #tpu.memory_space<hbm>> -> memref<64xf32, #tpu.memory_space<hbm>>
      tpu.enqueue_dma source(%dma_start3A_73 : memref<64xf32, #tpu.memory_space<hbm>>) target(%dma_start3A_70 : memref<64xf32, #tpu.memory_space<vmem>>) target_semaphore(%arg8 : memref<!tpu.dma_semaphore, #tpu.memory_space<semaphore_mem>>)
      %slice3A_74 = vector.extract_strided_slice %get3A_34 {offsets = [2], sizes = [1], strides = [1]} : vector<16xi32> to vector<1xi32>
      %squeeze3A_75 = vector.extract %slice3A_74[0] : i32 from vector<1xi32>
      %shift_right_arithmetic3A_76 = arith.constant 3 : i32
      %shift_right_arithmetic3A_77 = arith.shrsi %squeeze3A_75, %shift_right_arithmetic3A_76 : i32
      %and3A_78 = arith.constant 7 : i32
      %and3A_79 = arith.andi %squeeze3A_75, %and3A_78 : i32
      %mul3A_80 = arith.constant 16 : i32
      %mul3A_81 = arith.muli %scan3A_29, %mul3A_80 : i32
      %add3A_82 = arith.constant 2 : i32
      %add3A_83 = arith.addi %mul3A_81, %add3A_82 : i32
      %dma_start3A_84 = arith.constant 0 : i32
      %dma_start3A_85 = tpu.memref_slice %arg6[%add3A_83, %dma_start3A_84] : memref<256x64xf32, #tpu.memory_space<vmem>> -> memref<1x64xf32, #tpu.memory_space<vmem>>
      %dma_start3A_86 = tpu.memref_squeeze %dma_start3A_85 : memref<1x64xf32, #tpu.memory_space<vmem>> -> memref<64xf32, #tpu.memory_space<vmem>>
      %dma_start3A_87 = arith.constant 0 : i32
      %dma_start3A_88 = tpu.memref_slice %arg2[%shift_right_arithmetic3A_77, %and3A_79, %dma_start3A_87] : memref<12500x8x64xf32, #tpu.memory_space<hbm>> -> memref<1x1x64xf32, #tpu.memory_space<hbm>>
      %dma_start3A_89 = tpu.memref_squeeze %dma_start3A_88 : memref<1x1x64xf32, #tpu.memory_space<hbm>> -> memref<64xf32, #tpu.memory_space<hbm>>
      %dma_start3A_90 = arith.constant 0 : i32
      %dma_start3A_91 = tpu.memref_slice %arg6[%add3A_83, %dma_start3A_90] : memref<256x64xf32, #tpu.memory_space<vmem>> -> memref<1x64xf32, #tpu.memory_space<vmem>>
      %dma_start3A_92 = tpu.memref_squeeze %dma_start3A_91 : memref<1x64xf32, #tpu.memory_space<vmem>> -> memref<64xf32, #tpu.memory_space<vmem>>
      %dma_start3A_93 = arith.constant 0 : i32
      %dma_start3A_94 = tpu.memref_slice %arg2[%shift_right_arithmetic3A_77, %and3A_79, %dma_start3A_93] : memref<12500x8x64xf32, #tpu.memory_space<hbm>> -> memref<1x1x64xf32, #tpu.memory_space<hbm>>
      %dma_start3A_95 = tpu.memref_squeeze %dma_start3A_94 : memref<1x1x64xf32, #tpu.memory_space<hbm>> -> memref<64xf32, #tpu.memory_space<hbm>>
      tpu.enqueue_dma source(%dma_start3A_95 : memref<64xf32, #tpu.memory_space<hbm>>) target(%dma_start3A_92 : memref<64xf32, #tpu.memory_space<vmem>>) target_semaphore(%arg8 : memref<!tpu.dma_semaphore, #tpu.memory_space<semaphore_mem>>)
      %slice3A_96 = vector.extract_strided_slice %get3A_34 {offsets = [3], sizes = [1], strides = [1]} : vector<16xi32> to vector<1xi32>
      %squeeze3A_97 = vector.extract %slice3A_96[0] : i32 from vector<1xi32>
      %shift_right_arithmetic3A_98 = arith.constant 3 : i32
      %shift_right_arithmetic3A_99 = arith.shrsi %squeeze3A_97, %shift_right_arithmetic3A_98 : i32
      %and3A_100 = arith.constant 7 : i32
      %and3A_101 = arith.andi %squeeze3A_97, %and3A_100 : i32
      %mul3A_102 = arith.constant 16 : i32
      %mul3A_103 = arith.muli %scan3A_29, %mul3A_102 : i32
      %add3A_104 = arith.constant 3 : i32
      %add3A_105 = arith.addi %mul3A_103, %add3A_104 : i32
      %dma_start3A_106 = arith.constant 0 : i32
      %dma_start3A_107 = tpu.memref_slice %arg6[%add3A_105, %dma_start3A_106] : memref<256x64xf32, #tpu.memory_space<vmem>> -> memref<1x64xf32, #tpu.memory_space<vmem>>
      %dma_start3A_108 = tpu.memref_squeeze %dma_start3A_107 : memref<1x64xf32, #tpu.memory_space<vmem>> -> memref<64xf32, #tpu.memory_space<vmem>>
      %dma_start3A_109 = arith.constant 0 : i32
      %dma_start3A_110 = tpu.memref_slice %arg2[%shift_right_arithmetic3A_99, %and3A_101, %dma_start3A_109] : memref<12500x8x64xf32, #tpu.memory_space<hbm>> -> memref<1x1x64xf32, #tpu.memory_space<hbm>>
      %dma_start3A_111 = tpu.memref_squeeze %dma_start3A_110 : memref<1x1x64xf32, #tpu.memory_space<hbm>> -> memref<64xf32, #tpu.memory_space<hbm>>
      %dma_start3A_112 = arith.constant 0 : i32
      %dma_start3A_113 = tpu.memref_slice %arg6[%add3A_105, %dma_start3A_112] : memref<256x64xf32, #tpu.memory_space<vmem>> -> memref<1x64xf32, #tpu.memory_space<vmem>>
      %dma_start3A_114 = tpu.memref_squeeze %dma_start3A_113 : memref<1x64xf32, #tpu.memory_space<vmem>> -> memref<64xf32, #tpu.memory_space<vmem>>
      %dma_start3A_115 = arith.constant 0 : i32
      %dma_start3A_116 = tpu.memref_slice %arg2[%shift_right_arithmetic3A_99, %and3A_101, %dma_start3A_115] : memref<12500x8x64xf32, #tpu.memory_space<hbm>> -> memref<1x1x64xf32, #tpu.memory_space<hbm>>
      %dma_start3A_117 = tpu.memref_squeeze %dma_start3A_116 : memref<1x1x64xf32, #tpu.memory_space<hbm>> -> memref<64xf32, #tpu.memory_space<hbm>>
      tpu.enqueue_dma source(%dma_start3A_117 : memref<64xf32, #tpu.memory_space<hbm>>) target(%dma_start3A_114 : memref<64xf32, #tpu.memory_space<vmem>>) target_semaphore(%arg8 : memref<!tpu.dma_semaphore, #tpu.memory_space<semaphore_mem>>)
      %slice3A_118 = vector.extract_strided_slice %get3A_34 {offsets = [4], sizes = [1], strides = [1]} : vector<16xi32> to vector<1xi32>
      %squeeze3A_119 = vector.extract %slice3A_118[0] : i32 from vector<1xi32>
      %shift_right_arithmetic3A_120 = arith.constant 3 : i32
      %shift_right_arithmetic3A_121 = arith.shrsi %squeeze3A_119, %shift_right_arithmetic3A_120 : i32
      %and3A_122 = arith.constant 7 : i32
      %and3A_123 = arith.andi %squeeze3A_119, %and3A_122 : i32
      %mul3A_124 = arith.constant 16 : i32
      %mul3A_125 = arith.muli %scan3A_29, %mul3A_124 : i32
      %add3A_126 = arith.constant 4 : i32
      %add3A_127 = arith.addi %mul3A_125, %add3A_126 : i32
      %dma_start3A_128 = arith.constant 0 : i32
      %dma_start3A_129 = tpu.memref_slice %arg6[%add3A_127, %dma_start3A_128] : memref<256x64xf32, #tpu.memory_space<vmem>> -> memref<1x64xf32, #tpu.memory_space<vmem>>
      %dma_start3A_130 = tpu.memref_squeeze %dma_start3A_129 : memref<1x64xf32, #tpu.memory_space<vmem>> -> memref<64xf32, #tpu.memory_space<vmem>>
      %dma_start3A_131 = arith.constant 0 : i32
      %dma_start3A_132 = tpu.memref_slice %arg2[%shift_right_arithmetic3A_121, %and3A_123, %dma_start3A_131] : memref<12500x8x64xf32, #tpu.memory_space<hbm>> -> memref<1x1x64xf32, #tpu.memory_space<hbm>>
      %dma_start3A_133 = tpu.memref_squeeze %dma_start3A_132 : memref<1x1x64xf32, #tpu.memory_space<hbm>> -> memref<64xf32, #tpu.memory_space<hbm>>
      %dma_start3A_134 = arith.constant 0 : i32
      %dma_start3A_135 = tpu.memref_slice %arg6[%add3A_127, %dma_start3A_134] : memref<256x64xf32, #tpu.memory_space<vmem>> -> memref<1x64xf32, #tpu.memory_space<vmem>>
      %dma_start3A_136 = tpu.memref_squeeze %dma_start3A_135 : memref<1x64xf32, #tpu.memory_space<vmem>> -> memref<64xf32, #tpu.memory_space<vmem>>
      %dma_start3A_137 = arith.constant 0 : i32
      %dma_start3A_138 = tpu.memref_slice %arg2[%shift_right_arithmetic3A_121, %and3A_123, %dma_start3A_137] : memref<12500x8x64xf32, #tpu.memory_space<hbm>> -> memref<1x1x64xf32, #tpu.memory_space<hbm>>
      %dma_start3A_139 = tpu.memref_squeeze %dma_start3A_138 : memref<1x1x64xf32, #tpu.memory_space<hbm>> -> memref<64xf32, #tpu.memory_space<hbm>>
      tpu.enqueue_dma source(%dma_start3A_139 : memref<64xf32, #tpu.memory_space<hbm>>) target(%dma_start3A_136 : memref<64xf32, #tpu.memory_space<vmem>>) target_semaphore(%arg8 : memref<!tpu.dma_semaphore, #tpu.memory_space<semaphore_mem>>)
      %slice3A_140 = vector.extract_strided_slice %get3A_34 {offsets = [5], sizes = [1], strides = [1]} : vector<16xi32> to vector<1xi32>
      %squeeze3A_141 = vector.extract %slice3A_140[0] : i32 from vector<1xi32>
      %shift_right_arithmetic3A_142 = arith.constant 3 : i32
      %shift_right_arithmetic3A_143 = arith.shrsi %squeeze3A_141, %shift_right_arithmetic3A_142 : i32
      %and3A_144 = arith.constant 7 : i32
      %and3A_145 = arith.andi %squeeze3A_141, %and3A_144 : i32
      %mul3A_146 = arith.constant 16 : i32
      %mul3A_147 = arith.muli %scan3A_29, %mul3A_146 : i32
      %add3A_148 = arith.constant 5 : i32
      %add3A_149 = arith.addi %mul3A_147, %add3A_148 : i32
      %dma_start3A_150 = arith.constant 0 : i32
      %dma_start3A_151 = tpu.memref_slice %arg6[%add3A_149, %dma_start3A_150] : memref<256x64xf32, #tpu.memory_space<vmem>> -> memref<1x64xf32, #tpu.memory_space<vmem>>
      %dma_start3A_152 = tpu.memref_squeeze %dma_start3A_151 : memref<1x64xf32, #tpu.memory_space<vmem>> -> memref<64xf32, #tpu.memory_space<vmem>>
      %dma_start3A_153 = arith.constant 0 : i32
      %dma_start3A_154 = tpu.memref_slice %arg2[%shift_right_arithmetic3A_143, %and3A_145, %dma_start3A_153] : memref<12500x8x64xf32, #tpu.memory_space<hbm>> -> memref<1x1x64xf32, #tpu.memory_space<hbm>>
      %dma_start3A_155 = tpu.memref_squeeze %dma_start3A_154 : memref<1x1x64xf32, #tpu.memory_space<hbm>> -> memref<64xf32, #tpu.memory_space<hbm>>
      %dma_start3A_156 = arith.constant 0 : i32
      %dma_start3A_157 = tpu.memref_slice %arg6[%add3A_149, %dma_start3A_156] : memref<256x64xf32, #tpu.memory_space<vmem>> -> memref<1x64xf32, #tpu.memory_space<vmem>>
      %dma_start3A_158 = tpu.memref_squeeze %dma_start3A_157 : memref<1x64xf32, #tpu.memory_space<vmem>> -> memref<64xf32, #tpu.memory_space<vmem>>
      %dma_start3A_159 = arith.constant 0 : i32
      %dma_start3A_160 = tpu.memref_slice %arg2[%shift_right_arithmetic3A_143, %and3A_145, %dma_start3A_159] : memref<12500x8x64xf32, #tpu.memory_space<hbm>> -> memref<1x1x64xf32, #tpu.memory_space<hbm>>
      %dma_start3A_161 = tpu.memref_squeeze %dma_start3A_160 : memref<1x1x64xf32, #tpu.memory_space<hbm>> -> memref<64xf32, #tpu.memory_space<hbm>>
      tpu.enqueue_dma source(%dma_start3A_161 : memref<64xf32, #tpu.memory_space<hbm>>) target(%dma_start3A_158 : memref<64xf32, #tpu.memory_space<vmem>>) target_semaphore(%arg8 : memref<!tpu.dma_semaphore, #tpu.memory_space<semaphore_mem>>)
      %slice3A_162 = vector.extract_strided_slice %get3A_34 {offsets = [6], sizes = [1], strides = [1]} : vector<16xi32> to vector<1xi32>
      %squeeze3A_163 = vector.extract %slice3A_162[0] : i32 from vector<1xi32>
      %shift_right_arithmetic3A_164 = arith.constant 3 : i32
      %shift_right_arithmetic3A_165 = arith.shrsi %squeeze3A_163, %shift_right_arithmetic3A_164 : i32
      %and3A_166 = arith.constant 7 : i32
      %and3A_167 = arith.andi %squeeze3A_163, %and3A_166 : i32
      %mul3A_168 = arith.constant 16 : i32
      %mul3A_169 = arith.muli %scan3A_29, %mul3A_168 : i32
      %add3A_170 = arith.constant 6 : i32
      %add3A_171 = arith.addi %mul3A_169, %add3A_170 : i32
      %dma_start3A_172 = arith.constant 0 : i32
      %dma_start3A_173 = tpu.memref_slice %arg6[%add3A_171, %dma_start3A_172] : memref<256x64xf32, #tpu.memory_space<vmem>> -> memref<1x64xf32, #tpu.memory_space<vmem>>
      %dma_start3A_174 = tpu.memref_squeeze %dma_start3A_173 : memref<1x64xf32, #tpu.memory_space<vmem>> -> memref<64xf32, #tpu.memory_space<vmem>>
      %dma_start3A_175 = arith.constant 0 : i32
      %dma_start3A_176 = tpu.memref_slice %arg2[%shift_right_arithmetic3A_165, %and3A_167, %dma_start3A_175] : memref<12500x8x64xf32, #tpu.memory_space<hbm>> -> memref<1x1x64xf32, #tpu.memory_space<hbm>>
      %dma_start3A_177 = tpu.memref_squeeze %dma_start3A_176 : memref<1x1x64xf32, #tpu.memory_space<hbm>> -> memref<64xf32, #tpu.memory_space<hbm>>
      %dma_start3A_178 = arith.constant 0 : i32
      %dma_start3A_179 = tpu.memref_slice %arg6[%add3A_171, %dma_start3A_178] : memref<256x64xf32, #tpu.memory_space<vmem>> -> memref<1x64xf32, #tpu.memory_space<vmem>>
      %dma_start3A_180 = tpu.memref_squeeze %dma_start3A_179 : memref<1x64xf32, #tpu.memory_space<vmem>> -> memref<64xf32, #tpu.memory_space<vmem>>
      %dma_start3A_181 = arith.constant 0 : i32
      %dma_start3A_182 = tpu.memref_slice %arg2[%shift_right_arithmetic3A_165, %and3A_167, %dma_start3A_181] : memref<12500x8x64xf32, #tpu.memory_space<hbm>> -> memref<1x1x64xf32, #tpu.memory_space<hbm>>
      %dma_start3A_183 = tpu.memref_squeeze %dma_start3A_182 : memref<1x1x64xf32, #tpu.memory_space<hbm>> -> memref<64xf32, #tpu.memory_space<hbm>>
      tpu.enqueue_dma source(%dma_start3A_183 : memref<64xf32, #tpu.memory_space<hbm>>) target(%dma_start3A_180 : memref<64xf32, #tpu.memory_space<vmem>>) target_semaphore(%arg8 : memref<!tpu.dma_semaphore, #tpu.memory_space<semaphore_mem>>)
      %slice3A_184 = vector.extract_strided_slice %get3A_34 {offsets = [7], sizes = [1], strides = [1]} : vector<16xi32> to vector<1xi32>
      %squeeze3A_185 = vector.extract %slice3A_184[0] : i32 from vector<1xi32>
      %shift_right_arithmetic3A_186 = arith.constant 3 : i32
      %shift_right_arithmetic3A_187 = arith.shrsi %squeeze3A_185, %shift_right_arithmetic3A_186 : i32
      %and3A_188 = arith.constant 7 : i32
      %and3A_189 = arith.andi %squeeze3A_185, %and3A_188 : i32
      %mul3A_190 = arith.constant 16 : i32
      %mul3A_191 = arith.muli %scan3A_29, %mul3A_190 : i32
      %add3A_192 = arith.constant 7 : i32
      %add3A_193 = arith.addi %mul3A_191, %add3A_192 : i32
      %dma_start3A_194 = arith.constant 0 : i32
      %dma_start3A_195 = tpu.memref_slice %arg6[%add3A_193, %dma_start3A_194] : memref<256x64xf32, #tpu.memory_space<vmem>> -> memref<1x64xf32, #tpu.memory_space<vmem>>
      %dma_start3A_196 = tpu.memref_squeeze %dma_start3A_195 : memref<1x64xf32, #tpu.memory_space<vmem>> -> memref<64xf32, #tpu.memory_space<vmem>>
      %dma_start3A_197 = arith.constant 0 : i32
      %dma_start3A_198 = tpu.memref_slice %arg2[%shift_right_arithmetic3A_187, %and3A_189, %dma_start3A_197] : memref<12500x8x64xf32, #tpu.memory_space<hbm>> -> memref<1x1x64xf32, #tpu.memory_space<hbm>>
      %dma_start3A_199 = tpu.memref_squeeze %dma_start3A_198 : memref<1x1x64xf32, #tpu.memory_space<hbm>> -> memref<64xf32, #tpu.memory_space<hbm>>
      %dma_start3A_200 = arith.constant 0 : i32
      %dma_start3A_201 = tpu.memref_slice %arg6[%add3A_193, %dma_start3A_200] : memref<256x64xf32, #tpu.memory_space<vmem>> -> memref<1x64xf32, #tpu.memory_space<vmem>>
      %dma_start3A_202 = tpu.memref_squeeze %dma_start3A_201 : memref<1x64xf32, #tpu.memory_space<vmem>> -> memref<64xf32, #tpu.memory_space<vmem>>
      %dma_start3A_203 = arith.constant 0 : i32
      %dma_start3A_204 = tpu.memref_slice %arg2[%shift_right_arithmetic3A_187, %and3A_189, %dma_start3A_203] : memref<12500x8x64xf32, #tpu.memory_space<hbm>> -> memref<1x1x64xf32, #tpu.memory_space<hbm>>
      %dma_start3A_205 = tpu.memref_squeeze %dma_start3A_204 : memref<1x1x64xf32, #tpu.memory_space<hbm>> -> memref<64xf32, #tpu.memory_space<hbm>>
      tpu.enqueue_dma source(%dma_start3A_205 : memref<64xf32, #tpu.memory_space<hbm>>) target(%dma_start3A_202 : memref<64xf32, #tpu.memory_space<vmem>>) target_semaphore(%arg8 : memref<!tpu.dma_semaphore, #tpu.memory_space<semaphore_mem>>)
      %slice3A_206 = vector.extract_strided_slice %get3A_34 {offsets = [8], sizes = [1], strides = [1]} : vector<16xi32> to vector<1xi32>
      %squeeze3A_207 = vector.extract %slice3A_206[0] : i32 from vector<1xi32>
      %shift_right_arithmetic3A_208 = arith.constant 3 : i32
      %shift_right_arithmetic3A_209 = arith.shrsi %squeeze3A_207, %shift_right_arithmetic3A_208 : i32
      %and3A_210 = arith.constant 7 : i32
      %and3A_211 = arith.andi %squeeze3A_207, %and3A_210 : i32
      %mul3A_212 = arith.constant 16 : i32
      %mul3A_213 = arith.muli %scan3A_29, %mul3A_212 : i32
      %add3A_214 = arith.constant 8 : i32
      %add3A_215 = arith.addi %mul3A_213, %add3A_214 : i32
      %dma_start3A_216 = arith.constant 0 : i32
      %dma_start3A_217 = tpu.memref_slice %arg6[%add3A_215, %dma_start3A_216] : memref<256x64xf32, #tpu.memory_space<vmem>> -> memref<1x64xf32, #tpu.memory_space<vmem>>
      %dma_start3A_218 = tpu.memref_squeeze %dma_start3A_217 : memref<1x64xf32, #tpu.memory_space<vmem>> -> memref<64xf32, #tpu.memory_space<vmem>>
      %dma_start3A_219 = arith.constant 0 : i32
      %dma_start3A_220 = tpu.memref_slice %arg2[%shift_right_arithmetic3A_209, %and3A_211, %dma_start3A_219] : memref<12500x8x64xf32, #tpu.memory_space<hbm>> -> memref<1x1x64xf32, #tpu.memory_space<hbm>>
      %dma_start3A_221 = tpu.memref_squeeze %dma_start3A_220 : memref<1x1x64xf32, #tpu.memory_space<hbm>> -> memref<64xf32, #tpu.memory_space<hbm>>
      %dma_start3A_222 = arith.constant 0 : i32
      %dma_start3A_223 = tpu.memref_slice %arg6[%add3A_215, %dma_start3A_222] : memref<256x64xf32, #tpu.memory_space<vmem>> -> memref<1x64xf32, #tpu.memory_space<vmem>>
      %dma_start3A_224 = tpu.memref_squeeze %dma_start3A_223 : memref<1x64xf32, #tpu.memory_space<vmem>> -> memref<64xf32, #tpu.memory_space<vmem>>
      %dma_start3A_225 = arith.constant 0 : i32
      %dma_start3A_226 = tpu.memref_slice %arg2[%shift_right_arithmetic3A_209, %and3A_211, %dma_start3A_225] : memref<12500x8x64xf32, #tpu.memory_space<hbm>> -> memref<1x1x64xf32, #tpu.memory_space<hbm>>
      %dma_start3A_227 = tpu.memref_squeeze %dma_start3A_226 : memref<1x1x64xf32, #tpu.memory_space<hbm>> -> memref<64xf32, #tpu.memory_space<hbm>>
      tpu.enqueue_dma source(%dma_start3A_227 : memref<64xf32, #tpu.memory_space<hbm>>) target(%dma_start3A_224 : memref<64xf32, #tpu.memory_space<vmem>>) target_semaphore(%arg8 : memref<!tpu.dma_semaphore, #tpu.memory_space<semaphore_mem>>)
      %slice3A_228 = vector.extract_strided_slice %get3A_34 {offsets = [9], sizes = [1], strides = [1]} : vector<16xi32> to vector<1xi32>
      %squeeze3A_229 = vector.extract %slice3A_228[0] : i32 from vector<1xi32>
      %shift_right_arithmetic3A_230 = arith.constant 3 : i32
      %shift_right_arithmetic3A_231 = arith.shrsi %squeeze3A_229, %shift_right_arithmetic3A_230 : i32
      %and3A_232 = arith.constant 7 : i32
      %and3A_233 = arith.andi %squeeze3A_229, %and3A_232 : i32
      %mul3A_234 = arith.constant 16 : i32
      %mul3A_235 = arith.muli %scan3A_29, %mul3A_234 : i32
      %add3A_236 = arith.constant 9 : i32
      %add3A_237 = arith.addi %mul3A_235, %add3A_236 : i32
      %dma_start3A_238 = arith.constant 0 : i32
      %dma_start3A_239 = tpu.memref_slice %arg6[%add3A_237, %dma_start3A_238] : memref<256x64xf32, #tpu.memory_space<vmem>> -> memref<1x64xf32, #tpu.memory_space<vmem>>
      %dma_start3A_240 = tpu.memref_squeeze %dma_start3A_239 : memref<1x64xf32, #tpu.memory_space<vmem>> -> memref<64xf32, #tpu.memory_space<vmem>>
      %dma_start3A_241 = arith.constant 0 : i32
      %dma_start3A_242 = tpu.memref_slice %arg2[%shift_right_arithmetic3A_231, %and3A_233, %dma_start3A_241] : memref<12500x8x64xf32, #tpu.memory_space<hbm>> -> memref<1x1x64xf32, #tpu.memory_space<hbm>>
      %dma_start3A_243 = tpu.memref_squeeze %dma_start3A_242 : memref<1x1x64xf32, #tpu.memory_space<hbm>> -> memref<64xf32, #tpu.memory_space<hbm>>
      %dma_start3A_244 = arith.constant 0 : i32
      %dma_start3A_245 = tpu.memref_slice %arg6[%add3A_237, %dma_start3A_244] : memref<256x64xf32, #tpu.memory_space<vmem>> -> memref<1x64xf32, #tpu.memory_space<vmem>>
      %dma_start3A_246 = tpu.memref_squeeze %dma_start3A_245 : memref<1x64xf32, #tpu.memory_space<vmem>> -> memref<64xf32, #tpu.memory_space<vmem>>
      %dma_start3A_247 = arith.constant 0 : i32
      %dma_start3A_248 = tpu.memref_slice %arg2[%shift_right_arithmetic3A_231, %and3A_233, %dma_start3A_247] : memref<12500x8x64xf32, #tpu.memory_space<hbm>> -> memref<1x1x64xf32, #tpu.memory_space<hbm>>
      %dma_start3A_249 = tpu.memref_squeeze %dma_start3A_248 : memref<1x1x64xf32, #tpu.memory_space<hbm>> -> memref<64xf32, #tpu.memory_space<hbm>>
      tpu.enqueue_dma source(%dma_start3A_249 : memref<64xf32, #tpu.memory_space<hbm>>) target(%dma_start3A_246 : memref<64xf32, #tpu.memory_space<vmem>>) target_semaphore(%arg8 : memref<!tpu.dma_semaphore, #tpu.memory_space<semaphore_mem>>)
      %slice3A_250 = vector.extract_strided_slice %get3A_34 {offsets = [10], sizes = [1], strides = [1]} : vector<16xi32> to vector<1xi32>
      %squeeze3A_251 = vector.extract %slice3A_250[0] : i32 from vector<1xi32>
      %shift_right_arithmetic3A_252 = arith.constant 3 : i32
      %shift_right_arithmetic3A_253 = arith.shrsi %squeeze3A_251, %shift_right_arithmetic3A_252 : i32
      %and3A_254 = arith.constant 7 : i32
      %and3A_255 = arith.andi %squeeze3A_251, %and3A_254 : i32
      %mul3A_256 = arith.constant 16 : i32
      %mul3A_257 = arith.muli %scan3A_29, %mul3A_256 : i32
      %add3A_258 = arith.constant 10 : i32
      %add3A_259 = arith.addi %mul3A_257, %add3A_258 : i32
      %dma_start3A_260 = arith.constant 0 : i32
      %dma_start3A_261 = tpu.memref_slice %arg6[%add3A_259, %dma_start3A_260] : memref<256x64xf32, #tpu.memory_space<vmem>> -> memref<1x64xf32, #tpu.memory_space<vmem>>
      %dma_start3A_262 = tpu.memref_squeeze %dma_start3A_261 : memref<1x64xf32, #tpu.memory_space<vmem>> -> memref<64xf32, #tpu.memory_space<vmem>>
      %dma_start3A_263 = arith.constant 0 : i32
      %dma_start3A_264 = tpu.memref_slice %arg2[%shift_right_arithmetic3A_253, %and3A_255, %dma_start3A_263] : memref<12500x8x64xf32, #tpu.memory_space<hbm>> -> memref<1x1x64xf32, #tpu.memory_space<hbm>>
      %dma_start3A_265 = tpu.memref_squeeze %dma_start3A_264 : memref<1x1x64xf32, #tpu.memory_space<hbm>> -> memref<64xf32, #tpu.memory_space<hbm>>
      %dma_start3A_266 = arith.constant 0 : i32
      %dma_start3A_267 = tpu.memref_slice %arg6[%add3A_259, %dma_start3A_266] : memref<256x64xf32, #tpu.memory_space<vmem>> -> memref<1x64xf32, #tpu.memory_space<vmem>>
      %dma_start3A_268 = tpu.memref_squeeze %dma_start3A_267 : memref<1x64xf32, #tpu.memory_space<vmem>> -> memref<64xf32, #tpu.memory_space<vmem>>
      %dma_start3A_269 = arith.constant 0 : i32
      %dma_start3A_270 = tpu.memref_slice %arg2[%shift_right_arithmetic3A_253, %and3A_255, %dma_start3A_269] : memref<12500x8x64xf32, #tpu.memory_space<hbm>> -> memref<1x1x64xf32, #tpu.memory_space<hbm>>
      %dma_start3A_271 = tpu.memref_squeeze %dma_start3A_270 : memref<1x1x64xf32, #tpu.memory_space<hbm>> -> memref<64xf32, #tpu.memory_space<hbm>>
      tpu.enqueue_dma source(%dma_start3A_271 : memref<64xf32, #tpu.memory_space<hbm>>) target(%dma_start3A_268 : memref<64xf32, #tpu.memory_space<vmem>>) target_semaphore(%arg8 : memref<!tpu.dma_semaphore, #tpu.memory_space<semaphore_mem>>)
      %slice3A_272 = vector.extract_strided_slice %get3A_34 {offsets = [11], sizes = [1], strides = [1]} : vector<16xi32> to vector<1xi32>
      %squeeze3A_273 = vector.extract %slice3A_272[0] : i32 from vector<1xi32>
      %shift_right_arithmetic3A_274 = arith.constant 3 : i32
      %shift_right_arithmetic3A_275 = arith.shrsi %squeeze3A_273, %shift_right_arithmetic3A_274 : i32
      %and3A_276 = arith.constant 7 : i32
      %and3A_277 = arith.andi %squeeze3A_273, %and3A_276 : i32
      %mul3A_278 = arith.constant 16 : i32
      %mul3A_279 = arith.muli %scan3A_29, %mul3A_278 : i32
      %add3A_280 = arith.constant 11 : i32
      %add3A_281 = arith.addi %mul3A_279, %add3A_280 : i32
      %dma_start3A_282 = arith.constant 0 : i32
      %dma_start3A_283 = tpu.memref_slice %arg6[%add3A_281, %dma_start3A_282] : memref<256x64xf32, #tpu.memory_space<vmem>> -> memref<1x64xf32, #tpu.memory_space<vmem>>
      %dma_start3A_284 = tpu.memref_squeeze %dma_start3A_283 : memref<1x64xf32, #tpu.memory_space<vmem>> -> memref<64xf32, #tpu.memory_space<vmem>>
      %dma_start3A_285 = arith.constant 0 : i32
      %dma_start3A_286 = tpu.memref_slice %arg2[%shift_right_arithmetic3A_275, %and3A_277, %dma_start3A_285] : memref<12500x8x64xf32, #tpu.memory_space<hbm>> -> memref<1x1x64xf32, #tpu.memory_space<hbm>>
      %dma_start3A_287 = tpu.memref_squeeze %dma_start3A_286 : memref<1x1x64xf32, #tpu.memory_space<hbm>> -> memref<64xf32, #tpu.memory_space<hbm>>
      %dma_start3A_288 = arith.constant 0 : i32
      %dma_start3A_289 = tpu.memref_slice %arg6[%add3A_281, %dma_start3A_288] : memref<256x64xf32, #tpu.memory_space<vmem>> -> memref<1x64xf32, #tpu.memory_space<vmem>>
      %dma_start3A_290 = tpu.memref_squeeze %dma_start3A_289 : memref<1x64xf32, #tpu.memory_space<vmem>> -> memref<64xf32, #tpu.memory_space<vmem>>
      %dma_start3A_291 = arith.constant 0 : i32
      %dma_start3A_292 = tpu.memref_slice %arg2[%shift_right_arithmetic3A_275, %and3A_277, %dma_start3A_291] : memref<12500x8x64xf32, #tpu.memory_space<hbm>> -> memref<1x1x64xf32, #tpu.memory_space<hbm>>
      %dma_start3A_293 = tpu.memref_squeeze %dma_start3A_292 : memref<1x1x64xf32, #tpu.memory_space<hbm>> -> memref<64xf32, #tpu.memory_space<hbm>>
      tpu.enqueue_dma source(%dma_start3A_293 : memref<64xf32, #tpu.memory_space<hbm>>) target(%dma_start3A_290 : memref<64xf32, #tpu.memory_space<vmem>>) target_semaphore(%arg8 : memref<!tpu.dma_semaphore, #tpu.memory_space<semaphore_mem>>)
      %slice3A_294 = vector.extract_strided_slice %get3A_34 {offsets = [12], sizes = [1], strides = [1]} : vector<16xi32> to vector<1xi32>
      %squeeze3A_295 = vector.extract %slice3A_294[0] : i32 from vector<1xi32>
      %shift_right_arithmetic3A_296 = arith.constant 3 : i32
      %shift_right_arithmetic3A_297 = arith.shrsi %squeeze3A_295, %shift_right_arithmetic3A_296 : i32
      %and3A_298 = arith.constant 7 : i32
      %and3A_299 = arith.andi %squeeze3A_295, %and3A_298 : i32
      %mul3A_300 = arith.constant 16 : i32
      %mul3A_301 = arith.muli %scan3A_29, %mul3A_300 : i32
      %add3A_302 = arith.constant 12 : i32
      %add3A_303 = arith.addi %mul3A_301, %add3A_302 : i32
      %dma_start3A_304 = arith.constant 0 : i32
      %dma_start3A_305 = tpu.memref_slice %arg6[%add3A_303, %dma_start3A_304] : memref<256x64xf32, #tpu.memory_space<vmem>> -> memref<1x64xf32, #tpu.memory_space<vmem>>
      %dma_start3A_306 = tpu.memref_squeeze %dma_start3A_305 : memref<1x64xf32, #tpu.memory_space<vmem>> -> memref<64xf32, #tpu.memory_space<vmem>>
      %dma_start3A_307 = arith.constant 0 : i32
      %dma_start3A_308 = tpu.memref_slice %arg2[%shift_right_arithmetic3A_297, %and3A_299, %dma_start3A_307] : memref<12500x8x64xf32, #tpu.memory_space<hbm>> -> memref<1x1x64xf32, #tpu.memory_space<hbm>>
      %dma_start3A_309 = tpu.memref_squeeze %dma_start3A_308 : memref<1x1x64xf32, #tpu.memory_space<hbm>> -> memref<64xf32, #tpu.memory_space<hbm>>
      %dma_start3A_310 = arith.constant 0 : i32
      %dma_start3A_311 = tpu.memref_slice %arg6[%add3A_303, %dma_start3A_310] : memref<256x64xf32, #tpu.memory_space<vmem>> -> memref<1x64xf32, #tpu.memory_space<vmem>>
      %dma_start3A_312 = tpu.memref_squeeze %dma_start3A_311 : memref<1x64xf32, #tpu.memory_space<vmem>> -> memref<64xf32, #tpu.memory_space<vmem>>
      %dma_start3A_313 = arith.constant 0 : i32
      %dma_start3A_314 = tpu.memref_slice %arg2[%shift_right_arithmetic3A_297, %and3A_299, %dma_start3A_313] : memref<12500x8x64xf32, #tpu.memory_space<hbm>> -> memref<1x1x64xf32, #tpu.memory_space<hbm>>
      %dma_start3A_315 = tpu.memref_squeeze %dma_start3A_314 : memref<1x1x64xf32, #tpu.memory_space<hbm>> -> memref<64xf32, #tpu.memory_space<hbm>>
      tpu.enqueue_dma source(%dma_start3A_315 : memref<64xf32, #tpu.memory_space<hbm>>) target(%dma_start3A_312 : memref<64xf32, #tpu.memory_space<vmem>>) target_semaphore(%arg8 : memref<!tpu.dma_semaphore, #tpu.memory_space<semaphore_mem>>)
      %slice3A_316 = vector.extract_strided_slice %get3A_34 {offsets = [13], sizes = [1], strides = [1]} : vector<16xi32> to vector<1xi32>
      %squeeze3A_317 = vector.extract %slice3A_316[0] : i32 from vector<1xi32>
      %shift_right_arithmetic3A_318 = arith.constant 3 : i32
      %shift_right_arithmetic3A_319 = arith.shrsi %squeeze3A_317, %shift_right_arithmetic3A_318 : i32
      %and3A_320 = arith.constant 7 : i32
      %and3A_321 = arith.andi %squeeze3A_317, %and3A_320 : i32
      %mul3A_322 = arith.constant 16 : i32
      %mul3A_323 = arith.muli %scan3A_29, %mul3A_322 : i32
      %add3A_324 = arith.constant 13 : i32
      %add3A_325 = arith.addi %mul3A_323, %add3A_324 : i32
      %dma_start3A_326 = arith.constant 0 : i32
      %dma_start3A_327 = tpu.memref_slice %arg6[%add3A_325, %dma_start3A_326] : memref<256x64xf32, #tpu.memory_space<vmem>> -> memref<1x64xf32, #tpu.memory_space<vmem>>
      %dma_start3A_328 = tpu.memref_squeeze %dma_start3A_327 : memref<1x64xf32, #tpu.memory_space<vmem>> -> memref<64xf32, #tpu.memory_space<vmem>>
      %dma_start3A_329 = arith.constant 0 : i32
      %dma_start3A_330 = tpu.memref_slice %arg2[%shift_right_arithmetic3A_319, %and3A_321, %dma_start3A_329] : memref<12500x8x64xf32, #tpu.memory_space<hbm>> -> memref<1x1x64xf32, #tpu.memory_space<hbm>>
      %dma_start3A_331 = tpu.memref_squeeze %dma_start3A_330 : memref<1x1x64xf32, #tpu.memory_space<hbm>> -> memref<64xf32, #tpu.memory_space<hbm>>
      %dma_start3A_332 = arith.constant 0 : i32
      %dma_start3A_333 = tpu.memref_slice %arg6[%add3A_325, %dma_start3A_332] : memref<256x64xf32, #tpu.memory_space<vmem>> -> memref<1x64xf32, #tpu.memory_space<vmem>>
      %dma_start3A_334 = tpu.memref_squeeze %dma_start3A_333 : memref<1x64xf32, #tpu.memory_space<vmem>> -> memref<64xf32, #tpu.memory_space<vmem>>
      %dma_start3A_335 = arith.constant 0 : i32
      %dma_start3A_336 = tpu.memref_slice %arg2[%shift_right_arithmetic3A_319, %and3A_321, %dma_start3A_335] : memref<12500x8x64xf32, #tpu.memory_space<hbm>> -> memref<1x1x64xf32, #tpu.memory_space<hbm>>
      %dma_start3A_337 = tpu.memref_squeeze %dma_start3A_336 : memref<1x1x64xf32, #tpu.memory_space<hbm>> -> memref<64xf32, #tpu.memory_space<hbm>>
      tpu.enqueue_dma source(%dma_start3A_337 : memref<64xf32, #tpu.memory_space<hbm>>) target(%dma_start3A_334 : memref<64xf32, #tpu.memory_space<vmem>>) target_semaphore(%arg8 : memref<!tpu.dma_semaphore, #tpu.memory_space<semaphore_mem>>)
      %slice3A_338 = vector.extract_strided_slice %get3A_34 {offsets = [14], sizes = [1], strides = [1]} : vector<16xi32> to vector<1xi32>
      %squeeze3A_339 = vector.extract %slice3A_338[0] : i32 from vector<1xi32>
      %shift_right_arithmetic3A_340 = arith.constant 3 : i32
      %shift_right_arithmetic3A_341 = arith.shrsi %squeeze3A_339, %shift_right_arithmetic3A_340 : i32
      %and3A_342 = arith.constant 7 : i32
      %and3A_343 = arith.andi %squeeze3A_339, %and3A_342 : i32
      %mul3A_344 = arith.constant 16 : i32
      %mul3A_345 = arith.muli %scan3A_29, %mul3A_344 : i32
      %add3A_346 = arith.constant 14 : i32
      %add3A_347 = arith.addi %mul3A_345, %add3A_346 : i32
      %dma_start3A_348 = arith.constant 0 : i32
      %dma_start3A_349 = tpu.memref_slice %arg6[%add3A_347, %dma_start3A_348] : memref<256x64xf32, #tpu.memory_space<vmem>> -> memref<1x64xf32, #tpu.memory_space<vmem>>
      %dma_start3A_350 = tpu.memref_squeeze %dma_start3A_349 : memref<1x64xf32, #tpu.memory_space<vmem>> -> memref<64xf32, #tpu.memory_space<vmem>>
      %dma_start3A_351 = arith.constant 0 : i32
      %dma_start3A_352 = tpu.memref_slice %arg2[%shift_right_arithmetic3A_341, %and3A_343, %dma_start3A_351] : memref<12500x8x64xf32, #tpu.memory_space<hbm>> -> memref<1x1x64xf32, #tpu.memory_space<hbm>>
      %dma_start3A_353 = tpu.memref_squeeze %dma_start3A_352 : memref<1x1x64xf32, #tpu.memory_space<hbm>> -> memref<64xf32, #tpu.memory_space<hbm>>
      %dma_start3A_354 = arith.constant 0 : i32
      %dma_start3A_355 = tpu.memref_slice %arg6[%add3A_347, %dma_start3A_354] : memref<256x64xf32, #tpu.memory_space<vmem>> -> memref<1x64xf32, #tpu.memory_space<vmem>>
      %dma_start3A_356 = tpu.memref_squeeze %dma_start3A_355 : memref<1x64xf32, #tpu.memory_space<vmem>> -> memref<64xf32, #tpu.memory_space<vmem>>
      %dma_start3A_357 = arith.constant 0 : i32
      %dma_start3A_358 = tpu.memref_slice %arg2[%shift_right_arithmetic3A_341, %and3A_343, %dma_start3A_357] : memref<12500x8x64xf32, #tpu.memory_space<hbm>> -> memref<1x1x64xf32, #tpu.memory_space<hbm>>
      %dma_start3A_359 = tpu.memref_squeeze %dma_start3A_358 : memref<1x1x64xf32, #tpu.memory_space<hbm>> -> memref<64xf32, #tpu.memory_space<hbm>>
      tpu.enqueue_dma source(%dma_start3A_359 : memref<64xf32, #tpu.memory_space<hbm>>) target(%dma_start3A_356 : memref<64xf32, #tpu.memory_space<vmem>>) target_semaphore(%arg8 : memref<!tpu.dma_semaphore, #tpu.memory_space<semaphore_mem>>)
      %slice3A_360 = vector.extract_strided_slice %get3A_34 {offsets = [15], sizes = [1], strides = [1]} : vector<16xi32> to vector<1xi32>
      %squeeze3A_361 = vector.extract %slice3A_360[0] : i32 from vector<1xi32>
      %shift_right_arithmetic3A_362 = arith.constant 3 : i32
      %shift_right_arithmetic3A_363 = arith.shrsi %squeeze3A_361, %shift_right_arithmetic3A_362 : i32
      %and3A_364 = arith.constant 7 : i32
      %and3A_365 = arith.andi %squeeze3A_361, %and3A_364 : i32
      %mul3A_366 = arith.constant 16 : i32
      %mul3A_367 = arith.muli %scan3A_29, %mul3A_366 : i32
      %add3A_368 = arith.constant 15 : i32
      %add3A_369 = arith.addi %mul3A_367, %add3A_368 : i32
      %dma_start3A_370 = arith.constant 0 : i32
      %dma_start3A_371 = tpu.memref_slice %arg6[%add3A_369, %dma_start3A_370] : memref<256x64xf32, #tpu.memory_space<vmem>> -> memref<1x64xf32, #tpu.memory_space<vmem>>
      %dma_start3A_372 = tpu.memref_squeeze %dma_start3A_371 : memref<1x64xf32, #tpu.memory_space<vmem>> -> memref<64xf32, #tpu.memory_space<vmem>>
      %dma_start3A_373 = arith.constant 0 : i32
      %dma_start3A_374 = tpu.memref_slice %arg2[%shift_right_arithmetic3A_363, %and3A_365, %dma_start3A_373] : memref<12500x8x64xf32, #tpu.memory_space<hbm>> -> memref<1x1x64xf32, #tpu.memory_space<hbm>>
      %dma_start3A_375 = tpu.memref_squeeze %dma_start3A_374 : memref<1x1x64xf32, #tpu.memory_space<hbm>> -> memref<64xf32, #tpu.memory_space<hbm>>
      %dma_start3A_376 = arith.constant 0 : i32
      %dma_start3A_377 = tpu.memref_slice %arg6[%add3A_369, %dma_start3A_376] : memref<256x64xf32, #tpu.memory_space<vmem>> -> memref<1x64xf32, #tpu.memory_space<vmem>>
      %dma_start3A_378 = tpu.memref_squeeze %dma_start3A_377 : memref<1x64xf32, #tpu.memory_space<vmem>> -> memref<64xf32, #tpu.memory_space<vmem>>
      %dma_start3A_379 = arith.constant 0 : i32
      %dma_start3A_380 = tpu.memref_slice %arg2[%shift_right_arithmetic3A_363, %and3A_365, %dma_start3A_379] : memref<12500x8x64xf32, #tpu.memory_space<hbm>> -> memref<1x1x64xf32, #tpu.memory_space<hbm>>
      %dma_start3A_381 = tpu.memref_squeeze %dma_start3A_380 : memref<1x1x64xf32, #tpu.memory_space<hbm>> -> memref<64xf32, #tpu.memory_space<hbm>>
      tpu.enqueue_dma source(%dma_start3A_381 : memref<64xf32, #tpu.memory_space<hbm>>) target(%dma_start3A_378 : memref<64xf32, #tpu.memory_space<vmem>>) target_semaphore(%arg8 : memref<!tpu.dma_semaphore, #tpu.memory_space<semaphore_mem>>)
    }
    %scan3A_7 = arith.constant 16 : i32
    %scan3A_8 = arith.constant 0 : i32
    %scan3A_9 = arith.constant 0 : i32
    %scan3A_10 = arith.constant 16 : i32
    %scan3A_11 = arith.addi %scan3A_9, %scan3A_10 : i32
    %scan3A_12 = arith.constant 1 : i32
    scf.for %scan3A_29 = %scan3A_9 to %scan3A_11 step %scan3A_12  : i32 {
      %mul3A_30 = arith.constant 16 : i32
      %mul3A_31 = arith.muli %scan3A_29, %mul3A_30 : i32
      %add3A_32 = arith.constant 256 : i32
      %add3A_33 = arith.addi %add3A_32, %mul3A_31 : i32
      %get3A = arith.index_cast %add3A_33 : i32 to index
      %get3A_34 = tpu.vector_load %arg5[%get3A] {strides = array<i32>} : memref<512xi32, #tpu.memory_space<vmem>>, vector<16xi32>,
      %slice3A = vector.extract_strided_slice %get3A_34 {offsets = [0], sizes = [1], strides = [1]} : vector<16xi32> to vector<1xi32>
      %squeeze3A = vector.extract %slice3A[0] : i32 from vector<1xi32>
      %shift_right_arithmetic3A = arith.constant 3 : i32
      %shift_right_arithmetic3A_35 = arith.shrsi %squeeze3A, %shift_right_arithmetic3A : i32
      %and3A = arith.constant 7 : i32
      %and3A_36 = arith.andi %squeeze3A, %and3A : i32
      %mul3A_37 = arith.constant 16 : i32
      %mul3A_38 = arith.muli %scan3A_29, %mul3A_37 : i32
      %add3A_39 = arith.constant 0 : i32
      %add3A_40 = arith.addi %mul3A_38, %add3A_39 : i32
      %dma_start3A = arith.constant 0 : i32
      %dma_start3A_41 = tpu.memref_slice %arg7[%add3A_40, %dma_start3A] : memref<256x64xf32, #tpu.memory_space<vmem>> -> memref<1x64xf32, #tpu.memory_space<vmem>>
      %dma_start3A_42 = tpu.memref_squeeze %dma_start3A_41 : memref<1x64xf32, #tpu.memory_space<vmem>> -> memref<64xf32, #tpu.memory_space<vmem>>
      %dma_start3A_43 = arith.constant 0 : i32
      %dma_start3A_44 = tpu.memref_slice %arg2[%shift_right_arithmetic3A_35, %and3A_36, %dma_start3A_43] : memref<12500x8x64xf32, #tpu.memory_space<hbm>> -> memref<1x1x64xf32, #tpu.memory_space<hbm>>
      %dma_start3A_45 = tpu.memref_squeeze %dma_start3A_44 : memref<1x1x64xf32, #tpu.memory_space<hbm>> -> memref<64xf32, #tpu.memory_space<hbm>>
      %dma_start3A_46 = arith.constant 0 : i32
      %dma_start3A_47 = tpu.memref_slice %arg7[%add3A_40, %dma_start3A_46] : memref<256x64xf32, #tpu.memory_space<vmem>> -> memref<1x64xf32, #tpu.memory_space<vmem>>
      %dma_start3A_48 = tpu.memref_squeeze %dma_start3A_47 : memref<1x64xf32, #tpu.memory_space<vmem>> -> memref<64xf32, #tpu.memory_space<vmem>>
      %dma_start3A_49 = arith.constant 0 : i32
      %dma_start3A_50 = tpu.memref_slice %arg2[%shift_right_arithmetic3A_35, %and3A_36, %dma_start3A_49] : memref<12500x8x64xf32, #tpu.memory_space<hbm>> -> memref<1x1x64xf32, #tpu.memory_space<hbm>>
      %dma_start3A_51 = tpu.memref_squeeze %dma_start3A_50 : memref<1x1x64xf32, #tpu.memory_space<hbm>> -> memref<64xf32, #tpu.memory_space<hbm>>
      tpu.enqueue_dma source(%dma_start3A_51 : memref<64xf32, #tpu.memory_space<hbm>>) target(%dma_start3A_48 : memref<64xf32, #tpu.memory_space<vmem>>) target_semaphore(%arg9 : memref<!tpu.dma_semaphore, #tpu.memory_space<semaphore_mem>>)
      %slice3A_52 = vector.extract_strided_slice %get3A_34 {offsets = [1], sizes = [1], strides = [1]} : vector<16xi32> to vector<1xi32>
      %squeeze3A_53 = vector.extract %slice3A_52[0] : i32 from vector<1xi32>
      %shift_right_arithmetic3A_54 = arith.constant 3 : i32
      %shift_right_arithmetic3A_55 = arith.shrsi %squeeze3A_53, %shift_right_arithmetic3A_54 : i32
      %and3A_56 = arith.constant 7 : i32
      %and3A_57 = arith.andi %squeeze3A_53, %and3A_56 : i32
      %mul3A_58 = arith.constant 16 : i32
      %mul3A_59 = arith.muli %scan3A_29, %mul3A_58 : i32
      %add3A_60 = arith.constant 1 : i32
      %add3A_61 = arith.addi %mul3A_59, %add3A_60 : i32
      %dma_start3A_62 = arith.constant 0 : i32
      %dma_start3A_63 = tpu.memref_slice %arg7[%add3A_61, %dma_start3A_62] : memref<256x64xf32, #tpu.memory_space<vmem>> -> memref<1x64xf32, #tpu.memory_space<vmem>>
      %dma_start3A_64 = tpu.memref_squeeze %dma_start3A_63 : memref<1x64xf32, #tpu.memory_space<vmem>> -> memref<64xf32, #tpu.memory_space<vmem>>
      %dma_start3A_65 = arith.constant 0 : i32
      %dma_start3A_66 = tpu.memref_slice %arg2[%shift_right_arithmetic3A_55, %and3A_57, %dma_start3A_65] : memref<12500x8x64xf32, #tpu.memory_space<hbm>> -> memref<1x1x64xf32, #tpu.memory_space<hbm>>
      %dma_start3A_67 = tpu.memref_squeeze %dma_start3A_66 : memref<1x1x64xf32, #tpu.memory_space<hbm>> -> memref<64xf32, #tpu.memory_space<hbm>>
      %dma_start3A_68 = arith.constant 0 : i32
      %dma_start3A_69 = tpu.memref_slice %arg7[%add3A_61, %dma_start3A_68] : memref<256x64xf32, #tpu.memory_space<vmem>> -> memref<1x64xf32, #tpu.memory_space<vmem>>
      %dma_start3A_70 = tpu.memref_squeeze %dma_start3A_69 : memref<1x64xf32, #tpu.memory_space<vmem>> -> memref<64xf32, #tpu.memory_space<vmem>>
      %dma_start3A_71 = arith.constant 0 : i32
      %dma_start3A_72 = tpu.memref_slice %arg2[%shift_right_arithmetic3A_55, %and3A_57, %dma_start3A_71] : memref<12500x8x64xf32, #tpu.memory_space<hbm>> -> memref<1x1x64xf32, #tpu.memory_space<hbm>>
      %dma_start3A_73 = tpu.memref_squeeze %dma_start3A_72 : memref<1x1x64xf32, #tpu.memory_space<hbm>> -> memref<64xf32, #tpu.memory_space<hbm>>
      tpu.enqueue_dma source(%dma_start3A_73 : memref<64xf32, #tpu.memory_space<hbm>>) target(%dma_start3A_70 : memref<64xf32, #tpu.memory_space<vmem>>) target_semaphore(%arg9 : memref<!tpu.dma_semaphore, #tpu.memory_space<semaphore_mem>>)
      %slice3A_74 = vector.extract_strided_slice %get3A_34 {offsets = [2], sizes = [1], strides = [1]} : vector<16xi32> to vector<1xi32>
      %squeeze3A_75 = vector.extract %slice3A_74[0] : i32 from vector<1xi32>
      %shift_right_arithmetic3A_76 = arith.constant 3 : i32
      %shift_right_arithmetic3A_77 = arith.shrsi %squeeze3A_75, %shift_right_arithmetic3A_76 : i32
      %and3A_78 = arith.constant 7 : i32
      %and3A_79 = arith.andi %squeeze3A_75, %and3A_78 : i32
      %mul3A_80 = arith.constant 16 : i32
      %mul3A_81 = arith.muli %scan3A_29, %mul3A_80 : i32
      %add3A_82 = arith.constant 2 : i32
      %add3A_83 = arith.addi %mul3A_81, %add3A_82 : i32
      %dma_start3A_84 = arith.constant 0 : i32
      %dma_start3A_85 = tpu.memref_slice %arg7[%add3A_83, %dma_start3A_84] : memref<256x64xf32, #tpu.memory_space<vmem>> -> memref<1x64xf32, #tpu.memory_space<vmem>>
      %dma_start3A_86 = tpu.memref_squeeze %dma_start3A_85 : memref<1x64xf32, #tpu.memory_space<vmem>> -> memref<64xf32, #tpu.memory_space<vmem>>
      %dma_start3A_87 = arith.constant 0 : i32
      %dma_start3A_88 = tpu.memref_slice %arg2[%shift_right_arithmetic3A_77, %and3A_79, %dma_start3A_87] : memref<12500x8x64xf32, #tpu.memory_space<hbm>> -> memref<1x1x64xf32, #tpu.memory_space<hbm>>
      %dma_start3A_89 = tpu.memref_squeeze %dma_start3A_88 : memref<1x1x64xf32, #tpu.memory_space<hbm>> -> memref<64xf32, #tpu.memory_space<hbm>>
      %dma_start3A_90 = arith.constant 0 : i32
      %dma_start3A_91 = tpu.memref_slice %arg7[%add3A_83, %dma_start3A_90] : memref<256x64xf32, #tpu.memory_space<vmem>> -> memref<1x64xf32, #tpu.memory_space<vmem>>
      %dma_start3A_92 = tpu.memref_squeeze %dma_start3A_91 : memref<1x64xf32, #tpu.memory_space<vmem>> -> memref<64xf32, #tpu.memory_space<vmem>>
      %dma_start3A_93 = arith.constant 0 : i32
      %dma_start3A_94 = tpu.memref_slice %arg2[%shift_right_arithmetic3A_77, %and3A_79, %dma_start3A_93] : memref<12500x8x64xf32, #tpu.memory_space<hbm>> -> memref<1x1x64xf32, #tpu.memory_space<hbm>>
      %dma_start3A_95 = tpu.memref_squeeze %dma_start3A_94 : memref<1x1x64xf32, #tpu.memory_space<hbm>> -> memref<64xf32, #tpu.memory_space<hbm>>
      tpu.enqueue_dma source(%dma_start3A_95 : memref<64xf32, #tpu.memory_space<hbm>>) target(%dma_start3A_92 : memref<64xf32, #tpu.memory_space<vmem>>) target_semaphore(%arg9 : memref<!tpu.dma_semaphore, #tpu.memory_space<semaphore_mem>>)
      %slice3A_96 = vector.extract_strided_slice %get3A_34 {offsets = [3], sizes = [1], strides = [1]} : vector<16xi32> to vector<1xi32>
      %squeeze3A_97 = vector.extract %slice3A_96[0] : i32 from vector<1xi32>
      %shift_right_arithmetic3A_98 = arith.constant 3 : i32
      %shift_right_arithmetic3A_99 = arith.shrsi %squeeze3A_97, %shift_right_arithmetic3A_98 : i32
      %and3A_100 = arith.constant 7 : i32
      %and3A_101 = arith.andi %squeeze3A_97, %and3A_100 : i32
      %mul3A_102 = arith.constant 16 : i32
      %mul3A_103 = arith.muli %scan3A_29, %mul3A_102 : i32
      %add3A_104 = arith.constant 3 : i32
      %add3A_105 = arith.addi %mul3A_103, %add3A_104 : i32
      %dma_start3A_106 = arith.constant 0 : i32
      %dma_start3A_107 = tpu.memref_slice %arg7[%add3A_105, %dma_start3A_106] : memref<256x64xf32, #tpu.memory_space<vmem>> -> memref<1x64xf32, #tpu.memory_space<vmem>>
      %dma_start3A_108 = tpu.memref_squeeze %dma_start3A_107 : memref<1x64xf32, #tpu.memory_space<vmem>> -> memref<64xf32, #tpu.memory_space<vmem>>
      %dma_start3A_109 = arith.constant 0 : i32
      %dma_start3A_110 = tpu.memref_slice %arg2[%shift_right_arithmetic3A_99, %and3A_101, %dma_start3A_109] : memref<12500x8x64xf32, #tpu.memory_space<hbm>> -> memref<1x1x64xf32, #tpu.memory_space<hbm>>
      %dma_start3A_111 = tpu.memref_squeeze %dma_start3A_110 : memref<1x1x64xf32, #tpu.memory_space<hbm>> -> memref<64xf32, #tpu.memory_space<hbm>>
      %dma_start3A_112 = arith.constant 0 : i32
      %dma_start3A_113 = tpu.memref_slice %arg7[%add3A_105, %dma_start3A_112] : memref<256x64xf32, #tpu.memory_space<vmem>> -> memref<1x64xf32, #tpu.memory_space<vmem>>
      %dma_start3A_114 = tpu.memref_squeeze %dma_start3A_113 : memref<1x64xf32, #tpu.memory_space<vmem>> -> memref<64xf32, #tpu.memory_space<vmem>>
      %dma_start3A_115 = arith.constant 0 : i32
      %dma_start3A_116 = tpu.memref_slice %arg2[%shift_right_arithmetic3A_99, %and3A_101, %dma_start3A_115] : memref<12500x8x64xf32, #tpu.memory_space<hbm>> -> memref<1x1x64xf32, #tpu.memory_space<hbm>>
      %dma_start3A_117 = tpu.memref_squeeze %dma_start3A_116 : memref<1x1x64xf32, #tpu.memory_space<hbm>> -> memref<64xf32, #tpu.memory_space<hbm>>
      tpu.enqueue_dma source(%dma_start3A_117 : memref<64xf32, #tpu.memory_space<hbm>>) target(%dma_start3A_114 : memref<64xf32, #tpu.memory_space<vmem>>) target_semaphore(%arg9 : memref<!tpu.dma_semaphore, #tpu.memory_space<semaphore_mem>>)
      %slice3A_118 = vector.extract_strided_slice %get3A_34 {offsets = [4], sizes = [1], strides = [1]} : vector<16xi32> to vector<1xi32>
      %squeeze3A_119 = vector.extract %slice3A_118[0] : i32 from vector<1xi32>
      %shift_right_arithmetic3A_120 = arith.constant 3 : i32
      %shift_right_arithmetic3A_121 = arith.shrsi %squeeze3A_119, %shift_right_arithmetic3A_120 : i32
      %and3A_122 = arith.constant 7 : i32
      %and3A_123 = arith.andi %squeeze3A_119, %and3A_122 : i32
      %mul3A_124 = arith.constant 16 : i32
      %mul3A_125 = arith.muli %scan3A_29, %mul3A_124 : i32
      %add3A_126 = arith.constant 4 : i32
      %add3A_127 = arith.addi %mul3A_125, %add3A_126 : i32
      %dma_start3A_128 = arith.constant 0 : i32
      %dma_start3A_129 = tpu.memref_slice %arg7[%add3A_127, %dma_start3A_128] : memref<256x64xf32, #tpu.memory_space<vmem>> -> memref<1x64xf32, #tpu.memory_space<vmem>>
      %dma_start3A_130 = tpu.memref_squeeze %dma_start3A_129 : memref<1x64xf32, #tpu.memory_space<vmem>> -> memref<64xf32, #tpu.memory_space<vmem>>
      %dma_start3A_131 = arith.constant 0 : i32
      %dma_start3A_132 = tpu.memref_slice %arg2[%shift_right_arithmetic3A_121, %and3A_123, %dma_start3A_131] : memref<12500x8x64xf32, #tpu.memory_space<hbm>> -> memref<1x1x64xf32, #tpu.memory_space<hbm>>
      %dma_start3A_133 = tpu.memref_squeeze %dma_start3A_132 : memref<1x1x64xf32, #tpu.memory_space<hbm>> -> memref<64xf32, #tpu.memory_space<hbm>>
      %dma_start3A_134 = arith.constant 0 : i32
      %dma_start3A_135 = tpu.memref_slice %arg7[%add3A_127, %dma_start3A_134] : memref<256x64xf32, #tpu.memory_space<vmem>> -> memref<1x64xf32, #tpu.memory_space<vmem>>
      %dma_start3A_136 = tpu.memref_squeeze %dma_start3A_135 : memref<1x64xf32, #tpu.memory_space<vmem>> -> memref<64xf32, #tpu.memory_space<vmem>>
      %dma_start3A_137 = arith.constant 0 : i32
      %dma_start3A_138 = tpu.memref_slice %arg2[%shift_right_arithmetic3A_121, %and3A_123, %dma_start3A_137] : memref<12500x8x64xf32, #tpu.memory_space<hbm>> -> memref<1x1x64xf32, #tpu.memory_space<hbm>>
      %dma_start3A_139 = tpu.memref_squeeze %dma_start3A_138 : memref<1x1x64xf32, #tpu.memory_space<hbm>> -> memref<64xf32, #tpu.memory_space<hbm>>
      tpu.enqueue_dma source(%dma_start3A_139 : memref<64xf32, #tpu.memory_space<hbm>>) target(%dma_start3A_136 : memref<64xf32, #tpu.memory_space<vmem>>) target_semaphore(%arg9 : memref<!tpu.dma_semaphore, #tpu.memory_space<semaphore_mem>>)
      %slice3A_140 = vector.extract_strided_slice %get3A_34 {offsets = [5], sizes = [1], strides = [1]} : vector<16xi32> to vector<1xi32>
      %squeeze3A_141 = vector.extract %slice3A_140[0] : i32 from vector<1xi32>
      %shift_right_arithmetic3A_142 = arith.constant 3 : i32
      %shift_right_arithmetic3A_143 = arith.shrsi %squeeze3A_141, %shift_right_arithmetic3A_142 : i32
      %and3A_144 = arith.constant 7 : i32
      %and3A_145 = arith.andi %squeeze3A_141, %and3A_144 : i32
      %mul3A_146 = arith.constant 16 : i32
      %mul3A_147 = arith.muli %scan3A_29, %mul3A_146 : i32
      %add3A_148 = arith.constant 5 : i32
      %add3A_149 = arith.addi %mul3A_147, %add3A_148 : i32
      %dma_start3A_150 = arith.constant 0 : i32
      %dma_start3A_151 = tpu.memref_slice %arg7[%add3A_149, %dma_start3A_150] : memref<256x64xf32, #tpu.memory_space<vmem>> -> memref<1x64xf32, #tpu.memory_space<vmem>>
      %dma_start3A_152 = tpu.memref_squeeze %dma_start3A_151 : memref<1x64xf32, #tpu.memory_space<vmem>> -> memref<64xf32, #tpu.memory_space<vmem>>
      %dma_start3A_153 = arith.constant 0 : i32
      %dma_start3A_154 = tpu.memref_slice %arg2[%shift_right_arithmetic3A_143, %and3A_145, %dma_start3A_153] : memref<12500x8x64xf32, #tpu.memory_space<hbm>> -> memref<1x1x64xf32, #tpu.memory_space<hbm>>
      %dma_start3A_155 = tpu.memref_squeeze %dma_start3A_154 : memref<1x1x64xf32, #tpu.memory_space<hbm>> -> memref<64xf32, #tpu.memory_space<hbm>>
      %dma_start3A_156 = arith.constant 0 : i32
      %dma_start3A_157 = tpu.memref_slice %arg7[%add3A_149, %dma_start3A_156] : memref<256x64xf32, #tpu.memory_space<vmem>> -> memref<1x64xf32, #tpu.memory_space<vmem>>
      %dma_start3A_158 = tpu.memref_squeeze %dma_start3A_157 : memref<1x64xf32, #tpu.memory_space<vmem>> -> memref<64xf32, #tpu.memory_space<vmem>>
      %dma_start3A_159 = arith.constant 0 : i32
      %dma_start3A_160 = tpu.memref_slice %arg2[%shift_right_arithmetic3A_143, %and3A_145, %dma_start3A_159] : memref<12500x8x64xf32, #tpu.memory_space<hbm>> -> memref<1x1x64xf32, #tpu.memory_space<hbm>>
      %dma_start3A_161 = tpu.memref_squeeze %dma_start3A_160 : memref<1x1x64xf32, #tpu.memory_space<hbm>> -> memref<64xf32, #tpu.memory_space<hbm>>
      tpu.enqueue_dma source(%dma_start3A_161 : memref<64xf32, #tpu.memory_space<hbm>>) target(%dma_start3A_158 : memref<64xf32, #tpu.memory_space<vmem>>) target_semaphore(%arg9 : memref<!tpu.dma_semaphore, #tpu.memory_space<semaphore_mem>>)
      %slice3A_162 = vector.extract_strided_slice %get3A_34 {offsets = [6], sizes = [1], strides = [1]} : vector<16xi32> to vector<1xi32>
      %squeeze3A_163 = vector.extract %slice3A_162[0] : i32 from vector<1xi32>
      %shift_right_arithmetic3A_164 = arith.constant 3 : i32
      %shift_right_arithmetic3A_165 = arith.shrsi %squeeze3A_163, %shift_right_arithmetic3A_164 : i32
      %and3A_166 = arith.constant 7 : i32
      %and3A_167 = arith.andi %squeeze3A_163, %and3A_166 : i32
      %mul3A_168 = arith.constant 16 : i32
      %mul3A_169 = arith.muli %scan3A_29, %mul3A_168 : i32
      %add3A_170 = arith.constant 6 : i32
      %add3A_171 = arith.addi %mul3A_169, %add3A_170 : i32
      %dma_start3A_172 = arith.constant 0 : i32
      %dma_start3A_173 = tpu.memref_slice %arg7[%add3A_171, %dma_start3A_172] : memref<256x64xf32, #tpu.memory_space<vmem>> -> memref<1x64xf32, #tpu.memory_space<vmem>>
      %dma_start3A_174 = tpu.memref_squeeze %dma_start3A_173 : memref<1x64xf32, #tpu.memory_space<vmem>> -> memref<64xf32, #tpu.memory_space<vmem>>
      %dma_start3A_175 = arith.constant 0 : i32
      %dma_start3A_176 = tpu.memref_slice %arg2[%shift_right_arithmetic3A_165, %and3A_167, %dma_start3A_175] : memref<12500x8x64xf32, #tpu.memory_space<hbm>> -> memref<1x1x64xf32, #tpu.memory_space<hbm>>
      %dma_start3A_177 = tpu.memref_squeeze %dma_start3A_176 : memref<1x1x64xf32, #tpu.memory_space<hbm>> -> memref<64xf32, #tpu.memory_space<hbm>>
      %dma_start3A_178 = arith.constant 0 : i32
      %dma_start3A_179 = tpu.memref_slice %arg7[%add3A_171, %dma_start3A_178] : memref<256x64xf32, #tpu.memory_space<vmem>> -> memref<1x64xf32, #tpu.memory_space<vmem>>
      %dma_start3A_180 = tpu.memref_squeeze %dma_start3A_179 : memref<1x64xf32, #tpu.memory_space<vmem>> -> memref<64xf32, #tpu.memory_space<vmem>>
      %dma_start3A_181 = arith.constant 0 : i32
      %dma_start3A_182 = tpu.memref_slice %arg2[%shift_right_arithmetic3A_165, %and3A_167, %dma_start3A_181] : memref<12500x8x64xf32, #tpu.memory_space<hbm>> -> memref<1x1x64xf32, #tpu.memory_space<hbm>>
      %dma_start3A_183 = tpu.memref_squeeze %dma_start3A_182 : memref<1x1x64xf32, #tpu.memory_space<hbm>> -> memref<64xf32, #tpu.memory_space<hbm>>
      tpu.enqueue_dma source(%dma_start3A_183 : memref<64xf32, #tpu.memory_space<hbm>>) target(%dma_start3A_180 : memref<64xf32, #tpu.memory_space<vmem>>) target_semaphore(%arg9 : memref<!tpu.dma_semaphore, #tpu.memory_space<semaphore_mem>>)
      %slice3A_184 = vector.extract_strided_slice %get3A_34 {offsets = [7], sizes = [1], strides = [1]} : vector<16xi32> to vector<1xi32>
      %squeeze3A_185 = vector.extract %slice3A_184[0] : i32 from vector<1xi32>
      %shift_right_arithmetic3A_186 = arith.constant 3 : i32
      %shift_right_arithmetic3A_187 = arith.shrsi %squeeze3A_185, %shift_right_arithmetic3A_186 : i32
      %and3A_188 = arith.constant 7 : i32
      %and3A_189 = arith.andi %squeeze3A_185, %and3A_188 : i32
      %mul3A_190 = arith.constant 16 : i32
      %mul3A_191 = arith.muli %scan3A_29, %mul3A_190 : i32
      %add3A_192 = arith.constant 7 : i32
      %add3A_193 = arith.addi %mul3A_191, %add3A_192 : i32
      %dma_start3A_194 = arith.constant 0 : i32
      %dma_start3A_195 = tpu.memref_slice %arg7[%add3A_193, %dma_start3A_194] : memref<256x64xf32, #tpu.memory_space<vmem>> -> memref<1x64xf32, #tpu.memory_space<vmem>>
      %dma_start3A_196 = tpu.memref_squeeze %dma_start3A_195 : memref<1x64xf32, #tpu.memory_space<vmem>> -> memref<64xf32, #tpu.memory_space<vmem>>
      %dma_start3A_197 = arith.constant 0 : i32
      %dma_start3A_198 = tpu.memref_slice %arg2[%shift_right_arithmetic3A_187, %and3A_189, %dma_start3A_197] : memref<12500x8x64xf32, #tpu.memory_space<hbm>> -> memref<1x1x64xf32, #tpu.memory_space<hbm>>
      %dma_start3A_199 = tpu.memref_squeeze %dma_start3A_198 : memref<1x1x64xf32, #tpu.memory_space<hbm>> -> memref<64xf32, #tpu.memory_space<hbm>>
      %dma_start3A_200 = arith.constant 0 : i32
      %dma_start3A_201 = tpu.memref_slice %arg7[%add3A_193, %dma_start3A_200] : memref<256x64xf32, #tpu.memory_space<vmem>> -> memref<1x64xf32, #tpu.memory_space<vmem>>
      %dma_start3A_202 = tpu.memref_squeeze %dma_start3A_201 : memref<1x64xf32, #tpu.memory_space<vmem>> -> memref<64xf32, #tpu.memory_space<vmem>>
      %dma_start3A_203 = arith.constant 0 : i32
      %dma_start3A_204 = tpu.memref_slice %arg2[%shift_right_arithmetic3A_187, %and3A_189, %dma_start3A_203] : memref<12500x8x64xf32, #tpu.memory_space<hbm>> -> memref<1x1x64xf32, #tpu.memory_space<hbm>>
      %dma_start3A_205 = tpu.memref_squeeze %dma_start3A_204 : memref<1x1x64xf32, #tpu.memory_space<hbm>> -> memref<64xf32, #tpu.memory_space<hbm>>
      tpu.enqueue_dma source(%dma_start3A_205 : memref<64xf32, #tpu.memory_space<hbm>>) target(%dma_start3A_202 : memref<64xf32, #tpu.memory_space<vmem>>) target_semaphore(%arg9 : memref<!tpu.dma_semaphore, #tpu.memory_space<semaphore_mem>>)
      %slice3A_206 = vector.extract_strided_slice %get3A_34 {offsets = [8], sizes = [1], strides = [1]} : vector<16xi32> to vector<1xi32>
      %squeeze3A_207 = vector.extract %slice3A_206[0] : i32 from vector<1xi32>
      %shift_right_arithmetic3A_208 = arith.constant 3 : i32
      %shift_right_arithmetic3A_209 = arith.shrsi %squeeze3A_207, %shift_right_arithmetic3A_208 : i32
      %and3A_210 = arith.constant 7 : i32
      %and3A_211 = arith.andi %squeeze3A_207, %and3A_210 : i32
      %mul3A_212 = arith.constant 16 : i32
      %mul3A_213 = arith.muli %scan3A_29, %mul3A_212 : i32
      %add3A_214 = arith.constant 8 : i32
      %add3A_215 = arith.addi %mul3A_213, %add3A_214 : i32
      %dma_start3A_216 = arith.constant 0 : i32
      %dma_start3A_217 = tpu.memref_slice %arg7[%add3A_215, %dma_start3A_216] : memref<256x64xf32, #tpu.memory_space<vmem>> -> memref<1x64xf32, #tpu.memory_space<vmem>>
      %dma_start3A_218 = tpu.memref_squeeze %dma_start3A_217 : memref<1x64xf32, #tpu.memory_space<vmem>> -> memref<64xf32, #tpu.memory_space<vmem>>
      %dma_start3A_219 = arith.constant 0 : i32
      %dma_start3A_220 = tpu.memref_slice %arg2[%shift_right_arithmetic3A_209, %and3A_211, %dma_start3A_219] : memref<12500x8x64xf32, #tpu.memory_space<hbm>> -> memref<1x1x64xf32, #tpu.memory_space<hbm>>
      %dma_start3A_221 = tpu.memref_squeeze %dma_start3A_220 : memref<1x1x64xf32, #tpu.memory_space<hbm>> -> memref<64xf32, #tpu.memory_space<hbm>>
      %dma_start3A_222 = arith.constant 0 : i32
      %dma_start3A_223 = tpu.memref_slice %arg7[%add3A_215, %dma_start3A_222] : memref<256x64xf32, #tpu.memory_space<vmem>> -> memref<1x64xf32, #tpu.memory_space<vmem>>
      %dma_start3A_224 = tpu.memref_squeeze %dma_start3A_223 : memref<1x64xf32, #tpu.memory_space<vmem>> -> memref<64xf32, #tpu.memory_space<vmem>>
      %dma_start3A_225 = arith.constant 0 : i32
      %dma_start3A_226 = tpu.memref_slice %arg2[%shift_right_arithmetic3A_209, %and3A_211, %dma_start3A_225] : memref<12500x8x64xf32, #tpu.memory_space<hbm>> -> memref<1x1x64xf32, #tpu.memory_space<hbm>>
      %dma_start3A_227 = tpu.memref_squeeze %dma_start3A_226 : memref<1x1x64xf32, #tpu.memory_space<hbm>> -> memref<64xf32, #tpu.memory_space<hbm>>
      tpu.enqueue_dma source(%dma_start3A_227 : memref<64xf32, #tpu.memory_space<hbm>>) target(%dma_start3A_224 : memref<64xf32, #tpu.memory_space<vmem>>) target_semaphore(%arg9 : memref<!tpu.dma_semaphore, #tpu.memory_space<semaphore_mem>>)
      %slice3A_228 = vector.extract_strided_slice %get3A_34 {offsets = [9], sizes = [1], strides = [1]} : vector<16xi32> to vector<1xi32>
      %squeeze3A_229 = vector.extract %slice3A_228[0] : i32 from vector<1xi32>
      %shift_right_arithmetic3A_230 = arith.constant 3 : i32
      %shift_right_arithmetic3A_231 = arith.shrsi %squeeze3A_229, %shift_right_arithmetic3A_230 : i32
      %and3A_232 = arith.constant 7 : i32
      %and3A_233 = arith.andi %squeeze3A_229, %and3A_232 : i32
      %mul3A_234 = arith.constant 16 : i32
      %mul3A_235 = arith.muli %scan3A_29, %mul3A_234 : i32
      %add3A_236 = arith.constant 9 : i32
      %add3A_237 = arith.addi %mul3A_235, %add3A_236 : i32
      %dma_start3A_238 = arith.constant 0 : i32
      %dma_start3A_239 = tpu.memref_slice %arg7[%add3A_237, %dma_start3A_238] : memref<256x64xf32, #tpu.memory_space<vmem>> -> memref<1x64xf32, #tpu.memory_space<vmem>>
      %dma_start3A_240 = tpu.memref_squeeze %dma_start3A_239 : memref<1x64xf32, #tpu.memory_space<vmem>> -> memref<64xf32, #tpu.memory_space<vmem>>
      %dma_start3A_241 = arith.constant 0 : i32
      %dma_start3A_242 = tpu.memref_slice %arg2[%shift_right_arithmetic3A_231, %and3A_233, %dma_start3A_241] : memref<12500x8x64xf32, #tpu.memory_space<hbm>> -> memref<1x1x64xf32, #tpu.memory_space<hbm>>
      %dma_start3A_243 = tpu.memref_squeeze %dma_start3A_242 : memref<1x1x64xf32, #tpu.memory_space<hbm>> -> memref<64xf32, #tpu.memory_space<hbm>>
      %dma_start3A_244 = arith.constant 0 : i32
      %dma_start3A_245 = tpu.memref_slice %arg7[%add3A_237, %dma_start3A_244] : memref<256x64xf32, #tpu.memory_space<vmem>> -> memref<1x64xf32, #tpu.memory_space<vmem>>
      %dma_start3A_246 = tpu.memref_squeeze %dma_start3A_245 : memref<1x64xf32, #tpu.memory_space<vmem>> -> memref<64xf32, #tpu.memory_space<vmem>>
      %dma_start3A_247 = arith.constant 0 : i32
      %dma_start3A_248 = tpu.memref_slice %arg2[%shift_right_arithmetic3A_231, %and3A_233, %dma_start3A_247] : memref<12500x8x64xf32, #tpu.memory_space<hbm>> -> memref<1x1x64xf32, #tpu.memory_space<hbm>>
      %dma_start3A_249 = tpu.memref_squeeze %dma_start3A_248 : memref<1x1x64xf32, #tpu.memory_space<hbm>> -> memref<64xf32, #tpu.memory_space<hbm>>
      tpu.enqueue_dma source(%dma_start3A_249 : memref<64xf32, #tpu.memory_space<hbm>>) target(%dma_start3A_246 : memref<64xf32, #tpu.memory_space<vmem>>) target_semaphore(%arg9 : memref<!tpu.dma_semaphore, #tpu.memory_space<semaphore_mem>>)
      %slice3A_250 = vector.extract_strided_slice %get3A_34 {offsets = [10], sizes = [1], strides = [1]} : vector<16xi32> to vector<1xi32>
      %squeeze3A_251 = vector.extract %slice3A_250[0] : i32 from vector<1xi32>
      %shift_right_arithmetic3A_252 = arith.constant 3 : i32
      %shift_right_arithmetic3A_253 = arith.shrsi %squeeze3A_251, %shift_right_arithmetic3A_252 : i32
      %and3A_254 = arith.constant 7 : i32
      %and3A_255 = arith.andi %squeeze3A_251, %and3A_254 : i32
      %mul3A_256 = arith.constant 16 : i32
      %mul3A_257 = arith.muli %scan3A_29, %mul3A_256 : i32
      %add3A_258 = arith.constant 10 : i32
      %add3A_259 = arith.addi %mul3A_257, %add3A_258 : i32
      %dma_start3A_260 = arith.constant 0 : i32
      %dma_start3A_261 = tpu.memref_slice %arg7[%add3A_259, %dma_start3A_260] : memref<256x64xf32, #tpu.memory_space<vmem>> -> memref<1x64xf32, #tpu.memory_space<vmem>>
      %dma_start3A_262 = tpu.memref_squeeze %dma_start3A_261 : memref<1x64xf32, #tpu.memory_space<vmem>> -> memref<64xf32, #tpu.memory_space<vmem>>
      %dma_start3A_263 = arith.constant 0 : i32
      %dma_start3A_264 = tpu.memref_slice %arg2[%shift_right_arithmetic3A_253, %and3A_255, %dma_start3A_263] : memref<12500x8x64xf32, #tpu.memory_space<hbm>> -> memref<1x1x64xf32, #tpu.memory_space<hbm>>
      %dma_start3A_265 = tpu.memref_squeeze %dma_start3A_264 : memref<1x1x64xf32, #tpu.memory_space<hbm>> -> memref<64xf32, #tpu.memory_space<hbm>>
      %dma_start3A_266 = arith.constant 0 : i32
      %dma_start3A_267 = tpu.memref_slice %arg7[%add3A_259, %dma_start3A_266] : memref<256x64xf32, #tpu.memory_space<vmem>> -> memref<1x64xf32, #tpu.memory_space<vmem>>
      %dma_start3A_268 = tpu.memref_squeeze %dma_start3A_267 : memref<1x64xf32, #tpu.memory_space<vmem>> -> memref<64xf32, #tpu.memory_space<vmem>>
      %dma_start3A_269 = arith.constant 0 : i32
      %dma_start3A_270 = tpu.memref_slice %arg2[%shift_right_arithmetic3A_253, %and3A_255, %dma_start3A_269] : memref<12500x8x64xf32, #tpu.memory_space<hbm>> -> memref<1x1x64xf32, #tpu.memory_space<hbm>>
      %dma_start3A_271 = tpu.memref_squeeze %dma_start3A_270 : memref<1x1x64xf32, #tpu.memory_space<hbm>> -> memref<64xf32, #tpu.memory_space<hbm>>
      tpu.enqueue_dma source(%dma_start3A_271 : memref<64xf32, #tpu.memory_space<hbm>>) target(%dma_start3A_268 : memref<64xf32, #tpu.memory_space<vmem>>) target_semaphore(%arg9 : memref<!tpu.dma_semaphore, #tpu.memory_space<semaphore_mem>>)
      %slice3A_272 = vector.extract_strided_slice %get3A_34 {offsets = [11], sizes = [1], strides = [1]} : vector<16xi32> to vector<1xi32>
      %squeeze3A_273 = vector.extract %slice3A_272[0] : i32 from vector<1xi32>
      %shift_right_arithmetic3A_274 = arith.constant 3 : i32
      %shift_right_arithmetic3A_275 = arith.shrsi %squeeze3A_273, %shift_right_arithmetic3A_274 : i32
      %and3A_276 = arith.constant 7 : i32
      %and3A_277 = arith.andi %squeeze3A_273, %and3A_276 : i32
      %mul3A_278 = arith.constant 16 : i32
      %mul3A_279 = arith.muli %scan3A_29, %mul3A_278 : i32
      %add3A_280 = arith.constant 11 : i32
      %add3A_281 = arith.addi %mul3A_279, %add3A_280 : i32
      %dma_start3A_282 = arith.constant 0 : i32
      %dma_start3A_283 = tpu.memref_slice %arg7[%add3A_281, %dma_start3A_282] : memref<256x64xf32, #tpu.memory_space<vmem>> -> memref<1x64xf32, #tpu.memory_space<vmem>>
      %dma_start3A_284 = tpu.memref_squeeze %dma_start3A_283 : memref<1x64xf32, #tpu.memory_space<vmem>> -> memref<64xf32, #tpu.memory_space<vmem>>
      %dma_start3A_285 = arith.constant 0 : i32
      %dma_start3A_286 = tpu.memref_slice %arg2[%shift_right_arithmetic3A_275, %and3A_277, %dma_start3A_285] : memref<12500x8x64xf32, #tpu.memory_space<hbm>> -> memref<1x1x64xf32, #tpu.memory_space<hbm>>
      %dma_start3A_287 = tpu.memref_squeeze %dma_start3A_286 : memref<1x1x64xf32, #tpu.memory_space<hbm>> -> memref<64xf32, #tpu.memory_space<hbm>>
      %dma_start3A_288 = arith.constant 0 : i32
      %dma_start3A_289 = tpu.memref_slice %arg7[%add3A_281, %dma_start3A_288] : memref<256x64xf32, #tpu.memory_space<vmem>> -> memref<1x64xf32, #tpu.memory_space<vmem>>
      %dma_start3A_290 = tpu.memref_squeeze %dma_start3A_289 : memref<1x64xf32, #tpu.memory_space<vmem>> -> memref<64xf32, #tpu.memory_space<vmem>>
      %dma_start3A_291 = arith.constant 0 : i32
      %dma_start3A_292 = tpu.memref_slice %arg2[%shift_right_arithmetic3A_275, %and3A_277, %dma_start3A_291] : memref<12500x8x64xf32, #tpu.memory_space<hbm>> -> memref<1x1x64xf32, #tpu.memory_space<hbm>>
      %dma_start3A_293 = tpu.memref_squeeze %dma_start3A_292 : memref<1x1x64xf32, #tpu.memory_space<hbm>> -> memref<64xf32, #tpu.memory_space<hbm>>
      tpu.enqueue_dma source(%dma_start3A_293 : memref<64xf32, #tpu.memory_space<hbm>>) target(%dma_start3A_290 : memref<64xf32, #tpu.memory_space<vmem>>) target_semaphore(%arg9 : memref<!tpu.dma_semaphore, #tpu.memory_space<semaphore_mem>>)
      %slice3A_294 = vector.extract_strided_slice %get3A_34 {offsets = [12], sizes = [1], strides = [1]} : vector<16xi32> to vector<1xi32>
      %squeeze3A_295 = vector.extract %slice3A_294[0] : i32 from vector<1xi32>
      %shift_right_arithmetic3A_296 = arith.constant 3 : i32
      %shift_right_arithmetic3A_297 = arith.shrsi %squeeze3A_295, %shift_right_arithmetic3A_296 : i32
      %and3A_298 = arith.constant 7 : i32
      %and3A_299 = arith.andi %squeeze3A_295, %and3A_298 : i32
      %mul3A_300 = arith.constant 16 : i32
      %mul3A_301 = arith.muli %scan3A_29, %mul3A_300 : i32
      %add3A_302 = arith.constant 12 : i32
      %add3A_303 = arith.addi %mul3A_301, %add3A_302 : i32
      %dma_start3A_304 = arith.constant 0 : i32
      %dma_start3A_305 = tpu.memref_slice %arg7[%add3A_303, %dma_start3A_304] : memref<256x64xf32, #tpu.memory_space<vmem>> -> memref<1x64xf32, #tpu.memory_space<vmem>>
      %dma_start3A_306 = tpu.memref_squeeze %dma_start3A_305 : memref<1x64xf32, #tpu.memory_space<vmem>> -> memref<64xf32, #tpu.memory_space<vmem>>
      %dma_start3A_307 = arith.constant 0 : i32
      %dma_start3A_308 = tpu.memref_slice %arg2[%shift_right_arithmetic3A_297, %and3A_299, %dma_start3A_307] : memref<12500x8x64xf32, #tpu.memory_space<hbm>> -> memref<1x1x64xf32, #tpu.memory_space<hbm>>
      %dma_start3A_309 = tpu.memref_squeeze %dma_start3A_308 : memref<1x1x64xf32, #tpu.memory_space<hbm>> -> memref<64xf32, #tpu.memory_space<hbm>>
      %dma_start3A_310 = arith.constant 0 : i32
      %dma_start3A_311 = tpu.memref_slice %arg7[%add3A_303, %dma_start3A_310] : memref<256x64xf32, #tpu.memory_space<vmem>> -> memref<1x64xf32, #tpu.memory_space<vmem>>
      %dma_start3A_312 = tpu.memref_squeeze %dma_start3A_311 : memref<1x64xf32, #tpu.memory_space<vmem>> -> memref<64xf32, #tpu.memory_space<vmem>>
      %dma_start3A_313 = arith.constant 0 : i32
      %dma_start3A_314 = tpu.memref_slice %arg2[%shift_right_arithmetic3A_297, %and3A_299, %dma_start3A_313] : memref<12500x8x64xf32, #tpu.memory_space<hbm>> -> memref<1x1x64xf32, #tpu.memory_space<hbm>>
      %dma_start3A_315 = tpu.memref_squeeze %dma_start3A_314 : memref<1x1x64xf32, #tpu.memory_space<hbm>> -> memref<64xf32, #tpu.memory_space<hbm>>
      tpu.enqueue_dma source(%dma_start3A_315 : memref<64xf32, #tpu.memory_space<hbm>>) target(%dma_start3A_312 : memref<64xf32, #tpu.memory_space<vmem>>) target_semaphore(%arg9 : memref<!tpu.dma_semaphore, #tpu.memory_space<semaphore_mem>>)
      %slice3A_316 = vector.extract_strided_slice %get3A_34 {offsets = [13], sizes = [1], strides = [1]} : vector<16xi32> to vector<1xi32>
      %squeeze3A_317 = vector.extract %slice3A_316[0] : i32 from vector<1xi32>
      %shift_right_arithmetic3A_318 = arith.constant 3 : i32
      %shift_right_arithmetic3A_319 = arith.shrsi %squeeze3A_317, %shift_right_arithmetic3A_318 : i32
      %and3A_320 = arith.constant 7 : i32
      %and3A_321 = arith.andi %squeeze3A_317, %and3A_320 : i32
      %mul3A_322 = arith.constant 16 : i32
      %mul3A_323 = arith.muli %scan3A_29, %mul3A_322 : i32
      %add3A_324 = arith.constant 13 : i32
      %add3A_325 = arith.addi %mul3A_323, %add3A_324 : i32
      %dma_start3A_326 = arith.constant 0 : i32
      %dma_start3A_327 = tpu.memref_slice %arg7[%add3A_325, %dma_start3A_326] : memref<256x64xf32, #tpu.memory_space<vmem>> -> memref<1x64xf32, #tpu.memory_space<vmem>>
      %dma_start3A_328 = tpu.memref_squeeze %dma_start3A_327 : memref<1x64xf32, #tpu.memory_space<vmem>> -> memref<64xf32, #tpu.memory_space<vmem>>
      %dma_start3A_329 = arith.constant 0 : i32
      %dma_start3A_330 = tpu.memref_slice %arg2[%shift_right_arithmetic3A_319, %and3A_321, %dma_start3A_329] : memref<12500x8x64xf32, #tpu.memory_space<hbm>> -> memref<1x1x64xf32, #tpu.memory_space<hbm>>
      %dma_start3A_331 = tpu.memref_squeeze %dma_start3A_330 : memref<1x1x64xf32, #tpu.memory_space<hbm>> -> memref<64xf32, #tpu.memory_space<hbm>>
      %dma_start3A_332 = arith.constant 0 : i32
      %dma_start3A_333 = tpu.memref_slice %arg7[%add3A_325, %dma_start3A_332] : memref<256x64xf32, #tpu.memory_space<vmem>> -> memref<1x64xf32, #tpu.memory_space<vmem>>
      %dma_start3A_334 = tpu.memref_squeeze %dma_start3A_333 : memref<1x64xf32, #tpu.memory_space<vmem>> -> memref<64xf32, #tpu.memory_space<vmem>>
      %dma_start3A_335 = arith.constant 0 : i32
      %dma_start3A_336 = tpu.memref_slice %arg2[%shift_right_arithmetic3A_319, %and3A_321, %dma_start3A_335] : memref<12500x8x64xf32, #tpu.memory_space<hbm>> -> memref<1x1x64xf32, #tpu.memory_space<hbm>>
      %dma_start3A_337 = tpu.memref_squeeze %dma_start3A_336 : memref<1x1x64xf32, #tpu.memory_space<hbm>> -> memref<64xf32, #tpu.memory_space<hbm>>
      tpu.enqueue_dma source(%dma_start3A_337 : memref<64xf32, #tpu.memory_space<hbm>>) target(%dma_start3A_334 : memref<64xf32, #tpu.memory_space<vmem>>) target_semaphore(%arg9 : memref<!tpu.dma_semaphore, #tpu.memory_space<semaphore_mem>>)
      %slice3A_338 = vector.extract_strided_slice %get3A_34 {offsets = [14], sizes = [1], strides = [1]} : vector<16xi32> to vector<1xi32>
      %squeeze3A_339 = vector.extract %slice3A_338[0] : i32 from vector<1xi32>
      %shift_right_arithmetic3A_340 = arith.constant 3 : i32
      %shift_right_arithmetic3A_341 = arith.shrsi %squeeze3A_339, %shift_right_arithmetic3A_340 : i32
      %and3A_342 = arith.constant 7 : i32
      %and3A_343 = arith.andi %squeeze3A_339, %and3A_342 : i32
      %mul3A_344 = arith.constant 16 : i32
      %mul3A_345 = arith.muli %scan3A_29, %mul3A_344 : i32
      %add3A_346 = arith.constant 14 : i32
      %add3A_347 = arith.addi %mul3A_345, %add3A_346 : i32
      %dma_start3A_348 = arith.constant 0 : i32
      %dma_start3A_349 = tpu.memref_slice %arg7[%add3A_347, %dma_start3A_348] : memref<256x64xf32, #tpu.memory_space<vmem>> -> memref<1x64xf32, #tpu.memory_space<vmem>>
      %dma_start3A_350 = tpu.memref_squeeze %dma_start3A_349 : memref<1x64xf32, #tpu.memory_space<vmem>> -> memref<64xf32, #tpu.memory_space<vmem>>
      %dma_start3A_351 = arith.constant 0 : i32
      %dma_start3A_352 = tpu.memref_slice %arg2[%shift_right_arithmetic3A_341, %and3A_343, %dma_start3A_351] : memref<12500x8x64xf32, #tpu.memory_space<hbm>> -> memref<1x1x64xf32, #tpu.memory_space<hbm>>
      %dma_start3A_353 = tpu.memref_squeeze %dma_start3A_352 : memref<1x1x64xf32, #tpu.memory_space<hbm>> -> memref<64xf32, #tpu.memory_space<hbm>>
      %dma_start3A_354 = arith.constant 0 : i32
      %dma_start3A_355 = tpu.memref_slice %arg7[%add3A_347, %dma_start3A_354] : memref<256x64xf32, #tpu.memory_space<vmem>> -> memref<1x64xf32, #tpu.memory_space<vmem>>
      %dma_start3A_356 = tpu.memref_squeeze %dma_start3A_355 : memref<1x64xf32, #tpu.memory_space<vmem>> -> memref<64xf32, #tpu.memory_space<vmem>>
      %dma_start3A_357 = arith.constant 0 : i32
      %dma_start3A_358 = tpu.memref_slice %arg2[%shift_right_arithmetic3A_341, %and3A_343, %dma_start3A_357] : memref<12500x8x64xf32, #tpu.memory_space<hbm>> -> memref<1x1x64xf32, #tpu.memory_space<hbm>>
      %dma_start3A_359 = tpu.memref_squeeze %dma_start3A_358 : memref<1x1x64xf32, #tpu.memory_space<hbm>> -> memref<64xf32, #tpu.memory_space<hbm>>
      tpu.enqueue_dma source(%dma_start3A_359 : memref<64xf32, #tpu.memory_space<hbm>>) target(%dma_start3A_356 : memref<64xf32, #tpu.memory_space<vmem>>) target_semaphore(%arg9 : memref<!tpu.dma_semaphore, #tpu.memory_space<semaphore_mem>>)
      %slice3A_360 = vector.extract_strided_slice %get3A_34 {offsets = [15], sizes = [1], strides = [1]} : vector<16xi32> to vector<1xi32>
      %squeeze3A_361 = vector.extract %slice3A_360[0] : i32 from vector<1xi32>
      %shift_right_arithmetic3A_362 = arith.constant 3 : i32
      %shift_right_arithmetic3A_363 = arith.shrsi %squeeze3A_361, %shift_right_arithmetic3A_362 : i32
      %and3A_364 = arith.constant 7 : i32
      %and3A_365 = arith.andi %squeeze3A_361, %and3A_364 : i32
      %mul3A_366 = arith.constant 16 : i32
      %mul3A_367 = arith.muli %scan3A_29, %mul3A_366 : i32
      %add3A_368 = arith.constant 15 : i32
      %add3A_369 = arith.addi %mul3A_367, %add3A_368 : i32
      %dma_start3A_370 = arith.constant 0 : i32
      %dma_start3A_371 = tpu.memref_slice %arg7[%add3A_369, %dma_start3A_370] : memref<256x64xf32, #tpu.memory_space<vmem>> -> memref<1x64xf32, #tpu.memory_space<vmem>>
      %dma_start3A_372 = tpu.memref_squeeze %dma_start3A_371 : memref<1x64xf32, #tpu.memory_space<vmem>> -> memref<64xf32, #tpu.memory_space<vmem>>
      %dma_start3A_373 = arith.constant 0 : i32
      %dma_start3A_374 = tpu.memref_slice %arg2[%shift_right_arithmetic3A_363, %and3A_365, %dma_start3A_373] : memref<12500x8x64xf32, #tpu.memory_space<hbm>> -> memref<1x1x64xf32, #tpu.memory_space<hbm>>
      %dma_start3A_375 = tpu.memref_squeeze %dma_start3A_374 : memref<1x1x64xf32, #tpu.memory_space<hbm>> -> memref<64xf32, #tpu.memory_space<hbm>>
      %dma_start3A_376 = arith.constant 0 : i32
      %dma_start3A_377 = tpu.memref_slice %arg7[%add3A_369, %dma_start3A_376] : memref<256x64xf32, #tpu.memory_space<vmem>> -> memref<1x64xf32, #tpu.memory_space<vmem>>
      %dma_start3A_378 = tpu.memref_squeeze %dma_start3A_377 : memref<1x64xf32, #tpu.memory_space<vmem>> -> memref<64xf32, #tpu.memory_space<vmem>>
      %dma_start3A_379 = arith.constant 0 : i32
      %dma_start3A_380 = tpu.memref_slice %arg2[%shift_right_arithmetic3A_363, %and3A_365, %dma_start3A_379] : memref<12500x8x64xf32, #tpu.memory_space<hbm>> -> memref<1x1x64xf32, #tpu.memory_space<hbm>>
      %dma_start3A_381 = tpu.memref_squeeze %dma_start3A_380 : memref<1x1x64xf32, #tpu.memory_space<hbm>> -> memref<64xf32, #tpu.memory_space<hbm>>
      tpu.enqueue_dma source(%dma_start3A_381 : memref<64xf32, #tpu.memory_space<hbm>>) target(%dma_start3A_378 : memref<64xf32, #tpu.memory_space<vmem>>) target_semaphore(%arg9 : memref<!tpu.dma_semaphore, #tpu.memory_space<semaphore_mem>>)
    }
    %scan3A_13 = arith.constant 16 : i32
    %add3A_14 = arith.constant 0 : i32
    %add3A_15 = arith.addi %mul3A_2, %add3A_14 : i32
    %dma_wait3A = arith.constant 0 : i32
    %dma_wait3A_16 = tpu.memref_slice %arg4[%add3A_15, %dma_wait3A] : memref<16384x64xf32, #tpu.memory_space<hbm>> -> memref<256x64xf32, #tpu.memory_space<hbm>>
    %dma_wait3A_17 = arith.constant 0 : i32
    %dma_wait3A_18 = tpu.memref_slice %arg4[%add3A_15, %dma_wait3A_17] : memref<16384x64xf32, #tpu.memory_space<hbm>> -> memref<256x64xf32, #tpu.memory_space<hbm>>
    tpu.wait_dma2 semaphore(%arg8 : memref<!tpu.dma_semaphore, #tpu.memory_space<semaphore_mem>>) src(%dma_wait3A_18 : memref<256x64xf32, #tpu.memory_space<hbm>>) dst(%arg6 : memref<256x64xf32, #tpu.memory_space<vmem>>)
    %add3A_19 = arith.constant 0 : i32
    %add3A_20 = arith.addi %mul3A_2, %add3A_19 : i32
    "tpu.region"() ({
      %run_scoped3A = tpu.sem_alloc : memref<!tpu.dma_semaphore, #tpu.memory_space<semaphore_mem>>
      %dma_start3A = arith.constant 0 : i32
      %dma_start3A_29 = tpu.memref_slice %arg4[%add3A_20, %dma_start3A] : memref<16384x64xf32, #tpu.memory_space<hbm>> -> memref<256x64xf32, #tpu.memory_space<hbm>>
      %dma_start3A_30 = arith.constant 0 : i32
      %dma_start3A_31 = tpu.memref_slice %arg4[%add3A_20, %dma_start3A_30] : memref<16384x64xf32, #tpu.memory_space<hbm>> -> memref<256x64xf32, #tpu.memory_space<hbm>>
      tpu.enqueue_dma source(%arg6 : memref<256x64xf32, #tpu.memory_space<vmem>>) target(%dma_start3A_31 : memref<256x64xf32, #tpu.memory_space<hbm>>) target_semaphore(%run_scoped3A : memref<!tpu.dma_semaphore, #tpu.memory_space<semaphore_mem>>)
      %dma_wait3A_32 = arith.constant 0 : i32
      %dma_wait3A_33 = tpu.memref_slice %arg4[%add3A_20, %dma_wait3A_32] : memref<16384x64xf32, #tpu.memory_space<hbm>> -> memref<256x64xf32, #tpu.memory_space<hbm>>
      %dma_wait3A_34 = arith.constant 0 : i32
      %dma_wait3A_35 = tpu.memref_slice %arg4[%add3A_20, %dma_wait3A_34] : memref<16384x64xf32, #tpu.memory_space<hbm>> -> memref<256x64xf32, #tpu.memory_space<hbm>>
      tpu.wait_dma2 semaphore(%run_scoped3A : memref<!tpu.dma_semaphore, #tpu.memory_space<semaphore_mem>>) src(%arg6 : memref<256x64xf32, #tpu.memory_space<vmem>>) dst(%dma_wait3A_35 : memref<256x64xf32, #tpu.memory_space<hbm>>)
      tpu.yield
    }) : () -> ()
    %add3A_21 = arith.constant 256 : i32
    %add3A_22 = arith.addi %mul3A_2, %add3A_21 : i32
    %dma_wait3A_23 = arith.constant 0 : i32
    %dma_wait3A_24 = tpu.memref_slice %arg4[%add3A_22, %dma_wait3A_23] : memref<16384x64xf32, #tpu.memory_space<hbm>> -> memref<256x64xf32, #tpu.memory_space<hbm>>
    %dma_wait3A_25 = arith.constant 0 : i32
    %dma_wait3A_26 = tpu.memref_slice %arg4[%add3A_22, %dma_wait3A_25] : memref<16384x64xf32, #tpu.memory_space<hbm>> -> memref<256x64xf32, #tpu.memory_space<hbm>>
    tpu.wait_dma2 semaphore(%arg9 : memref<!tpu.dma_semaphore, #tpu.memory_space<semaphore_mem>>) src(%dma_wait3A_26 : memref<256x64xf32, #tpu.memory_space<hbm>>) dst(%arg7 : memref<256x64xf32, #tpu.memory_space<vmem>>)
    %add3A_27 = arith.constant 256 : i32
    %add3A_28 = arith.addi %mul3A_2, %add3A_27 : i32
    "tpu.region"() ({
      %run_scoped3A = tpu.sem_alloc : memref<!tpu.dma_semaphore, #tpu.memory_space<semaphore_mem>>
      %dma_start3A = arith.constant 0 : i32
      %dma_start3A_29 = tpu.memref_slice %arg4[%add3A_28, %dma_start3A] : memref<16384x64xf32, #tpu.memory_space<hbm>> -> memref<256x64xf32, #tpu.memory_space<hbm>>
      %dma_start3A_30 = arith.constant 0 : i32
      %dma_start3A_31 = tpu.memref_slice %arg4[%add3A_28, %dma_start3A_30] : memref<16384x64xf32, #tpu.memory_space<hbm>> -> memref<256x64xf32, #tpu.memory_space<hbm>>
      tpu.enqueue_dma source(%arg7 : memref<256x64xf32, #tpu.memory_space<vmem>>) target(%dma_start3A_31 : memref<256x64xf32, #tpu.memory_space<hbm>>) target_semaphore(%run_scoped3A : memref<!tpu.dma_semaphore, #tpu.memory_space<semaphore_mem>>)
      %dma_wait3A_32 = arith.constant 0 : i32
      %dma_wait3A_33 = tpu.memref_slice %arg4[%add3A_28, %dma_wait3A_32] : memref<16384x64xf32, #tpu.memory_space<hbm>> -> memref<256x64xf32, #tpu.memory_space<hbm>>
      %dma_wait3A_34 = arith.constant 0 : i32
      %dma_wait3A_35 = tpu.memref_slice %arg4[%add3A_28, %dma_wait3A_34] : memref<16384x64xf32, #tpu.memory_space<hbm>> -> memref<256x64xf32, #tpu.memory_space<hbm>>
      tpu.wait_dma2 semaphore(%run_scoped3A : memref<!tpu.dma_semaphore, #tpu.memory_space<semaphore_mem>>) src(%arg7 : memref<256x64xf32, #tpu.memory_space<vmem>>) dst(%dma_wait3A_35 : memref<256x64xf32, #tpu.memory_space<hbm>>)
      tpu.yield
    }) : () -> ()
    return
  }
}

#map = affine_map<(d0, d1) -> (0, 0, 0)>
#map1 = affine_map<(d0, d1) -> (0)>
#map2 = affine_map<(d0, d1) -> (0, 0)>
module attributes {stable_mosaic.version = 14 : i64} {
  func.func @_gather_body(%arg0: i32, %arg1: i32, %arg2: memref<125000x8x64xf32, #tpu.memory_space<hbm>>, %arg3: memref<16384xi32, #tpu.memory_space<hbm>>, %arg4: memref<16384x64xf32, #tpu.memory_space<hbm>>, %arg5: memref<512xi32, #tpu.memory_space<vmem>>, %arg6: memref<256x64xf32, #tpu.memory_space<vmem>>, %arg7: memref<256x64xf32, #tpu.memory_space<vmem>>, %arg8: memref<!tpu.dma_semaphore, #tpu.memory_space<semaphore_mem>>, %arg9: memref<!tpu.dma_semaphore, #tpu.memory_space<semaphore_mem>>) attributes {dimension_semantics = [#tpu.dimension_semantics<core_parallel>, #tpu.dimension_semantics<subcore_parallel>], iteration_bounds = array<i64: 2, 16>, scalar_prefetch = 0 : i64, scratch_operands = 5 : i64, tpu.core_type = #tpu.core_type<sc_vector_subcore>, window_params = [{transform_indices = #map}, {transform_indices = #map1}, {transform_indices = #map2}]} {
    %mul3A = arith.constant 2 : i32
    %mul3A_0 = arith.muli %arg1, %mul3A : i32
    %add3A = arith.addi %mul3A_0, %arg0 : i32
    %mul3A_1 = arith.constant 512 : i32
    %mul3A_2 = arith.muli %add3A, %mul3A_1 : i32
    "tpu.region"() ({
      %run_scoped3A = tpu.sem_alloc : memref<!tpu.dma_semaphore, #tpu.memory_space<semaphore_mem>>
      %dma_start3A = tpu.memref_slice %arg3[%mul3A_2] : memref<16384xi32, #tpu.memory_space<hbm>> -> memref<512xi32, #tpu.memory_space<hbm>>
      %dma_start3A_29 = tpu.memref_slice %arg3[%mul3A_2] : memref<16384xi32, #tpu.memory_space<hbm>> -> memref<512xi32, #tpu.memory_space<hbm>>
      tpu.enqueue_dma source(%dma_start3A_29 : memref<512xi32, #tpu.memory_space<hbm>>) target(%arg5 : memref<512xi32, #tpu.memory_space<vmem>>) target_semaphore(%run_scoped3A : memref<!tpu.dma_semaphore, #tpu.memory_space<semaphore_mem>>)
      %dma_wait3A_30 = tpu.memref_slice %arg3[%mul3A_2] : memref<16384xi32, #tpu.memory_space<hbm>> -> memref<512xi32, #tpu.memory_space<hbm>>
      %dma_wait3A_31 = tpu.memref_slice %arg3[%mul3A_2] : memref<16384xi32, #tpu.memory_space<hbm>> -> memref<512xi32, #tpu.memory_space<hbm>>
      tpu.wait_dma2 semaphore(%run_scoped3A : memref<!tpu.dma_semaphore, #tpu.memory_space<semaphore_mem>>) src(%dma_wait3A_31 : memref<512xi32, #tpu.memory_space<hbm>>) dst(%arg5 : memref<512xi32, #tpu.memory_space<vmem>>)
      tpu.yield
    }) : () -> ()
    %scan3A = arith.constant 0 : i32
    %scan3A_3 = arith.constant 0 : i32
    %scan3A_4 = arith.constant 16 : i32
    %scan3A_5 = arith.addi %scan3A_3, %scan3A_4 : i32
    %scan3A_6 = arith.constant 1 : i32
    scf.for %scan3A_29 = %scan3A_3 to %scan3A_5 step %scan3A_6  : i32 {
      %mul3A_30 = arith.constant 16 : i32
      %mul3A_31 = arith.muli %scan3A_29, %mul3A_30 : i32
      %add3A_32 = arith.constant 0 : i32
      %add3A_33 = arith.addi %add3A_32, %mul3A_31 : i32
      %get3A = arith.index_cast %add3A_33 : i32 to index
      %get3A_34 = tpu.vector_load %arg5[%get3A] {strides = array<i32>} : memref<512xi32, #tpu.memory_space<vmem>>, vector<16xi32>,
      %slice3A = vector.extract_strided_slice %get3A_34 {offsets = [0], sizes = [1], strides = [1]} : vector<16xi32> to vector<1xi32>
      %squeeze3A = vector.extract %slice3A[0] : i32 from vector<1xi32>
      %shift_right_arithmetic3A = arith.constant 3 : i32
      %shift_right_arithmetic3A_35 = arith.shrsi %squeeze3A, %shift_right_arithmetic3A : i32
      %and3A = arith.constant 7 : i32
      %and3A_36 = arith.andi %squeeze3A, %and3A : i32
      %mul3A_37 = arith.constant 16 : i32
      %mul3A_38 = arith.muli %scan3A_29, %mul3A_37 : i32
      %add3A_39 = arith.constant 0 : i32
      %add3A_40 = arith.addi %mul3A_38, %add3A_39 : i32
      %dma_start3A = arith.constant 0 : i32
      %dma_start3A_41 = tpu.memref_slice %arg6[%add3A_40, %dma_start3A] : memref<256x64xf32, #tpu.memory_space<vmem>> -> memref<1x64xf32, #tpu.memory_space<vmem>>
      %dma_start3A_42 = tpu.memref_squeeze %dma_start3A_41 : memref<1x64xf32, #tpu.memory_space<vmem>> -> memref<64xf32, #tpu.memory_space<vmem>>
      %dma_start3A_43 = arith.constant 0 : i32
      %dma_start3A_44 = tpu.memref_slice %arg2[%shift_right_arithmetic3A_35, %and3A_36, %dma_start3A_43] : memref<125000x8x64xf32, #tpu.memory_space<hbm>> -> memref<1x1x64xf32, #tpu.memory_space<hbm>>
      %dma_start3A_45 = tpu.memref_squeeze %dma_start3A_44 : memref<1x1x64xf32, #tpu.memory_space<hbm>> -> memref<64xf32, #tpu.memory_space<hbm>>
      %dma_start3A_46 = arith.constant 0 : i32
      %dma_start3A_47 = tpu.memref_slice %arg6[%add3A_40, %dma_start3A_46] : memref<256x64xf32, #tpu.memory_space<vmem>> -> memref<1x64xf32, #tpu.memory_space<vmem>>
      %dma_start3A_48 = tpu.memref_squeeze %dma_start3A_47 : memref<1x64xf32, #tpu.memory_space<vmem>> -> memref<64xf32, #tpu.memory_space<vmem>>
      %dma_start3A_49 = arith.constant 0 : i32
      %dma_start3A_50 = tpu.memref_slice %arg2[%shift_right_arithmetic3A_35, %and3A_36, %dma_start3A_49] : memref<125000x8x64xf32, #tpu.memory_space<hbm>> -> memref<1x1x64xf32, #tpu.memory_space<hbm>>
      %dma_start3A_51 = tpu.memref_squeeze %dma_start3A_50 : memref<1x1x64xf32, #tpu.memory_space<hbm>> -> memref<64xf32, #tpu.memory_space<hbm>>
      tpu.enqueue_dma source(%dma_start3A_51 : memref<64xf32, #tpu.memory_space<hbm>>) target(%dma_start3A_48 : memref<64xf32, #tpu.memory_space<vmem>>) target_semaphore(%arg8 : memref<!tpu.dma_semaphore, #tpu.memory_space<semaphore_mem>>)
      %slice3A_52 = vector.extract_strided_slice %get3A_34 {offsets = [1], sizes = [1], strides = [1]} : vector<16xi32> to vector<1xi32>
      %squeeze3A_53 = vector.extract %slice3A_52[0] : i32 from vector<1xi32>
      %shift_right_arithmetic3A_54 = arith.constant 3 : i32
      %shift_right_arithmetic3A_55 = arith.shrsi %squeeze3A_53, %shift_right_arithmetic3A_54 : i32
      %and3A_56 = arith.constant 7 : i32
      %and3A_57 = arith.andi %squeeze3A_53, %and3A_56 : i32
      %mul3A_58 = arith.constant 16 : i32
      %mul3A_59 = arith.muli %scan3A_29, %mul3A_58 : i32
      %add3A_60 = arith.constant 1 : i32
      %add3A_61 = arith.addi %mul3A_59, %add3A_60 : i32
      %dma_start3A_62 = arith.constant 0 : i32
      %dma_start3A_63 = tpu.memref_slice %arg6[%add3A_61, %dma_start3A_62] : memref<256x64xf32, #tpu.memory_space<vmem>> -> memref<1x64xf32, #tpu.memory_space<vmem>>
      %dma_start3A_64 = tpu.memref_squeeze %dma_start3A_63 : memref<1x64xf32, #tpu.memory_space<vmem>> -> memref<64xf32, #tpu.memory_space<vmem>>
      %dma_start3A_65 = arith.constant 0 : i32
      %dma_start3A_66 = tpu.memref_slice %arg2[%shift_right_arithmetic3A_55, %and3A_57, %dma_start3A_65] : memref<125000x8x64xf32, #tpu.memory_space<hbm>> -> memref<1x1x64xf32, #tpu.memory_space<hbm>>
      %dma_start3A_67 = tpu.memref_squeeze %dma_start3A_66 : memref<1x1x64xf32, #tpu.memory_space<hbm>> -> memref<64xf32, #tpu.memory_space<hbm>>
      %dma_start3A_68 = arith.constant 0 : i32
      %dma_start3A_69 = tpu.memref_slice %arg6[%add3A_61, %dma_start3A_68] : memref<256x64xf32, #tpu.memory_space<vmem>> -> memref<1x64xf32, #tpu.memory_space<vmem>>
      %dma_start3A_70 = tpu.memref_squeeze %dma_start3A_69 : memref<1x64xf32, #tpu.memory_space<vmem>> -> memref<64xf32, #tpu.memory_space<vmem>>
      %dma_start3A_71 = arith.constant 0 : i32
      %dma_start3A_72 = tpu.memref_slice %arg2[%shift_right_arithmetic3A_55, %and3A_57, %dma_start3A_71] : memref<125000x8x64xf32, #tpu.memory_space<hbm>> -> memref<1x1x64xf32, #tpu.memory_space<hbm>>
      %dma_start3A_73 = tpu.memref_squeeze %dma_start3A_72 : memref<1x1x64xf32, #tpu.memory_space<hbm>> -> memref<64xf32, #tpu.memory_space<hbm>>
      tpu.enqueue_dma source(%dma_start3A_73 : memref<64xf32, #tpu.memory_space<hbm>>) target(%dma_start3A_70 : memref<64xf32, #tpu.memory_space<vmem>>) target_semaphore(%arg8 : memref<!tpu.dma_semaphore, #tpu.memory_space<semaphore_mem>>)
      %slice3A_74 = vector.extract_strided_slice %get3A_34 {offsets = [2], sizes = [1], strides = [1]} : vector<16xi32> to vector<1xi32>
      %squeeze3A_75 = vector.extract %slice3A_74[0] : i32 from vector<1xi32>
      %shift_right_arithmetic3A_76 = arith.constant 3 : i32
      %shift_right_arithmetic3A_77 = arith.shrsi %squeeze3A_75, %shift_right_arithmetic3A_76 : i32
      %and3A_78 = arith.constant 7 : i32
      %and3A_79 = arith.andi %squeeze3A_75, %and3A_78 : i32
      %mul3A_80 = arith.constant 16 : i32
      %mul3A_81 = arith.muli %scan3A_29, %mul3A_80 : i32
      %add3A_82 = arith.constant 2 : i32
      %add3A_83 = arith.addi %mul3A_81, %add3A_82 : i32
      %dma_start3A_84 = arith.constant 0 : i32
      %dma_start3A_85 = tpu.memref_slice %arg6[%add3A_83, %dma_start3A_84] : memref<256x64xf32, #tpu.memory_space<vmem>> -> memref<1x64xf32, #tpu.memory_space<vmem>>
      %dma_start3A_86 = tpu.memref_squeeze %dma_start3A_85 : memref<1x64xf32, #tpu.memory_space<vmem>> -> memref<64xf32, #tpu.memory_space<vmem>>
      %dma_start3A_87 = arith.constant 0 : i32
      %dma_start3A_88 = tpu.memref_slice %arg2[%shift_right_arithmetic3A_77, %and3A_79, %dma_start3A_87] : memref<125000x8x64xf32, #tpu.memory_space<hbm>> -> memref<1x1x64xf32, #tpu.memory_space<hbm>>
      %dma_start3A_89 = tpu.memref_squeeze %dma_start3A_88 : memref<1x1x64xf32, #tpu.memory_space<hbm>> -> memref<64xf32, #tpu.memory_space<hbm>>
      %dma_start3A_90 = arith.constant 0 : i32
      %dma_start3A_91 = tpu.memref_slice %arg6[%add3A_83, %dma_start3A_90] : memref<256x64xf32, #tpu.memory_space<vmem>> -> memref<1x64xf32, #tpu.memory_space<vmem>>
      %dma_start3A_92 = tpu.memref_squeeze %dma_start3A_91 : memref<1x64xf32, #tpu.memory_space<vmem>> -> memref<64xf32, #tpu.memory_space<vmem>>
      %dma_start3A_93 = arith.constant 0 : i32
      %dma_start3A_94 = tpu.memref_slice %arg2[%shift_right_arithmetic3A_77, %and3A_79, %dma_start3A_93] : memref<125000x8x64xf32, #tpu.memory_space<hbm>> -> memref<1x1x64xf32, #tpu.memory_space<hbm>>
      %dma_start3A_95 = tpu.memref_squeeze %dma_start3A_94 : memref<1x1x64xf32, #tpu.memory_space<hbm>> -> memref<64xf32, #tpu.memory_space<hbm>>
      tpu.enqueue_dma source(%dma_start3A_95 : memref<64xf32, #tpu.memory_space<hbm>>) target(%dma_start3A_92 : memref<64xf32, #tpu.memory_space<vmem>>) target_semaphore(%arg8 : memref<!tpu.dma_semaphore, #tpu.memory_space<semaphore_mem>>)
      %slice3A_96 = vector.extract_strided_slice %get3A_34 {offsets = [3], sizes = [1], strides = [1]} : vector<16xi32> to vector<1xi32>
      %squeeze3A_97 = vector.extract %slice3A_96[0] : i32 from vector<1xi32>
      %shift_right_arithmetic3A_98 = arith.constant 3 : i32
      %shift_right_arithmetic3A_99 = arith.shrsi %squeeze3A_97, %shift_right_arithmetic3A_98 : i32
      %and3A_100 = arith.constant 7 : i32
      %and3A_101 = arith.andi %squeeze3A_97, %and3A_100 : i32
      %mul3A_102 = arith.constant 16 : i32
      %mul3A_103 = arith.muli %scan3A_29, %mul3A_102 : i32
      %add3A_104 = arith.constant 3 : i32
      %add3A_105 = arith.addi %mul3A_103, %add3A_104 : i32
      %dma_start3A_106 = arith.constant 0 : i32
      %dma_start3A_107 = tpu.memref_slice %arg6[%add3A_105, %dma_start3A_106] : memref<256x64xf32, #tpu.memory_space<vmem>> -> memref<1x64xf32, #tpu.memory_space<vmem>>
      %dma_start3A_108 = tpu.memref_squeeze %dma_start3A_107 : memref<1x64xf32, #tpu.memory_space<vmem>> -> memref<64xf32, #tpu.memory_space<vmem>>
      %dma_start3A_109 = arith.constant 0 : i32
      %dma_start3A_110 = tpu.memref_slice %arg2[%shift_right_arithmetic3A_99, %and3A_101, %dma_start3A_109] : memref<125000x8x64xf32, #tpu.memory_space<hbm>> -> memref<1x1x64xf32, #tpu.memory_space<hbm>>
      %dma_start3A_111 = tpu.memref_squeeze %dma_start3A_110 : memref<1x1x64xf32, #tpu.memory_space<hbm>> -> memref<64xf32, #tpu.memory_space<hbm>>
      %dma_start3A_112 = arith.constant 0 : i32
      %dma_start3A_113 = tpu.memref_slice %arg6[%add3A_105, %dma_start3A_112] : memref<256x64xf32, #tpu.memory_space<vmem>> -> memref<1x64xf32, #tpu.memory_space<vmem>>
      %dma_start3A_114 = tpu.memref_squeeze %dma_start3A_113 : memref<1x64xf32, #tpu.memory_space<vmem>> -> memref<64xf32, #tpu.memory_space<vmem>>
      %dma_start3A_115 = arith.constant 0 : i32
      %dma_start3A_116 = tpu.memref_slice %arg2[%shift_right_arithmetic3A_99, %and3A_101, %dma_start3A_115] : memref<125000x8x64xf32, #tpu.memory_space<hbm>> -> memref<1x1x64xf32, #tpu.memory_space<hbm>>
      %dma_start3A_117 = tpu.memref_squeeze %dma_start3A_116 : memref<1x1x64xf32, #tpu.memory_space<hbm>> -> memref<64xf32, #tpu.memory_space<hbm>>
      tpu.enqueue_dma source(%dma_start3A_117 : memref<64xf32, #tpu.memory_space<hbm>>) target(%dma_start3A_114 : memref<64xf32, #tpu.memory_space<vmem>>) target_semaphore(%arg8 : memref<!tpu.dma_semaphore, #tpu.memory_space<semaphore_mem>>)
      %slice3A_118 = vector.extract_strided_slice %get3A_34 {offsets = [4], sizes = [1], strides = [1]} : vector<16xi32> to vector<1xi32>
      %squeeze3A_119 = vector.extract %slice3A_118[0] : i32 from vector<1xi32>
      %shift_right_arithmetic3A_120 = arith.constant 3 : i32
      %shift_right_arithmetic3A_121 = arith.shrsi %squeeze3A_119, %shift_right_arithmetic3A_120 : i32
      %and3A_122 = arith.constant 7 : i32
      %and3A_123 = arith.andi %squeeze3A_119, %and3A_122 : i32
      %mul3A_124 = arith.constant 16 : i32
      %mul3A_125 = arith.muli %scan3A_29, %mul3A_124 : i32
      %add3A_126 = arith.constant 4 : i32
      %add3A_127 = arith.addi %mul3A_125, %add3A_126 : i32
      %dma_start3A_128 = arith.constant 0 : i32
      %dma_start3A_129 = tpu.memref_slice %arg6[%add3A_127, %dma_start3A_128] : memref<256x64xf32, #tpu.memory_space<vmem>> -> memref<1x64xf32, #tpu.memory_space<vmem>>
      %dma_start3A_130 = tpu.memref_squeeze %dma_start3A_129 : memref<1x64xf32, #tpu.memory_space<vmem>> -> memref<64xf32, #tpu.memory_space<vmem>>
      %dma_start3A_131 = arith.constant 0 : i32
      %dma_start3A_132 = tpu.memref_slice %arg2[%shift_right_arithmetic3A_121, %and3A_123, %dma_start3A_131] : memref<125000x8x64xf32, #tpu.memory_space<hbm>> -> memref<1x1x64xf32, #tpu.memory_space<hbm>>
      %dma_start3A_133 = tpu.memref_squeeze %dma_start3A_132 : memref<1x1x64xf32, #tpu.memory_space<hbm>> -> memref<64xf32, #tpu.memory_space<hbm>>
      %dma_start3A_134 = arith.constant 0 : i32
      %dma_start3A_135 = tpu.memref_slice %arg6[%add3A_127, %dma_start3A_134] : memref<256x64xf32, #tpu.memory_space<vmem>> -> memref<1x64xf32, #tpu.memory_space<vmem>>
      %dma_start3A_136 = tpu.memref_squeeze %dma_start3A_135 : memref<1x64xf32, #tpu.memory_space<vmem>> -> memref<64xf32, #tpu.memory_space<vmem>>
      %dma_start3A_137 = arith.constant 0 : i32
      %dma_start3A_138 = tpu.memref_slice %arg2[%shift_right_arithmetic3A_121, %and3A_123, %dma_start3A_137] : memref<125000x8x64xf32, #tpu.memory_space<hbm>> -> memref<1x1x64xf32, #tpu.memory_space<hbm>>
      %dma_start3A_139 = tpu.memref_squeeze %dma_start3A_138 : memref<1x1x64xf32, #tpu.memory_space<hbm>> -> memref<64xf32, #tpu.memory_space<hbm>>
      tpu.enqueue_dma source(%dma_start3A_139 : memref<64xf32, #tpu.memory_space<hbm>>) target(%dma_start3A_136 : memref<64xf32, #tpu.memory_space<vmem>>) target_semaphore(%arg8 : memref<!tpu.dma_semaphore, #tpu.memory_space<semaphore_mem>>)
      %slice3A_140 = vector.extract_strided_slice %get3A_34 {offsets = [5], sizes = [1], strides = [1]} : vector<16xi32> to vector<1xi32>
      %squeeze3A_141 = vector.extract %slice3A_140[0] : i32 from vector<1xi32>
      %shift_right_arithmetic3A_142 = arith.constant 3 : i32
      %shift_right_arithmetic3A_143 = arith.shrsi %squeeze3A_141, %shift_right_arithmetic3A_142 : i32
      %and3A_144 = arith.constant 7 : i32
      %and3A_145 = arith.andi %squeeze3A_141, %and3A_144 : i32
      %mul3A_146 = arith.constant 16 : i32
      %mul3A_147 = arith.muli %scan3A_29, %mul3A_146 : i32
      %add3A_148 = arith.constant 5 : i32
      %add3A_149 = arith.addi %mul3A_147, %add3A_148 : i32
      %dma_start3A_150 = arith.constant 0 : i32
      %dma_start3A_151 = tpu.memref_slice %arg6[%add3A_149, %dma_start3A_150] : memref<256x64xf32, #tpu.memory_space<vmem>> -> memref<1x64xf32, #tpu.memory_space<vmem>>
      %dma_start3A_152 = tpu.memref_squeeze %dma_start3A_151 : memref<1x64xf32, #tpu.memory_space<vmem>> -> memref<64xf32, #tpu.memory_space<vmem>>
      %dma_start3A_153 = arith.constant 0 : i32
      %dma_start3A_154 = tpu.memref_slice %arg2[%shift_right_arithmetic3A_143, %and3A_145, %dma_start3A_153] : memref<125000x8x64xf32, #tpu.memory_space<hbm>> -> memref<1x1x64xf32, #tpu.memory_space<hbm>>
      %dma_start3A_155 = tpu.memref_squeeze %dma_start3A_154 : memref<1x1x64xf32, #tpu.memory_space<hbm>> -> memref<64xf32, #tpu.memory_space<hbm>>
      %dma_start3A_156 = arith.constant 0 : i32
      %dma_start3A_157 = tpu.memref_slice %arg6[%add3A_149, %dma_start3A_156] : memref<256x64xf32, #tpu.memory_space<vmem>> -> memref<1x64xf32, #tpu.memory_space<vmem>>
      %dma_start3A_158 = tpu.memref_squeeze %dma_start3A_157 : memref<1x64xf32, #tpu.memory_space<vmem>> -> memref<64xf32, #tpu.memory_space<vmem>>
      %dma_start3A_159 = arith.constant 0 : i32
      %dma_start3A_160 = tpu.memref_slice %arg2[%shift_right_arithmetic3A_143, %and3A_145, %dma_start3A_159] : memref<125000x8x64xf32, #tpu.memory_space<hbm>> -> memref<1x1x64xf32, #tpu.memory_space<hbm>>
      %dma_start3A_161 = tpu.memref_squeeze %dma_start3A_160 : memref<1x1x64xf32, #tpu.memory_space<hbm>> -> memref<64xf32, #tpu.memory_space<hbm>>
      tpu.enqueue_dma source(%dma_start3A_161 : memref<64xf32, #tpu.memory_space<hbm>>) target(%dma_start3A_158 : memref<64xf32, #tpu.memory_space<vmem>>) target_semaphore(%arg8 : memref<!tpu.dma_semaphore, #tpu.memory_space<semaphore_mem>>)
      %slice3A_162 = vector.extract_strided_slice %get3A_34 {offsets = [6], sizes = [1], strides = [1]} : vector<16xi32> to vector<1xi32>
      %squeeze3A_163 = vector.extract %slice3A_162[0] : i32 from vector<1xi32>
      %shift_right_arithmetic3A_164 = arith.constant 3 : i32
      %shift_right_arithmetic3A_165 = arith.shrsi %squeeze3A_163, %shift_right_arithmetic3A_164 : i32
      %and3A_166 = arith.constant 7 : i32
      %and3A_167 = arith.andi %squeeze3A_163, %and3A_166 : i32
      %mul3A_168 = arith.constant 16 : i32
      %mul3A_169 = arith.muli %scan3A_29, %mul3A_168 : i32
      %add3A_170 = arith.constant 6 : i32
      %add3A_171 = arith.addi %mul3A_169, %add3A_170 : i32
      %dma_start3A_172 = arith.constant 0 : i32
      %dma_start3A_173 = tpu.memref_slice %arg6[%add3A_171, %dma_start3A_172] : memref<256x64xf32, #tpu.memory_space<vmem>> -> memref<1x64xf32, #tpu.memory_space<vmem>>
      %dma_start3A_174 = tpu.memref_squeeze %dma_start3A_173 : memref<1x64xf32, #tpu.memory_space<vmem>> -> memref<64xf32, #tpu.memory_space<vmem>>
      %dma_start3A_175 = arith.constant 0 : i32
      %dma_start3A_176 = tpu.memref_slice %arg2[%shift_right_arithmetic3A_165, %and3A_167, %dma_start3A_175] : memref<125000x8x64xf32, #tpu.memory_space<hbm>> -> memref<1x1x64xf32, #tpu.memory_space<hbm>>
      %dma_start3A_177 = tpu.memref_squeeze %dma_start3A_176 : memref<1x1x64xf32, #tpu.memory_space<hbm>> -> memref<64xf32, #tpu.memory_space<hbm>>
      %dma_start3A_178 = arith.constant 0 : i32
      %dma_start3A_179 = tpu.memref_slice %arg6[%add3A_171, %dma_start3A_178] : memref<256x64xf32, #tpu.memory_space<vmem>> -> memref<1x64xf32, #tpu.memory_space<vmem>>
      %dma_start3A_180 = tpu.memref_squeeze %dma_start3A_179 : memref<1x64xf32, #tpu.memory_space<vmem>> -> memref<64xf32, #tpu.memory_space<vmem>>
      %dma_start3A_181 = arith.constant 0 : i32
      %dma_start3A_182 = tpu.memref_slice %arg2[%shift_right_arithmetic3A_165, %and3A_167, %dma_start3A_181] : memref<125000x8x64xf32, #tpu.memory_space<hbm>> -> memref<1x1x64xf32, #tpu.memory_space<hbm>>
      %dma_start3A_183 = tpu.memref_squeeze %dma_start3A_182 : memref<1x1x64xf32, #tpu.memory_space<hbm>> -> memref<64xf32, #tpu.memory_space<hbm>>
      tpu.enqueue_dma source(%dma_start3A_183 : memref<64xf32, #tpu.memory_space<hbm>>) target(%dma_start3A_180 : memref<64xf32, #tpu.memory_space<vmem>>) target_semaphore(%arg8 : memref<!tpu.dma_semaphore, #tpu.memory_space<semaphore_mem>>)
      %slice3A_184 = vector.extract_strided_slice %get3A_34 {offsets = [7], sizes = [1], strides = [1]} : vector<16xi32> to vector<1xi32>
      %squeeze3A_185 = vector.extract %slice3A_184[0] : i32 from vector<1xi32>
      %shift_right_arithmetic3A_186 = arith.constant 3 : i32
      %shift_right_arithmetic3A_187 = arith.shrsi %squeeze3A_185, %shift_right_arithmetic3A_186 : i32
      %and3A_188 = arith.constant 7 : i32
      %and3A_189 = arith.andi %squeeze3A_185, %and3A_188 : i32
      %mul3A_190 = arith.constant 16 : i32
      %mul3A_191 = arith.muli %scan3A_29, %mul3A_190 : i32
      %add3A_192 = arith.constant 7 : i32
      %add3A_193 = arith.addi %mul3A_191, %add3A_192 : i32
      %dma_start3A_194 = arith.constant 0 : i32
      %dma_start3A_195 = tpu.memref_slice %arg6[%add3A_193, %dma_start3A_194] : memref<256x64xf32, #tpu.memory_space<vmem>> -> memref<1x64xf32, #tpu.memory_space<vmem>>
      %dma_start3A_196 = tpu.memref_squeeze %dma_start3A_195 : memref<1x64xf32, #tpu.memory_space<vmem>> -> memref<64xf32, #tpu.memory_space<vmem>>
      %dma_start3A_197 = arith.constant 0 : i32
      %dma_start3A_198 = tpu.memref_slice %arg2[%shift_right_arithmetic3A_187, %and3A_189, %dma_start3A_197] : memref<125000x8x64xf32, #tpu.memory_space<hbm>> -> memref<1x1x64xf32, #tpu.memory_space<hbm>>
      %dma_start3A_199 = tpu.memref_squeeze %dma_start3A_198 : memref<1x1x64xf32, #tpu.memory_space<hbm>> -> memref<64xf32, #tpu.memory_space<hbm>>
      %dma_start3A_200 = arith.constant 0 : i32
      %dma_start3A_201 = tpu.memref_slice %arg6[%add3A_193, %dma_start3A_200] : memref<256x64xf32, #tpu.memory_space<vmem>> -> memref<1x64xf32, #tpu.memory_space<vmem>>
      %dma_start3A_202 = tpu.memref_squeeze %dma_start3A_201 : memref<1x64xf32, #tpu.memory_space<vmem>> -> memref<64xf32, #tpu.memory_space<vmem>>
      %dma_start3A_203 = arith.constant 0 : i32
      %dma_start3A_204 = tpu.memref_slice %arg2[%shift_right_arithmetic3A_187, %and3A_189, %dma_start3A_203] : memref<125000x8x64xf32, #tpu.memory_space<hbm>> -> memref<1x1x64xf32, #tpu.memory_space<hbm>>
      %dma_start3A_205 = tpu.memref_squeeze %dma_start3A_204 : memref<1x1x64xf32, #tpu.memory_space<hbm>> -> memref<64xf32, #tpu.memory_space<hbm>>
      tpu.enqueue_dma source(%dma_start3A_205 : memref<64xf32, #tpu.memory_space<hbm>>) target(%dma_start3A_202 : memref<64xf32, #tpu.memory_space<vmem>>) target_semaphore(%arg8 : memref<!tpu.dma_semaphore, #tpu.memory_space<semaphore_mem>>)
      %slice3A_206 = vector.extract_strided_slice %get3A_34 {offsets = [8], sizes = [1], strides = [1]} : vector<16xi32> to vector<1xi32>
      %squeeze3A_207 = vector.extract %slice3A_206[0] : i32 from vector<1xi32>
      %shift_right_arithmetic3A_208 = arith.constant 3 : i32
      %shift_right_arithmetic3A_209 = arith.shrsi %squeeze3A_207, %shift_right_arithmetic3A_208 : i32
      %and3A_210 = arith.constant 7 : i32
      %and3A_211 = arith.andi %squeeze3A_207, %and3A_210 : i32
      %mul3A_212 = arith.constant 16 : i32
      %mul3A_213 = arith.muli %scan3A_29, %mul3A_212 : i32
      %add3A_214 = arith.constant 8 : i32
      %add3A_215 = arith.addi %mul3A_213, %add3A_214 : i32
      %dma_start3A_216 = arith.constant 0 : i32
      %dma_start3A_217 = tpu.memref_slice %arg6[%add3A_215, %dma_start3A_216] : memref<256x64xf32, #tpu.memory_space<vmem>> -> memref<1x64xf32, #tpu.memory_space<vmem>>
      %dma_start3A_218 = tpu.memref_squeeze %dma_start3A_217 : memref<1x64xf32, #tpu.memory_space<vmem>> -> memref<64xf32, #tpu.memory_space<vmem>>
      %dma_start3A_219 = arith.constant 0 : i32
      %dma_start3A_220 = tpu.memref_slice %arg2[%shift_right_arithmetic3A_209, %and3A_211, %dma_start3A_219] : memref<125000x8x64xf32, #tpu.memory_space<hbm>> -> memref<1x1x64xf32, #tpu.memory_space<hbm>>
      %dma_start3A_221 = tpu.memref_squeeze %dma_start3A_220 : memref<1x1x64xf32, #tpu.memory_space<hbm>> -> memref<64xf32, #tpu.memory_space<hbm>>
      %dma_start3A_222 = arith.constant 0 : i32
      %dma_start3A_223 = tpu.memref_slice %arg6[%add3A_215, %dma_start3A_222] : memref<256x64xf32, #tpu.memory_space<vmem>> -> memref<1x64xf32, #tpu.memory_space<vmem>>
      %dma_start3A_224 = tpu.memref_squeeze %dma_start3A_223 : memref<1x64xf32, #tpu.memory_space<vmem>> -> memref<64xf32, #tpu.memory_space<vmem>>
      %dma_start3A_225 = arith.constant 0 : i32
      %dma_start3A_226 = tpu.memref_slice %arg2[%shift_right_arithmetic3A_209, %and3A_211, %dma_start3A_225] : memref<125000x8x64xf32, #tpu.memory_space<hbm>> -> memref<1x1x64xf32, #tpu.memory_space<hbm>>
      %dma_start3A_227 = tpu.memref_squeeze %dma_start3A_226 : memref<1x1x64xf32, #tpu.memory_space<hbm>> -> memref<64xf32, #tpu.memory_space<hbm>>
      tpu.enqueue_dma source(%dma_start3A_227 : memref<64xf32, #tpu.memory_space<hbm>>) target(%dma_start3A_224 : memref<64xf32, #tpu.memory_space<vmem>>) target_semaphore(%arg8 : memref<!tpu.dma_semaphore, #tpu.memory_space<semaphore_mem>>)
      %slice3A_228 = vector.extract_strided_slice %get3A_34 {offsets = [9], sizes = [1], strides = [1]} : vector<16xi32> to vector<1xi32>
      %squeeze3A_229 = vector.extract %slice3A_228[0] : i32 from vector<1xi32>
      %shift_right_arithmetic3A_230 = arith.constant 3 : i32
      %shift_right_arithmetic3A_231 = arith.shrsi %squeeze3A_229, %shift_right_arithmetic3A_230 : i32
      %and3A_232 = arith.constant 7 : i32
      %and3A_233 = arith.andi %squeeze3A_229, %and3A_232 : i32
      %mul3A_234 = arith.constant 16 : i32
      %mul3A_235 = arith.muli %scan3A_29, %mul3A_234 : i32
      %add3A_236 = arith.constant 9 : i32
      %add3A_237 = arith.addi %mul3A_235, %add3A_236 : i32
      %dma_start3A_238 = arith.constant 0 : i32
      %dma_start3A_239 = tpu.memref_slice %arg6[%add3A_237, %dma_start3A_238] : memref<256x64xf32, #tpu.memory_space<vmem>> -> memref<1x64xf32, #tpu.memory_space<vmem>>
      %dma_start3A_240 = tpu.memref_squeeze %dma_start3A_239 : memref<1x64xf32, #tpu.memory_space<vmem>> -> memref<64xf32, #tpu.memory_space<vmem>>
      %dma_start3A_241 = arith.constant 0 : i32
      %dma_start3A_242 = tpu.memref_slice %arg2[%shift_right_arithmetic3A_231, %and3A_233, %dma_start3A_241] : memref<125000x8x64xf32, #tpu.memory_space<hbm>> -> memref<1x1x64xf32, #tpu.memory_space<hbm>>
      %dma_start3A_243 = tpu.memref_squeeze %dma_start3A_242 : memref<1x1x64xf32, #tpu.memory_space<hbm>> -> memref<64xf32, #tpu.memory_space<hbm>>
      %dma_start3A_244 = arith.constant 0 : i32
      %dma_start3A_245 = tpu.memref_slice %arg6[%add3A_237, %dma_start3A_244] : memref<256x64xf32, #tpu.memory_space<vmem>> -> memref<1x64xf32, #tpu.memory_space<vmem>>
      %dma_start3A_246 = tpu.memref_squeeze %dma_start3A_245 : memref<1x64xf32, #tpu.memory_space<vmem>> -> memref<64xf32, #tpu.memory_space<vmem>>
      %dma_start3A_247 = arith.constant 0 : i32
      %dma_start3A_248 = tpu.memref_slice %arg2[%shift_right_arithmetic3A_231, %and3A_233, %dma_start3A_247] : memref<125000x8x64xf32, #tpu.memory_space<hbm>> -> memref<1x1x64xf32, #tpu.memory_space<hbm>>
      %dma_start3A_249 = tpu.memref_squeeze %dma_start3A_248 : memref<1x1x64xf32, #tpu.memory_space<hbm>> -> memref<64xf32, #tpu.memory_space<hbm>>
      tpu.enqueue_dma source(%dma_start3A_249 : memref<64xf32, #tpu.memory_space<hbm>>) target(%dma_start3A_246 : memref<64xf32, #tpu.memory_space<vmem>>) target_semaphore(%arg8 : memref<!tpu.dma_semaphore, #tpu.memory_space<semaphore_mem>>)
      %slice3A_250 = vector.extract_strided_slice %get3A_34 {offsets = [10], sizes = [1], strides = [1]} : vector<16xi32> to vector<1xi32>
      %squeeze3A_251 = vector.extract %slice3A_250[0] : i32 from vector<1xi32>
      %shift_right_arithmetic3A_252 = arith.constant 3 : i32
      %shift_right_arithmetic3A_253 = arith.shrsi %squeeze3A_251, %shift_right_arithmetic3A_252 : i32
      %and3A_254 = arith.constant 7 : i32
      %and3A_255 = arith.andi %squeeze3A_251, %and3A_254 : i32
      %mul3A_256 = arith.constant 16 : i32
      %mul3A_257 = arith.muli %scan3A_29, %mul3A_256 : i32
      %add3A_258 = arith.constant 10 : i32
      %add3A_259 = arith.addi %mul3A_257, %add3A_258 : i32
      %dma_start3A_260 = arith.constant 0 : i32
      %dma_start3A_261 = tpu.memref_slice %arg6[%add3A_259, %dma_start3A_260] : memref<256x64xf32, #tpu.memory_space<vmem>> -> memref<1x64xf32, #tpu.memory_space<vmem>>
      %dma_start3A_262 = tpu.memref_squeeze %dma_start3A_261 : memref<1x64xf32, #tpu.memory_space<vmem>> -> memref<64xf32, #tpu.memory_space<vmem>>
      %dma_start3A_263 = arith.constant 0 : i32
      %dma_start3A_264 = tpu.memref_slice %arg2[%shift_right_arithmetic3A_253, %and3A_255, %dma_start3A_263] : memref<125000x8x64xf32, #tpu.memory_space<hbm>> -> memref<1x1x64xf32, #tpu.memory_space<hbm>>
      %dma_start3A_265 = tpu.memref_squeeze %dma_start3A_264 : memref<1x1x64xf32, #tpu.memory_space<hbm>> -> memref<64xf32, #tpu.memory_space<hbm>>
      %dma_start3A_266 = arith.constant 0 : i32
      %dma_start3A_267 = tpu.memref_slice %arg6[%add3A_259, %dma_start3A_266] : memref<256x64xf32, #tpu.memory_space<vmem>> -> memref<1x64xf32, #tpu.memory_space<vmem>>
      %dma_start3A_268 = tpu.memref_squeeze %dma_start3A_267 : memref<1x64xf32, #tpu.memory_space<vmem>> -> memref<64xf32, #tpu.memory_space<vmem>>
      %dma_start3A_269 = arith.constant 0 : i32
      %dma_start3A_270 = tpu.memref_slice %arg2[%shift_right_arithmetic3A_253, %and3A_255, %dma_start3A_269] : memref<125000x8x64xf32, #tpu.memory_space<hbm>> -> memref<1x1x64xf32, #tpu.memory_space<hbm>>
      %dma_start3A_271 = tpu.memref_squeeze %dma_start3A_270 : memref<1x1x64xf32, #tpu.memory_space<hbm>> -> memref<64xf32, #tpu.memory_space<hbm>>
      tpu.enqueue_dma source(%dma_start3A_271 : memref<64xf32, #tpu.memory_space<hbm>>) target(%dma_start3A_268 : memref<64xf32, #tpu.memory_space<vmem>>) target_semaphore(%arg8 : memref<!tpu.dma_semaphore, #tpu.memory_space<semaphore_mem>>)
      %slice3A_272 = vector.extract_strided_slice %get3A_34 {offsets = [11], sizes = [1], strides = [1]} : vector<16xi32> to vector<1xi32>
      %squeeze3A_273 = vector.extract %slice3A_272[0] : i32 from vector<1xi32>
      %shift_right_arithmetic3A_274 = arith.constant 3 : i32
      %shift_right_arithmetic3A_275 = arith.shrsi %squeeze3A_273, %shift_right_arithmetic3A_274 : i32
      %and3A_276 = arith.constant 7 : i32
      %and3A_277 = arith.andi %squeeze3A_273, %and3A_276 : i32
      %mul3A_278 = arith.constant 16 : i32
      %mul3A_279 = arith.muli %scan3A_29, %mul3A_278 : i32
      %add3A_280 = arith.constant 11 : i32
      %add3A_281 = arith.addi %mul3A_279, %add3A_280 : i32
      %dma_start3A_282 = arith.constant 0 : i32
      %dma_start3A_283 = tpu.memref_slice %arg6[%add3A_281, %dma_start3A_282] : memref<256x64xf32, #tpu.memory_space<vmem>> -> memref<1x64xf32, #tpu.memory_space<vmem>>
      %dma_start3A_284 = tpu.memref_squeeze %dma_start3A_283 : memref<1x64xf32, #tpu.memory_space<vmem>> -> memref<64xf32, #tpu.memory_space<vmem>>
      %dma_start3A_285 = arith.constant 0 : i32
      %dma_start3A_286 = tpu.memref_slice %arg2[%shift_right_arithmetic3A_275, %and3A_277, %dma_start3A_285] : memref<125000x8x64xf32, #tpu.memory_space<hbm>> -> memref<1x1x64xf32, #tpu.memory_space<hbm>>
      %dma_start3A_287 = tpu.memref_squeeze %dma_start3A_286 : memref<1x1x64xf32, #tpu.memory_space<hbm>> -> memref<64xf32, #tpu.memory_space<hbm>>
      %dma_start3A_288 = arith.constant 0 : i32
      %dma_start3A_289 = tpu.memref_slice %arg6[%add3A_281, %dma_start3A_288] : memref<256x64xf32, #tpu.memory_space<vmem>> -> memref<1x64xf32, #tpu.memory_space<vmem>>
      %dma_start3A_290 = tpu.memref_squeeze %dma_start3A_289 : memref<1x64xf32, #tpu.memory_space<vmem>> -> memref<64xf32, #tpu.memory_space<vmem>>
      %dma_start3A_291 = arith.constant 0 : i32
      %dma_start3A_292 = tpu.memref_slice %arg2[%shift_right_arithmetic3A_275, %and3A_277, %dma_start3A_291] : memref<125000x8x64xf32, #tpu.memory_space<hbm>> -> memref<1x1x64xf32, #tpu.memory_space<hbm>>
      %dma_start3A_293 = tpu.memref_squeeze %dma_start3A_292 : memref<1x1x64xf32, #tpu.memory_space<hbm>> -> memref<64xf32, #tpu.memory_space<hbm>>
      tpu.enqueue_dma source(%dma_start3A_293 : memref<64xf32, #tpu.memory_space<hbm>>) target(%dma_start3A_290 : memref<64xf32, #tpu.memory_space<vmem>>) target_semaphore(%arg8 : memref<!tpu.dma_semaphore, #tpu.memory_space<semaphore_mem>>)
      %slice3A_294 = vector.extract_strided_slice %get3A_34 {offsets = [12], sizes = [1], strides = [1]} : vector<16xi32> to vector<1xi32>
      %squeeze3A_295 = vector.extract %slice3A_294[0] : i32 from vector<1xi32>
      %shift_right_arithmetic3A_296 = arith.constant 3 : i32
      %shift_right_arithmetic3A_297 = arith.shrsi %squeeze3A_295, %shift_right_arithmetic3A_296 : i32
      %and3A_298 = arith.constant 7 : i32
      %and3A_299 = arith.andi %squeeze3A_295, %and3A_298 : i32
      %mul3A_300 = arith.constant 16 : i32
      %mul3A_301 = arith.muli %scan3A_29, %mul3A_300 : i32
      %add3A_302 = arith.constant 12 : i32
      %add3A_303 = arith.addi %mul3A_301, %add3A_302 : i32
      %dma_start3A_304 = arith.constant 0 : i32
      %dma_start3A_305 = tpu.memref_slice %arg6[%add3A_303, %dma_start3A_304] : memref<256x64xf32, #tpu.memory_space<vmem>> -> memref<1x64xf32, #tpu.memory_space<vmem>>
      %dma_start3A_306 = tpu.memref_squeeze %dma_start3A_305 : memref<1x64xf32, #tpu.memory_space<vmem>> -> memref<64xf32, #tpu.memory_space<vmem>>
      %dma_start3A_307 = arith.constant 0 : i32
      %dma_start3A_308 = tpu.memref_slice %arg2[%shift_right_arithmetic3A_297, %and3A_299, %dma_start3A_307] : memref<125000x8x64xf32, #tpu.memory_space<hbm>> -> memref<1x1x64xf32, #tpu.memory_space<hbm>>
      %dma_start3A_309 = tpu.memref_squeeze %dma_start3A_308 : memref<1x1x64xf32, #tpu.memory_space<hbm>> -> memref<64xf32, #tpu.memory_space<hbm>>
      %dma_start3A_310 = arith.constant 0 : i32
      %dma_start3A_311 = tpu.memref_slice %arg6[%add3A_303, %dma_start3A_310] : memref<256x64xf32, #tpu.memory_space<vmem>> -> memref<1x64xf32, #tpu.memory_space<vmem>>
      %dma_start3A_312 = tpu.memref_squeeze %dma_start3A_311 : memref<1x64xf32, #tpu.memory_space<vmem>> -> memref<64xf32, #tpu.memory_space<vmem>>
      %dma_start3A_313 = arith.constant 0 : i32
      %dma_start3A_314 = tpu.memref_slice %arg2[%shift_right_arithmetic3A_297, %and3A_299, %dma_start3A_313] : memref<125000x8x64xf32, #tpu.memory_space<hbm>> -> memref<1x1x64xf32, #tpu.memory_space<hbm>>
      %dma_start3A_315 = tpu.memref_squeeze %dma_start3A_314 : memref<1x1x64xf32, #tpu.memory_space<hbm>> -> memref<64xf32, #tpu.memory_space<hbm>>
      tpu.enqueue_dma source(%dma_start3A_315 : memref<64xf32, #tpu.memory_space<hbm>>) target(%dma_start3A_312 : memref<64xf32, #tpu.memory_space<vmem>>) target_semaphore(%arg8 : memref<!tpu.dma_semaphore, #tpu.memory_space<semaphore_mem>>)
      %slice3A_316 = vector.extract_strided_slice %get3A_34 {offsets = [13], sizes = [1], strides = [1]} : vector<16xi32> to vector<1xi32>
      %squeeze3A_317 = vector.extract %slice3A_316[0] : i32 from vector<1xi32>
      %shift_right_arithmetic3A_318 = arith.constant 3 : i32
      %shift_right_arithmetic3A_319 = arith.shrsi %squeeze3A_317, %shift_right_arithmetic3A_318 : i32
      %and3A_320 = arith.constant 7 : i32
      %and3A_321 = arith.andi %squeeze3A_317, %and3A_320 : i32
      %mul3A_322 = arith.constant 16 : i32
      %mul3A_323 = arith.muli %scan3A_29, %mul3A_322 : i32
      %add3A_324 = arith.constant 13 : i32
      %add3A_325 = arith.addi %mul3A_323, %add3A_324 : i32
      %dma_start3A_326 = arith.constant 0 : i32
      %dma_start3A_327 = tpu.memref_slice %arg6[%add3A_325, %dma_start3A_326] : memref<256x64xf32, #tpu.memory_space<vmem>> -> memref<1x64xf32, #tpu.memory_space<vmem>>
      %dma_start3A_328 = tpu.memref_squeeze %dma_start3A_327 : memref<1x64xf32, #tpu.memory_space<vmem>> -> memref<64xf32, #tpu.memory_space<vmem>>
      %dma_start3A_329 = arith.constant 0 : i32
      %dma_start3A_330 = tpu.memref_slice %arg2[%shift_right_arithmetic3A_319, %and3A_321, %dma_start3A_329] : memref<125000x8x64xf32, #tpu.memory_space<hbm>> -> memref<1x1x64xf32, #tpu.memory_space<hbm>>
      %dma_start3A_331 = tpu.memref_squeeze %dma_start3A_330 : memref<1x1x64xf32, #tpu.memory_space<hbm>> -> memref<64xf32, #tpu.memory_space<hbm>>
      %dma_start3A_332 = arith.constant 0 : i32
      %dma_start3A_333 = tpu.memref_slice %arg6[%add3A_325, %dma_start3A_332] : memref<256x64xf32, #tpu.memory_space<vmem>> -> memref<1x64xf32, #tpu.memory_space<vmem>>
      %dma_start3A_334 = tpu.memref_squeeze %dma_start3A_333 : memref<1x64xf32, #tpu.memory_space<vmem>> -> memref<64xf32, #tpu.memory_space<vmem>>
      %dma_start3A_335 = arith.constant 0 : i32
      %dma_start3A_336 = tpu.memref_slice %arg2[%shift_right_arithmetic3A_319, %and3A_321, %dma_start3A_335] : memref<125000x8x64xf32, #tpu.memory_space<hbm>> -> memref<1x1x64xf32, #tpu.memory_space<hbm>>
      %dma_start3A_337 = tpu.memref_squeeze %dma_start3A_336 : memref<1x1x64xf32, #tpu.memory_space<hbm>> -> memref<64xf32, #tpu.memory_space<hbm>>
      tpu.enqueue_dma source(%dma_start3A_337 : memref<64xf32, #tpu.memory_space<hbm>>) target(%dma_start3A_334 : memref<64xf32, #tpu.memory_space<vmem>>) target_semaphore(%arg8 : memref<!tpu.dma_semaphore, #tpu.memory_space<semaphore_mem>>)
      %slice3A_338 = vector.extract_strided_slice %get3A_34 {offsets = [14], sizes = [1], strides = [1]} : vector<16xi32> to vector<1xi32>
      %squeeze3A_339 = vector.extract %slice3A_338[0] : i32 from vector<1xi32>
      %shift_right_arithmetic3A_340 = arith.constant 3 : i32
      %shift_right_arithmetic3A_341 = arith.shrsi %squeeze3A_339, %shift_right_arithmetic3A_340 : i32
      %and3A_342 = arith.constant 7 : i32
      %and3A_343 = arith.andi %squeeze3A_339, %and3A_342 : i32
      %mul3A_344 = arith.constant 16 : i32
      %mul3A_345 = arith.muli %scan3A_29, %mul3A_344 : i32
      %add3A_346 = arith.constant 14 : i32
      %add3A_347 = arith.addi %mul3A_345, %add3A_346 : i32
      %dma_start3A_348 = arith.constant 0 : i32
      %dma_start3A_349 = tpu.memref_slice %arg6[%add3A_347, %dma_start3A_348] : memref<256x64xf32, #tpu.memory_space<vmem>> -> memref<1x64xf32, #tpu.memory_space<vmem>>
      %dma_start3A_350 = tpu.memref_squeeze %dma_start3A_349 : memref<1x64xf32, #tpu.memory_space<vmem>> -> memref<64xf32, #tpu.memory_space<vmem>>
      %dma_start3A_351 = arith.constant 0 : i32
      %dma_start3A_352 = tpu.memref_slice %arg2[%shift_right_arithmetic3A_341, %and3A_343, %dma_start3A_351] : memref<125000x8x64xf32, #tpu.memory_space<hbm>> -> memref<1x1x64xf32, #tpu.memory_space<hbm>>
      %dma_start3A_353 = tpu.memref_squeeze %dma_start3A_352 : memref<1x1x64xf32, #tpu.memory_space<hbm>> -> memref<64xf32, #tpu.memory_space<hbm>>
      %dma_start3A_354 = arith.constant 0 : i32
      %dma_start3A_355 = tpu.memref_slice %arg6[%add3A_347, %dma_start3A_354] : memref<256x64xf32, #tpu.memory_space<vmem>> -> memref<1x64xf32, #tpu.memory_space<vmem>>
      %dma_start3A_356 = tpu.memref_squeeze %dma_start3A_355 : memref<1x64xf32, #tpu.memory_space<vmem>> -> memref<64xf32, #tpu.memory_space<vmem>>
      %dma_start3A_357 = arith.constant 0 : i32
      %dma_start3A_358 = tpu.memref_slice %arg2[%shift_right_arithmetic3A_341, %and3A_343, %dma_start3A_357] : memref<125000x8x64xf32, #tpu.memory_space<hbm>> -> memref<1x1x64xf32, #tpu.memory_space<hbm>>
      %dma_start3A_359 = tpu.memref_squeeze %dma_start3A_358 : memref<1x1x64xf32, #tpu.memory_space<hbm>> -> memref<64xf32, #tpu.memory_space<hbm>>
      tpu.enqueue_dma source(%dma_start3A_359 : memref<64xf32, #tpu.memory_space<hbm>>) target(%dma_start3A_356 : memref<64xf32, #tpu.memory_space<vmem>>) target_semaphore(%arg8 : memref<!tpu.dma_semaphore, #tpu.memory_space<semaphore_mem>>)
      %slice3A_360 = vector.extract_strided_slice %get3A_34 {offsets = [15], sizes = [1], strides = [1]} : vector<16xi32> to vector<1xi32>
      %squeeze3A_361 = vector.extract %slice3A_360[0] : i32 from vector<1xi32>
      %shift_right_arithmetic3A_362 = arith.constant 3 : i32
      %shift_right_arithmetic3A_363 = arith.shrsi %squeeze3A_361, %shift_right_arithmetic3A_362 : i32
      %and3A_364 = arith.constant 7 : i32
      %and3A_365 = arith.andi %squeeze3A_361, %and3A_364 : i32
      %mul3A_366 = arith.constant 16 : i32
      %mul3A_367 = arith.muli %scan3A_29, %mul3A_366 : i32
      %add3A_368 = arith.constant 15 : i32
      %add3A_369 = arith.addi %mul3A_367, %add3A_368 : i32
      %dma_start3A_370 = arith.constant 0 : i32
      %dma_start3A_371 = tpu.memref_slice %arg6[%add3A_369, %dma_start3A_370] : memref<256x64xf32, #tpu.memory_space<vmem>> -> memref<1x64xf32, #tpu.memory_space<vmem>>
      %dma_start3A_372 = tpu.memref_squeeze %dma_start3A_371 : memref<1x64xf32, #tpu.memory_space<vmem>> -> memref<64xf32, #tpu.memory_space<vmem>>
      %dma_start3A_373 = arith.constant 0 : i32
      %dma_start3A_374 = tpu.memref_slice %arg2[%shift_right_arithmetic3A_363, %and3A_365, %dma_start3A_373] : memref<125000x8x64xf32, #tpu.memory_space<hbm>> -> memref<1x1x64xf32, #tpu.memory_space<hbm>>
      %dma_start3A_375 = tpu.memref_squeeze %dma_start3A_374 : memref<1x1x64xf32, #tpu.memory_space<hbm>> -> memref<64xf32, #tpu.memory_space<hbm>>
      %dma_start3A_376 = arith.constant 0 : i32
      %dma_start3A_377 = tpu.memref_slice %arg6[%add3A_369, %dma_start3A_376] : memref<256x64xf32, #tpu.memory_space<vmem>> -> memref<1x64xf32, #tpu.memory_space<vmem>>
      %dma_start3A_378 = tpu.memref_squeeze %dma_start3A_377 : memref<1x64xf32, #tpu.memory_space<vmem>> -> memref<64xf32, #tpu.memory_space<vmem>>
      %dma_start3A_379 = arith.constant 0 : i32
      %dma_start3A_380 = tpu.memref_slice %arg2[%shift_right_arithmetic3A_363, %and3A_365, %dma_start3A_379] : memref<125000x8x64xf32, #tpu.memory_space<hbm>> -> memref<1x1x64xf32, #tpu.memory_space<hbm>>
      %dma_start3A_381 = tpu.memref_squeeze %dma_start3A_380 : memref<1x1x64xf32, #tpu.memory_space<hbm>> -> memref<64xf32, #tpu.memory_space<hbm>>
      tpu.enqueue_dma source(%dma_start3A_381 : memref<64xf32, #tpu.memory_space<hbm>>) target(%dma_start3A_378 : memref<64xf32, #tpu.memory_space<vmem>>) target_semaphore(%arg8 : memref<!tpu.dma_semaphore, #tpu.memory_space<semaphore_mem>>)
    }
    %scan3A_7 = arith.constant 16 : i32
    %scan3A_8 = arith.constant 0 : i32
    %scan3A_9 = arith.constant 0 : i32
    %scan3A_10 = arith.constant 16 : i32
    %scan3A_11 = arith.addi %scan3A_9, %scan3A_10 : i32
    %scan3A_12 = arith.constant 1 : i32
    scf.for %scan3A_29 = %scan3A_9 to %scan3A_11 step %scan3A_12  : i32 {
      %mul3A_30 = arith.constant 16 : i32
      %mul3A_31 = arith.muli %scan3A_29, %mul3A_30 : i32
      %add3A_32 = arith.constant 256 : i32
      %add3A_33 = arith.addi %add3A_32, %mul3A_31 : i32
      %get3A = arith.index_cast %add3A_33 : i32 to index
      %get3A_34 = tpu.vector_load %arg5[%get3A] {strides = array<i32>} : memref<512xi32, #tpu.memory_space<vmem>>, vector<16xi32>,
      %slice3A = vector.extract_strided_slice %get3A_34 {offsets = [0], sizes = [1], strides = [1]} : vector<16xi32> to vector<1xi32>
      %squeeze3A = vector.extract %slice3A[0] : i32 from vector<1xi32>
      %shift_right_arithmetic3A = arith.constant 3 : i32
      %shift_right_arithmetic3A_35 = arith.shrsi %squeeze3A, %shift_right_arithmetic3A : i32
      %and3A = arith.constant 7 : i32
      %and3A_36 = arith.andi %squeeze3A, %and3A : i32
      %mul3A_37 = arith.constant 16 : i32
      %mul3A_38 = arith.muli %scan3A_29, %mul3A_37 : i32
      %add3A_39 = arith.constant 0 : i32
      %add3A_40 = arith.addi %mul3A_38, %add3A_39 : i32
      %dma_start3A = arith.constant 0 : i32
      %dma_start3A_41 = tpu.memref_slice %arg7[%add3A_40, %dma_start3A] : memref<256x64xf32, #tpu.memory_space<vmem>> -> memref<1x64xf32, #tpu.memory_space<vmem>>
      %dma_start3A_42 = tpu.memref_squeeze %dma_start3A_41 : memref<1x64xf32, #tpu.memory_space<vmem>> -> memref<64xf32, #tpu.memory_space<vmem>>
      %dma_start3A_43 = arith.constant 0 : i32
      %dma_start3A_44 = tpu.memref_slice %arg2[%shift_right_arithmetic3A_35, %and3A_36, %dma_start3A_43] : memref<125000x8x64xf32, #tpu.memory_space<hbm>> -> memref<1x1x64xf32, #tpu.memory_space<hbm>>
      %dma_start3A_45 = tpu.memref_squeeze %dma_start3A_44 : memref<1x1x64xf32, #tpu.memory_space<hbm>> -> memref<64xf32, #tpu.memory_space<hbm>>
      %dma_start3A_46 = arith.constant 0 : i32
      %dma_start3A_47 = tpu.memref_slice %arg7[%add3A_40, %dma_start3A_46] : memref<256x64xf32, #tpu.memory_space<vmem>> -> memref<1x64xf32, #tpu.memory_space<vmem>>
      %dma_start3A_48 = tpu.memref_squeeze %dma_start3A_47 : memref<1x64xf32, #tpu.memory_space<vmem>> -> memref<64xf32, #tpu.memory_space<vmem>>
      %dma_start3A_49 = arith.constant 0 : i32
      %dma_start3A_50 = tpu.memref_slice %arg2[%shift_right_arithmetic3A_35, %and3A_36, %dma_start3A_49] : memref<125000x8x64xf32, #tpu.memory_space<hbm>> -> memref<1x1x64xf32, #tpu.memory_space<hbm>>
      %dma_start3A_51 = tpu.memref_squeeze %dma_start3A_50 : memref<1x1x64xf32, #tpu.memory_space<hbm>> -> memref<64xf32, #tpu.memory_space<hbm>>
      tpu.enqueue_dma source(%dma_start3A_51 : memref<64xf32, #tpu.memory_space<hbm>>) target(%dma_start3A_48 : memref<64xf32, #tpu.memory_space<vmem>>) target_semaphore(%arg9 : memref<!tpu.dma_semaphore, #tpu.memory_space<semaphore_mem>>)
      %slice3A_52 = vector.extract_strided_slice %get3A_34 {offsets = [1], sizes = [1], strides = [1]} : vector<16xi32> to vector<1xi32>
      %squeeze3A_53 = vector.extract %slice3A_52[0] : i32 from vector<1xi32>
      %shift_right_arithmetic3A_54 = arith.constant 3 : i32
      %shift_right_arithmetic3A_55 = arith.shrsi %squeeze3A_53, %shift_right_arithmetic3A_54 : i32
      %and3A_56 = arith.constant 7 : i32
      %and3A_57 = arith.andi %squeeze3A_53, %and3A_56 : i32
      %mul3A_58 = arith.constant 16 : i32
      %mul3A_59 = arith.muli %scan3A_29, %mul3A_58 : i32
      %add3A_60 = arith.constant 1 : i32
      %add3A_61 = arith.addi %mul3A_59, %add3A_60 : i32
      %dma_start3A_62 = arith.constant 0 : i32
      %dma_start3A_63 = tpu.memref_slice %arg7[%add3A_61, %dma_start3A_62] : memref<256x64xf32, #tpu.memory_space<vmem>> -> memref<1x64xf32, #tpu.memory_space<vmem>>
      %dma_start3A_64 = tpu.memref_squeeze %dma_start3A_63 : memref<1x64xf32, #tpu.memory_space<vmem>> -> memref<64xf32, #tpu.memory_space<vmem>>
      %dma_start3A_65 = arith.constant 0 : i32
      %dma_start3A_66 = tpu.memref_slice %arg2[%shift_right_arithmetic3A_55, %and3A_57, %dma_start3A_65] : memref<125000x8x64xf32, #tpu.memory_space<hbm>> -> memref<1x1x64xf32, #tpu.memory_space<hbm>>
      %dma_start3A_67 = tpu.memref_squeeze %dma_start3A_66 : memref<1x1x64xf32, #tpu.memory_space<hbm>> -> memref<64xf32, #tpu.memory_space<hbm>>
      %dma_start3A_68 = arith.constant 0 : i32
      %dma_start3A_69 = tpu.memref_slice %arg7[%add3A_61, %dma_start3A_68] : memref<256x64xf32, #tpu.memory_space<vmem>> -> memref<1x64xf32, #tpu.memory_space<vmem>>
      %dma_start3A_70 = tpu.memref_squeeze %dma_start3A_69 : memref<1x64xf32, #tpu.memory_space<vmem>> -> memref<64xf32, #tpu.memory_space<vmem>>
      %dma_start3A_71 = arith.constant 0 : i32
      %dma_start3A_72 = tpu.memref_slice %arg2[%shift_right_arithmetic3A_55, %and3A_57, %dma_start3A_71] : memref<125000x8x64xf32, #tpu.memory_space<hbm>> -> memref<1x1x64xf32, #tpu.memory_space<hbm>>
      %dma_start3A_73 = tpu.memref_squeeze %dma_start3A_72 : memref<1x1x64xf32, #tpu.memory_space<hbm>> -> memref<64xf32, #tpu.memory_space<hbm>>
      tpu.enqueue_dma source(%dma_start3A_73 : memref<64xf32, #tpu.memory_space<hbm>>) target(%dma_start3A_70 : memref<64xf32, #tpu.memory_space<vmem>>) target_semaphore(%arg9 : memref<!tpu.dma_semaphore, #tpu.memory_space<semaphore_mem>>)
      %slice3A_74 = vector.extract_strided_slice %get3A_34 {offsets = [2], sizes = [1], strides = [1]} : vector<16xi32> to vector<1xi32>
      %squeeze3A_75 = vector.extract %slice3A_74[0] : i32 from vector<1xi32>
      %shift_right_arithmetic3A_76 = arith.constant 3 : i32
      %shift_right_arithmetic3A_77 = arith.shrsi %squeeze3A_75, %shift_right_arithmetic3A_76 : i32
      %and3A_78 = arith.constant 7 : i32
      %and3A_79 = arith.andi %squeeze3A_75, %and3A_78 : i32
      %mul3A_80 = arith.constant 16 : i32
      %mul3A_81 = arith.muli %scan3A_29, %mul3A_80 : i32
      %add3A_82 = arith.constant 2 : i32
      %add3A_83 = arith.addi %mul3A_81, %add3A_82 : i32
      %dma_start3A_84 = arith.constant 0 : i32
      %dma_start3A_85 = tpu.memref_slice %arg7[%add3A_83, %dma_start3A_84] : memref<256x64xf32, #tpu.memory_space<vmem>> -> memref<1x64xf32, #tpu.memory_space<vmem>>
      %dma_start3A_86 = tpu.memref_squeeze %dma_start3A_85 : memref<1x64xf32, #tpu.memory_space<vmem>> -> memref<64xf32, #tpu.memory_space<vmem>>
      %dma_start3A_87 = arith.constant 0 : i32
      %dma_start3A_88 = tpu.memref_slice %arg2[%shift_right_arithmetic3A_77, %and3A_79, %dma_start3A_87] : memref<125000x8x64xf32, #tpu.memory_space<hbm>> -> memref<1x1x64xf32, #tpu.memory_space<hbm>>
      %dma_start3A_89 = tpu.memref_squeeze %dma_start3A_88 : memref<1x1x64xf32, #tpu.memory_space<hbm>> -> memref<64xf32, #tpu.memory_space<hbm>>
      %dma_start3A_90 = arith.constant 0 : i32
      %dma_start3A_91 = tpu.memref_slice %arg7[%add3A_83, %dma_start3A_90] : memref<256x64xf32, #tpu.memory_space<vmem>> -> memref<1x64xf32, #tpu.memory_space<vmem>>
      %dma_start3A_92 = tpu.memref_squeeze %dma_start3A_91 : memref<1x64xf32, #tpu.memory_space<vmem>> -> memref<64xf32, #tpu.memory_space<vmem>>
      %dma_start3A_93 = arith.constant 0 : i32
      %dma_start3A_94 = tpu.memref_slice %arg2[%shift_right_arithmetic3A_77, %and3A_79, %dma_start3A_93] : memref<125000x8x64xf32, #tpu.memory_space<hbm>> -> memref<1x1x64xf32, #tpu.memory_space<hbm>>
      %dma_start3A_95 = tpu.memref_squeeze %dma_start3A_94 : memref<1x1x64xf32, #tpu.memory_space<hbm>> -> memref<64xf32, #tpu.memory_space<hbm>>
      tpu.enqueue_dma source(%dma_start3A_95 : memref<64xf32, #tpu.memory_space<hbm>>) target(%dma_start3A_92 : memref<64xf32, #tpu.memory_space<vmem>>) target_semaphore(%arg9 : memref<!tpu.dma_semaphore, #tpu.memory_space<semaphore_mem>>)
      %slice3A_96 = vector.extract_strided_slice %get3A_34 {offsets = [3], sizes = [1], strides = [1]} : vector<16xi32> to vector<1xi32>
      %squeeze3A_97 = vector.extract %slice3A_96[0] : i32 from vector<1xi32>
      %shift_right_arithmetic3A_98 = arith.constant 3 : i32
      %shift_right_arithmetic3A_99 = arith.shrsi %squeeze3A_97, %shift_right_arithmetic3A_98 : i32
      %and3A_100 = arith.constant 7 : i32
      %and3A_101 = arith.andi %squeeze3A_97, %and3A_100 : i32
      %mul3A_102 = arith.constant 16 : i32
      %mul3A_103 = arith.muli %scan3A_29, %mul3A_102 : i32
      %add3A_104 = arith.constant 3 : i32
      %add3A_105 = arith.addi %mul3A_103, %add3A_104 : i32
      %dma_start3A_106 = arith.constant 0 : i32
      %dma_start3A_107 = tpu.memref_slice %arg7[%add3A_105, %dma_start3A_106] : memref<256x64xf32, #tpu.memory_space<vmem>> -> memref<1x64xf32, #tpu.memory_space<vmem>>
      %dma_start3A_108 = tpu.memref_squeeze %dma_start3A_107 : memref<1x64xf32, #tpu.memory_space<vmem>> -> memref<64xf32, #tpu.memory_space<vmem>>
      %dma_start3A_109 = arith.constant 0 : i32
      %dma_start3A_110 = tpu.memref_slice %arg2[%shift_right_arithmetic3A_99, %and3A_101, %dma_start3A_109] : memref<125000x8x64xf32, #tpu.memory_space<hbm>> -> memref<1x1x64xf32, #tpu.memory_space<hbm>>
      %dma_start3A_111 = tpu.memref_squeeze %dma_start3A_110 : memref<1x1x64xf32, #tpu.memory_space<hbm>> -> memref<64xf32, #tpu.memory_space<hbm>>
      %dma_start3A_112 = arith.constant 0 : i32
      %dma_start3A_113 = tpu.memref_slice %arg7[%add3A_105, %dma_start3A_112] : memref<256x64xf32, #tpu.memory_space<vmem>> -> memref<1x64xf32, #tpu.memory_space<vmem>>
      %dma_start3A_114 = tpu.memref_squeeze %dma_start3A_113 : memref<1x64xf32, #tpu.memory_space<vmem>> -> memref<64xf32, #tpu.memory_space<vmem>>
      %dma_start3A_115 = arith.constant 0 : i32
      %dma_start3A_116 = tpu.memref_slice %arg2[%shift_right_arithmetic3A_99, %and3A_101, %dma_start3A_115] : memref<125000x8x64xf32, #tpu.memory_space<hbm>> -> memref<1x1x64xf32, #tpu.memory_space<hbm>>
      %dma_start3A_117 = tpu.memref_squeeze %dma_start3A_116 : memref<1x1x64xf32, #tpu.memory_space<hbm>> -> memref<64xf32, #tpu.memory_space<hbm>>
      tpu.enqueue_dma source(%dma_start3A_117 : memref<64xf32, #tpu.memory_space<hbm>>) target(%dma_start3A_114 : memref<64xf32, #tpu.memory_space<vmem>>) target_semaphore(%arg9 : memref<!tpu.dma_semaphore, #tpu.memory_space<semaphore_mem>>)
      %slice3A_118 = vector.extract_strided_slice %get3A_34 {offsets = [4], sizes = [1], strides = [1]} : vector<16xi32> to vector<1xi32>
      %squeeze3A_119 = vector.extract %slice3A_118[0] : i32 from vector<1xi32>
      %shift_right_arithmetic3A_120 = arith.constant 3 : i32
      %shift_right_arithmetic3A_121 = arith.shrsi %squeeze3A_119, %shift_right_arithmetic3A_120 : i32
      %and3A_122 = arith.constant 7 : i32
      %and3A_123 = arith.andi %squeeze3A_119, %and3A_122 : i32
      %mul3A_124 = arith.constant 16 : i32
      %mul3A_125 = arith.muli %scan3A_29, %mul3A_124 : i32
      %add3A_126 = arith.constant 4 : i32
      %add3A_127 = arith.addi %mul3A_125, %add3A_126 : i32
      %dma_start3A_128 = arith.constant 0 : i32
      %dma_start3A_129 = tpu.memref_slice %arg7[%add3A_127, %dma_start3A_128] : memref<256x64xf32, #tpu.memory_space<vmem>> -> memref<1x64xf32, #tpu.memory_space<vmem>>
      %dma_start3A_130 = tpu.memref_squeeze %dma_start3A_129 : memref<1x64xf32, #tpu.memory_space<vmem>> -> memref<64xf32, #tpu.memory_space<vmem>>
      %dma_start3A_131 = arith.constant 0 : i32
      %dma_start3A_132 = tpu.memref_slice %arg2[%shift_right_arithmetic3A_121, %and3A_123, %dma_start3A_131] : memref<125000x8x64xf32, #tpu.memory_space<hbm>> -> memref<1x1x64xf32, #tpu.memory_space<hbm>>
      %dma_start3A_133 = tpu.memref_squeeze %dma_start3A_132 : memref<1x1x64xf32, #tpu.memory_space<hbm>> -> memref<64xf32, #tpu.memory_space<hbm>>
      %dma_start3A_134 = arith.constant 0 : i32
      %dma_start3A_135 = tpu.memref_slice %arg7[%add3A_127, %dma_start3A_134] : memref<256x64xf32, #tpu.memory_space<vmem>> -> memref<1x64xf32, #tpu.memory_space<vmem>>
      %dma_start3A_136 = tpu.memref_squeeze %dma_start3A_135 : memref<1x64xf32, #tpu.memory_space<vmem>> -> memref<64xf32, #tpu.memory_space<vmem>>
      %dma_start3A_137 = arith.constant 0 : i32
      %dma_start3A_138 = tpu.memref_slice %arg2[%shift_right_arithmetic3A_121, %and3A_123, %dma_start3A_137] : memref<125000x8x64xf32, #tpu.memory_space<hbm>> -> memref<1x1x64xf32, #tpu.memory_space<hbm>>
      %dma_start3A_139 = tpu.memref_squeeze %dma_start3A_138 : memref<1x1x64xf32, #tpu.memory_space<hbm>> -> memref<64xf32, #tpu.memory_space<hbm>>
      tpu.enqueue_dma source(%dma_start3A_139 : memref<64xf32, #tpu.memory_space<hbm>>) target(%dma_start3A_136 : memref<64xf32, #tpu.memory_space<vmem>>) target_semaphore(%arg9 : memref<!tpu.dma_semaphore, #tpu.memory_space<semaphore_mem>>)
      %slice3A_140 = vector.extract_strided_slice %get3A_34 {offsets = [5], sizes = [1], strides = [1]} : vector<16xi32> to vector<1xi32>
      %squeeze3A_141 = vector.extract %slice3A_140[0] : i32 from vector<1xi32>
      %shift_right_arithmetic3A_142 = arith.constant 3 : i32
      %shift_right_arithmetic3A_143 = arith.shrsi %squeeze3A_141, %shift_right_arithmetic3A_142 : i32
      %and3A_144 = arith.constant 7 : i32
      %and3A_145 = arith.andi %squeeze3A_141, %and3A_144 : i32
      %mul3A_146 = arith.constant 16 : i32
      %mul3A_147 = arith.muli %scan3A_29, %mul3A_146 : i32
      %add3A_148 = arith.constant 5 : i32
      %add3A_149 = arith.addi %mul3A_147, %add3A_148 : i32
      %dma_start3A_150 = arith.constant 0 : i32
      %dma_start3A_151 = tpu.memref_slice %arg7[%add3A_149, %dma_start3A_150] : memref<256x64xf32, #tpu.memory_space<vmem>> -> memref<1x64xf32, #tpu.memory_space<vmem>>
      %dma_start3A_152 = tpu.memref_squeeze %dma_start3A_151 : memref<1x64xf32, #tpu.memory_space<vmem>> -> memref<64xf32, #tpu.memory_space<vmem>>
      %dma_start3A_153 = arith.constant 0 : i32
      %dma_start3A_154 = tpu.memref_slice %arg2[%shift_right_arithmetic3A_143, %and3A_145, %dma_start3A_153] : memref<125000x8x64xf32, #tpu.memory_space<hbm>> -> memref<1x1x64xf32, #tpu.memory_space<hbm>>
      %dma_start3A_155 = tpu.memref_squeeze %dma_start3A_154 : memref<1x1x64xf32, #tpu.memory_space<hbm>> -> memref<64xf32, #tpu.memory_space<hbm>>
      %dma_start3A_156 = arith.constant 0 : i32
      %dma_start3A_157 = tpu.memref_slice %arg7[%add3A_149, %dma_start3A_156] : memref<256x64xf32, #tpu.memory_space<vmem>> -> memref<1x64xf32, #tpu.memory_space<vmem>>
      %dma_start3A_158 = tpu.memref_squeeze %dma_start3A_157 : memref<1x64xf32, #tpu.memory_space<vmem>> -> memref<64xf32, #tpu.memory_space<vmem>>
      %dma_start3A_159 = arith.constant 0 : i32
      %dma_start3A_160 = tpu.memref_slice %arg2[%shift_right_arithmetic3A_143, %and3A_145, %dma_start3A_159] : memref<125000x8x64xf32, #tpu.memory_space<hbm>> -> memref<1x1x64xf32, #tpu.memory_space<hbm>>
      %dma_start3A_161 = tpu.memref_squeeze %dma_start3A_160 : memref<1x1x64xf32, #tpu.memory_space<hbm>> -> memref<64xf32, #tpu.memory_space<hbm>>
      tpu.enqueue_dma source(%dma_start3A_161 : memref<64xf32, #tpu.memory_space<hbm>>) target(%dma_start3A_158 : memref<64xf32, #tpu.memory_space<vmem>>) target_semaphore(%arg9 : memref<!tpu.dma_semaphore, #tpu.memory_space<semaphore_mem>>)
      %slice3A_162 = vector.extract_strided_slice %get3A_34 {offsets = [6], sizes = [1], strides = [1]} : vector<16xi32> to vector<1xi32>
      %squeeze3A_163 = vector.extract %slice3A_162[0] : i32 from vector<1xi32>
      %shift_right_arithmetic3A_164 = arith.constant 3 : i32
      %shift_right_arithmetic3A_165 = arith.shrsi %squeeze3A_163, %shift_right_arithmetic3A_164 : i32
      %and3A_166 = arith.constant 7 : i32
      %and3A_167 = arith.andi %squeeze3A_163, %and3A_166 : i32
      %mul3A_168 = arith.constant 16 : i32
      %mul3A_169 = arith.muli %scan3A_29, %mul3A_168 : i32
      %add3A_170 = arith.constant 6 : i32
      %add3A_171 = arith.addi %mul3A_169, %add3A_170 : i32
      %dma_start3A_172 = arith.constant 0 : i32
      %dma_start3A_173 = tpu.memref_slice %arg7[%add3A_171, %dma_start3A_172] : memref<256x64xf32, #tpu.memory_space<vmem>> -> memref<1x64xf32, #tpu.memory_space<vmem>>
      %dma_start3A_174 = tpu.memref_squeeze %dma_start3A_173 : memref<1x64xf32, #tpu.memory_space<vmem>> -> memref<64xf32, #tpu.memory_space<vmem>>
      %dma_start3A_175 = arith.constant 0 : i32
      %dma_start3A_176 = tpu.memref_slice %arg2[%shift_right_arithmetic3A_165, %and3A_167, %dma_start3A_175] : memref<125000x8x64xf32, #tpu.memory_space<hbm>> -> memref<1x1x64xf32, #tpu.memory_space<hbm>>
      %dma_start3A_177 = tpu.memref_squeeze %dma_start3A_176 : memref<1x1x64xf32, #tpu.memory_space<hbm>> -> memref<64xf32, #tpu.memory_space<hbm>>
      %dma_start3A_178 = arith.constant 0 : i32
      %dma_start3A_179 = tpu.memref_slice %arg7[%add3A_171, %dma_start3A_178] : memref<256x64xf32, #tpu.memory_space<vmem>> -> memref<1x64xf32, #tpu.memory_space<vmem>>
      %dma_start3A_180 = tpu.memref_squeeze %dma_start3A_179 : memref<1x64xf32, #tpu.memory_space<vmem>> -> memref<64xf32, #tpu.memory_space<vmem>>
      %dma_start3A_181 = arith.constant 0 : i32
      %dma_start3A_182 = tpu.memref_slice %arg2[%shift_right_arithmetic3A_165, %and3A_167, %dma_start3A_181] : memref<125000x8x64xf32, #tpu.memory_space<hbm>> -> memref<1x1x64xf32, #tpu.memory_space<hbm>>
      %dma_start3A_183 = tpu.memref_squeeze %dma_start3A_182 : memref<1x1x64xf32, #tpu.memory_space<hbm>> -> memref<64xf32, #tpu.memory_space<hbm>>
      tpu.enqueue_dma source(%dma_start3A_183 : memref<64xf32, #tpu.memory_space<hbm>>) target(%dma_start3A_180 : memref<64xf32, #tpu.memory_space<vmem>>) target_semaphore(%arg9 : memref<!tpu.dma_semaphore, #tpu.memory_space<semaphore_mem>>)
      %slice3A_184 = vector.extract_strided_slice %get3A_34 {offsets = [7], sizes = [1], strides = [1]} : vector<16xi32> to vector<1xi32>
      %squeeze3A_185 = vector.extract %slice3A_184[0] : i32 from vector<1xi32>
      %shift_right_arithmetic3A_186 = arith.constant 3 : i32
      %shift_right_arithmetic3A_187 = arith.shrsi %squeeze3A_185, %shift_right_arithmetic3A_186 : i32
      %and3A_188 = arith.constant 7 : i32
      %and3A_189 = arith.andi %squeeze3A_185, %and3A_188 : i32
      %mul3A_190 = arith.constant 16 : i32
      %mul3A_191 = arith.muli %scan3A_29, %mul3A_190 : i32
      %add3A_192 = arith.constant 7 : i32
      %add3A_193 = arith.addi %mul3A_191, %add3A_192 : i32
      %dma_start3A_194 = arith.constant 0 : i32
      %dma_start3A_195 = tpu.memref_slice %arg7[%add3A_193, %dma_start3A_194] : memref<256x64xf32, #tpu.memory_space<vmem>> -> memref<1x64xf32, #tpu.memory_space<vmem>>
      %dma_start3A_196 = tpu.memref_squeeze %dma_start3A_195 : memref<1x64xf32, #tpu.memory_space<vmem>> -> memref<64xf32, #tpu.memory_space<vmem>>
      %dma_start3A_197 = arith.constant 0 : i32
      %dma_start3A_198 = tpu.memref_slice %arg2[%shift_right_arithmetic3A_187, %and3A_189, %dma_start3A_197] : memref<125000x8x64xf32, #tpu.memory_space<hbm>> -> memref<1x1x64xf32, #tpu.memory_space<hbm>>
      %dma_start3A_199 = tpu.memref_squeeze %dma_start3A_198 : memref<1x1x64xf32, #tpu.memory_space<hbm>> -> memref<64xf32, #tpu.memory_space<hbm>>
      %dma_start3A_200 = arith.constant 0 : i32
      %dma_start3A_201 = tpu.memref_slice %arg7[%add3A_193, %dma_start3A_200] : memref<256x64xf32, #tpu.memory_space<vmem>> -> memref<1x64xf32, #tpu.memory_space<vmem>>
      %dma_start3A_202 = tpu.memref_squeeze %dma_start3A_201 : memref<1x64xf32, #tpu.memory_space<vmem>> -> memref<64xf32, #tpu.memory_space<vmem>>
      %dma_start3A_203 = arith.constant 0 : i32
      %dma_start3A_204 = tpu.memref_slice %arg2[%shift_right_arithmetic3A_187, %and3A_189, %dma_start3A_203] : memref<125000x8x64xf32, #tpu.memory_space<hbm>> -> memref<1x1x64xf32, #tpu.memory_space<hbm>>
      %dma_start3A_205 = tpu.memref_squeeze %dma_start3A_204 : memref<1x1x64xf32, #tpu.memory_space<hbm>> -> memref<64xf32, #tpu.memory_space<hbm>>
      tpu.enqueue_dma source(%dma_start3A_205 : memref<64xf32, #tpu.memory_space<hbm>>) target(%dma_start3A_202 : memref<64xf32, #tpu.memory_space<vmem>>) target_semaphore(%arg9 : memref<!tpu.dma_semaphore, #tpu.memory_space<semaphore_mem>>)
      %slice3A_206 = vector.extract_strided_slice %get3A_34 {offsets = [8], sizes = [1], strides = [1]} : vector<16xi32> to vector<1xi32>
      %squeeze3A_207 = vector.extract %slice3A_206[0] : i32 from vector<1xi32>
      %shift_right_arithmetic3A_208 = arith.constant 3 : i32
      %shift_right_arithmetic3A_209 = arith.shrsi %squeeze3A_207, %shift_right_arithmetic3A_208 : i32
      %and3A_210 = arith.constant 7 : i32
      %and3A_211 = arith.andi %squeeze3A_207, %and3A_210 : i32
      %mul3A_212 = arith.constant 16 : i32
      %mul3A_213 = arith.muli %scan3A_29, %mul3A_212 : i32
      %add3A_214 = arith.constant 8 : i32
      %add3A_215 = arith.addi %mul3A_213, %add3A_214 : i32
      %dma_start3A_216 = arith.constant 0 : i32
      %dma_start3A_217 = tpu.memref_slice %arg7[%add3A_215, %dma_start3A_216] : memref<256x64xf32, #tpu.memory_space<vmem>> -> memref<1x64xf32, #tpu.memory_space<vmem>>
      %dma_start3A_218 = tpu.memref_squeeze %dma_start3A_217 : memref<1x64xf32, #tpu.memory_space<vmem>> -> memref<64xf32, #tpu.memory_space<vmem>>
      %dma_start3A_219 = arith.constant 0 : i32
      %dma_start3A_220 = tpu.memref_slice %arg2[%shift_right_arithmetic3A_209, %and3A_211, %dma_start3A_219] : memref<125000x8x64xf32, #tpu.memory_space<hbm>> -> memref<1x1x64xf32, #tpu.memory_space<hbm>>
      %dma_start3A_221 = tpu.memref_squeeze %dma_start3A_220 : memref<1x1x64xf32, #tpu.memory_space<hbm>> -> memref<64xf32, #tpu.memory_space<hbm>>
      %dma_start3A_222 = arith.constant 0 : i32
      %dma_start3A_223 = tpu.memref_slice %arg7[%add3A_215, %dma_start3A_222] : memref<256x64xf32, #tpu.memory_space<vmem>> -> memref<1x64xf32, #tpu.memory_space<vmem>>
      %dma_start3A_224 = tpu.memref_squeeze %dma_start3A_223 : memref<1x64xf32, #tpu.memory_space<vmem>> -> memref<64xf32, #tpu.memory_space<vmem>>
      %dma_start3A_225 = arith.constant 0 : i32
      %dma_start3A_226 = tpu.memref_slice %arg2[%shift_right_arithmetic3A_209, %and3A_211, %dma_start3A_225] : memref<125000x8x64xf32, #tpu.memory_space<hbm>> -> memref<1x1x64xf32, #tpu.memory_space<hbm>>
      %dma_start3A_227 = tpu.memref_squeeze %dma_start3A_226 : memref<1x1x64xf32, #tpu.memory_space<hbm>> -> memref<64xf32, #tpu.memory_space<hbm>>
      tpu.enqueue_dma source(%dma_start3A_227 : memref<64xf32, #tpu.memory_space<hbm>>) target(%dma_start3A_224 : memref<64xf32, #tpu.memory_space<vmem>>) target_semaphore(%arg9 : memref<!tpu.dma_semaphore, #tpu.memory_space<semaphore_mem>>)
      %slice3A_228 = vector.extract_strided_slice %get3A_34 {offsets = [9], sizes = [1], strides = [1]} : vector<16xi32> to vector<1xi32>
      %squeeze3A_229 = vector.extract %slice3A_228[0] : i32 from vector<1xi32>
      %shift_right_arithmetic3A_230 = arith.constant 3 : i32
      %shift_right_arithmetic3A_231 = arith.shrsi %squeeze3A_229, %shift_right_arithmetic3A_230 : i32
      %and3A_232 = arith.constant 7 : i32
      %and3A_233 = arith.andi %squeeze3A_229, %and3A_232 : i32
      %mul3A_234 = arith.constant 16 : i32
      %mul3A_235 = arith.muli %scan3A_29, %mul3A_234 : i32
      %add3A_236 = arith.constant 9 : i32
      %add3A_237 = arith.addi %mul3A_235, %add3A_236 : i32
      %dma_start3A_238 = arith.constant 0 : i32
      %dma_start3A_239 = tpu.memref_slice %arg7[%add3A_237, %dma_start3A_238] : memref<256x64xf32, #tpu.memory_space<vmem>> -> memref<1x64xf32, #tpu.memory_space<vmem>>
      %dma_start3A_240 = tpu.memref_squeeze %dma_start3A_239 : memref<1x64xf32, #tpu.memory_space<vmem>> -> memref<64xf32, #tpu.memory_space<vmem>>
      %dma_start3A_241 = arith.constant 0 : i32
      %dma_start3A_242 = tpu.memref_slice %arg2[%shift_right_arithmetic3A_231, %and3A_233, %dma_start3A_241] : memref<125000x8x64xf32, #tpu.memory_space<hbm>> -> memref<1x1x64xf32, #tpu.memory_space<hbm>>
      %dma_start3A_243 = tpu.memref_squeeze %dma_start3A_242 : memref<1x1x64xf32, #tpu.memory_space<hbm>> -> memref<64xf32, #tpu.memory_space<hbm>>
      %dma_start3A_244 = arith.constant 0 : i32
      %dma_start3A_245 = tpu.memref_slice %arg7[%add3A_237, %dma_start3A_244] : memref<256x64xf32, #tpu.memory_space<vmem>> -> memref<1x64xf32, #tpu.memory_space<vmem>>
      %dma_start3A_246 = tpu.memref_squeeze %dma_start3A_245 : memref<1x64xf32, #tpu.memory_space<vmem>> -> memref<64xf32, #tpu.memory_space<vmem>>
      %dma_start3A_247 = arith.constant 0 : i32
      %dma_start3A_248 = tpu.memref_slice %arg2[%shift_right_arithmetic3A_231, %and3A_233, %dma_start3A_247] : memref<125000x8x64xf32, #tpu.memory_space<hbm>> -> memref<1x1x64xf32, #tpu.memory_space<hbm>>
      %dma_start3A_249 = tpu.memref_squeeze %dma_start3A_248 : memref<1x1x64xf32, #tpu.memory_space<hbm>> -> memref<64xf32, #tpu.memory_space<hbm>>
      tpu.enqueue_dma source(%dma_start3A_249 : memref<64xf32, #tpu.memory_space<hbm>>) target(%dma_start3A_246 : memref<64xf32, #tpu.memory_space<vmem>>) target_semaphore(%arg9 : memref<!tpu.dma_semaphore, #tpu.memory_space<semaphore_mem>>)
      %slice3A_250 = vector.extract_strided_slice %get3A_34 {offsets = [10], sizes = [1], strides = [1]} : vector<16xi32> to vector<1xi32>
      %squeeze3A_251 = vector.extract %slice3A_250[0] : i32 from vector<1xi32>
      %shift_right_arithmetic3A_252 = arith.constant 3 : i32
      %shift_right_arithmetic3A_253 = arith.shrsi %squeeze3A_251, %shift_right_arithmetic3A_252 : i32
      %and3A_254 = arith.constant 7 : i32
      %and3A_255 = arith.andi %squeeze3A_251, %and3A_254 : i32
      %mul3A_256 = arith.constant 16 : i32
      %mul3A_257 = arith.muli %scan3A_29, %mul3A_256 : i32
      %add3A_258 = arith.constant 10 : i32
      %add3A_259 = arith.addi %mul3A_257, %add3A_258 : i32
      %dma_start3A_260 = arith.constant 0 : i32
      %dma_start3A_261 = tpu.memref_slice %arg7[%add3A_259, %dma_start3A_260] : memref<256x64xf32, #tpu.memory_space<vmem>> -> memref<1x64xf32, #tpu.memory_space<vmem>>
      %dma_start3A_262 = tpu.memref_squeeze %dma_start3A_261 : memref<1x64xf32, #tpu.memory_space<vmem>> -> memref<64xf32, #tpu.memory_space<vmem>>
      %dma_start3A_263 = arith.constant 0 : i32
      %dma_start3A_264 = tpu.memref_slice %arg2[%shift_right_arithmetic3A_253, %and3A_255, %dma_start3A_263] : memref<125000x8x64xf32, #tpu.memory_space<hbm>> -> memref<1x1x64xf32, #tpu.memory_space<hbm>>
      %dma_start3A_265 = tpu.memref_squeeze %dma_start3A_264 : memref<1x1x64xf32, #tpu.memory_space<hbm>> -> memref<64xf32, #tpu.memory_space<hbm>>
      %dma_start3A_266 = arith.constant 0 : i32
      %dma_start3A_267 = tpu.memref_slice %arg7[%add3A_259, %dma_start3A_266] : memref<256x64xf32, #tpu.memory_space<vmem>> -> memref<1x64xf32, #tpu.memory_space<vmem>>
      %dma_start3A_268 = tpu.memref_squeeze %dma_start3A_267 : memref<1x64xf32, #tpu.memory_space<vmem>> -> memref<64xf32, #tpu.memory_space<vmem>>
      %dma_start3A_269 = arith.constant 0 : i32
      %dma_start3A_270 = tpu.memref_slice %arg2[%shift_right_arithmetic3A_253, %and3A_255, %dma_start3A_269] : memref<125000x8x64xf32, #tpu.memory_space<hbm>> -> memref<1x1x64xf32, #tpu.memory_space<hbm>>
      %dma_start3A_271 = tpu.memref_squeeze %dma_start3A_270 : memref<1x1x64xf32, #tpu.memory_space<hbm>> -> memref<64xf32, #tpu.memory_space<hbm>>
      tpu.enqueue_dma source(%dma_start3A_271 : memref<64xf32, #tpu.memory_space<hbm>>) target(%dma_start3A_268 : memref<64xf32, #tpu.memory_space<vmem>>) target_semaphore(%arg9 : memref<!tpu.dma_semaphore, #tpu.memory_space<semaphore_mem>>)
      %slice3A_272 = vector.extract_strided_slice %get3A_34 {offsets = [11], sizes = [1], strides = [1]} : vector<16xi32> to vector<1xi32>
      %squeeze3A_273 = vector.extract %slice3A_272[0] : i32 from vector<1xi32>
      %shift_right_arithmetic3A_274 = arith.constant 3 : i32
      %shift_right_arithmetic3A_275 = arith.shrsi %squeeze3A_273, %shift_right_arithmetic3A_274 : i32
      %and3A_276 = arith.constant 7 : i32
      %and3A_277 = arith.andi %squeeze3A_273, %and3A_276 : i32
      %mul3A_278 = arith.constant 16 : i32
      %mul3A_279 = arith.muli %scan3A_29, %mul3A_278 : i32
      %add3A_280 = arith.constant 11 : i32
      %add3A_281 = arith.addi %mul3A_279, %add3A_280 : i32
      %dma_start3A_282 = arith.constant 0 : i32
      %dma_start3A_283 = tpu.memref_slice %arg7[%add3A_281, %dma_start3A_282] : memref<256x64xf32, #tpu.memory_space<vmem>> -> memref<1x64xf32, #tpu.memory_space<vmem>>
      %dma_start3A_284 = tpu.memref_squeeze %dma_start3A_283 : memref<1x64xf32, #tpu.memory_space<vmem>> -> memref<64xf32, #tpu.memory_space<vmem>>
      %dma_start3A_285 = arith.constant 0 : i32
      %dma_start3A_286 = tpu.memref_slice %arg2[%shift_right_arithmetic3A_275, %and3A_277, %dma_start3A_285] : memref<125000x8x64xf32, #tpu.memory_space<hbm>> -> memref<1x1x64xf32, #tpu.memory_space<hbm>>
      %dma_start3A_287 = tpu.memref_squeeze %dma_start3A_286 : memref<1x1x64xf32, #tpu.memory_space<hbm>> -> memref<64xf32, #tpu.memory_space<hbm>>
      %dma_start3A_288 = arith.constant 0 : i32
      %dma_start3A_289 = tpu.memref_slice %arg7[%add3A_281, %dma_start3A_288] : memref<256x64xf32, #tpu.memory_space<vmem>> -> memref<1x64xf32, #tpu.memory_space<vmem>>
      %dma_start3A_290 = tpu.memref_squeeze %dma_start3A_289 : memref<1x64xf32, #tpu.memory_space<vmem>> -> memref<64xf32, #tpu.memory_space<vmem>>
      %dma_start3A_291 = arith.constant 0 : i32
      %dma_start3A_292 = tpu.memref_slice %arg2[%shift_right_arithmetic3A_275, %and3A_277, %dma_start3A_291] : memref<125000x8x64xf32, #tpu.memory_space<hbm>> -> memref<1x1x64xf32, #tpu.memory_space<hbm>>
      %dma_start3A_293 = tpu.memref_squeeze %dma_start3A_292 : memref<1x1x64xf32, #tpu.memory_space<hbm>> -> memref<64xf32, #tpu.memory_space<hbm>>
      tpu.enqueue_dma source(%dma_start3A_293 : memref<64xf32, #tpu.memory_space<hbm>>) target(%dma_start3A_290 : memref<64xf32, #tpu.memory_space<vmem>>) target_semaphore(%arg9 : memref<!tpu.dma_semaphore, #tpu.memory_space<semaphore_mem>>)
      %slice3A_294 = vector.extract_strided_slice %get3A_34 {offsets = [12], sizes = [1], strides = [1]} : vector<16xi32> to vector<1xi32>
      %squeeze3A_295 = vector.extract %slice3A_294[0] : i32 from vector<1xi32>
      %shift_right_arithmetic3A_296 = arith.constant 3 : i32
      %shift_right_arithmetic3A_297 = arith.shrsi %squeeze3A_295, %shift_right_arithmetic3A_296 : i32
      %and3A_298 = arith.constant 7 : i32
      %and3A_299 = arith.andi %squeeze3A_295, %and3A_298 : i32
      %mul3A_300 = arith.constant 16 : i32
      %mul3A_301 = arith.muli %scan3A_29, %mul3A_300 : i32
      %add3A_302 = arith.constant 12 : i32
      %add3A_303 = arith.addi %mul3A_301, %add3A_302 : i32
      %dma_start3A_304 = arith.constant 0 : i32
      %dma_start3A_305 = tpu.memref_slice %arg7[%add3A_303, %dma_start3A_304] : memref<256x64xf32, #tpu.memory_space<vmem>> -> memref<1x64xf32, #tpu.memory_space<vmem>>
      %dma_start3A_306 = tpu.memref_squeeze %dma_start3A_305 : memref<1x64xf32, #tpu.memory_space<vmem>> -> memref<64xf32, #tpu.memory_space<vmem>>
      %dma_start3A_307 = arith.constant 0 : i32
      %dma_start3A_308 = tpu.memref_slice %arg2[%shift_right_arithmetic3A_297, %and3A_299, %dma_start3A_307] : memref<125000x8x64xf32, #tpu.memory_space<hbm>> -> memref<1x1x64xf32, #tpu.memory_space<hbm>>
      %dma_start3A_309 = tpu.memref_squeeze %dma_start3A_308 : memref<1x1x64xf32, #tpu.memory_space<hbm>> -> memref<64xf32, #tpu.memory_space<hbm>>
      %dma_start3A_310 = arith.constant 0 : i32
      %dma_start3A_311 = tpu.memref_slice %arg7[%add3A_303, %dma_start3A_310] : memref<256x64xf32, #tpu.memory_space<vmem>> -> memref<1x64xf32, #tpu.memory_space<vmem>>
      %dma_start3A_312 = tpu.memref_squeeze %dma_start3A_311 : memref<1x64xf32, #tpu.memory_space<vmem>> -> memref<64xf32, #tpu.memory_space<vmem>>
      %dma_start3A_313 = arith.constant 0 : i32
      %dma_start3A_314 = tpu.memref_slice %arg2[%shift_right_arithmetic3A_297, %and3A_299, %dma_start3A_313] : memref<125000x8x64xf32, #tpu.memory_space<hbm>> -> memref<1x1x64xf32, #tpu.memory_space<hbm>>
      %dma_start3A_315 = tpu.memref_squeeze %dma_start3A_314 : memref<1x1x64xf32, #tpu.memory_space<hbm>> -> memref<64xf32, #tpu.memory_space<hbm>>
      tpu.enqueue_dma source(%dma_start3A_315 : memref<64xf32, #tpu.memory_space<hbm>>) target(%dma_start3A_312 : memref<64xf32, #tpu.memory_space<vmem>>) target_semaphore(%arg9 : memref<!tpu.dma_semaphore, #tpu.memory_space<semaphore_mem>>)
      %slice3A_316 = vector.extract_strided_slice %get3A_34 {offsets = [13], sizes = [1], strides = [1]} : vector<16xi32> to vector<1xi32>
      %squeeze3A_317 = vector.extract %slice3A_316[0] : i32 from vector<1xi32>
      %shift_right_arithmetic3A_318 = arith.constant 3 : i32
      %shift_right_arithmetic3A_319 = arith.shrsi %squeeze3A_317, %shift_right_arithmetic3A_318 : i32
      %and3A_320 = arith.constant 7 : i32
      %and3A_321 = arith.andi %squeeze3A_317, %and3A_320 : i32
      %mul3A_322 = arith.constant 16 : i32
      %mul3A_323 = arith.muli %scan3A_29, %mul3A_322 : i32
      %add3A_324 = arith.constant 13 : i32
      %add3A_325 = arith.addi %mul3A_323, %add3A_324 : i32
      %dma_start3A_326 = arith.constant 0 : i32
      %dma_start3A_327 = tpu.memref_slice %arg7[%add3A_325, %dma_start3A_326] : memref<256x64xf32, #tpu.memory_space<vmem>> -> memref<1x64xf32, #tpu.memory_space<vmem>>
      %dma_start3A_328 = tpu.memref_squeeze %dma_start3A_327 : memref<1x64xf32, #tpu.memory_space<vmem>> -> memref<64xf32, #tpu.memory_space<vmem>>
      %dma_start3A_329 = arith.constant 0 : i32
      %dma_start3A_330 = tpu.memref_slice %arg2[%shift_right_arithmetic3A_319, %and3A_321, %dma_start3A_329] : memref<125000x8x64xf32, #tpu.memory_space<hbm>> -> memref<1x1x64xf32, #tpu.memory_space<hbm>>
      %dma_start3A_331 = tpu.memref_squeeze %dma_start3A_330 : memref<1x1x64xf32, #tpu.memory_space<hbm>> -> memref<64xf32, #tpu.memory_space<hbm>>
      %dma_start3A_332 = arith.constant 0 : i32
      %dma_start3A_333 = tpu.memref_slice %arg7[%add3A_325, %dma_start3A_332] : memref<256x64xf32, #tpu.memory_space<vmem>> -> memref<1x64xf32, #tpu.memory_space<vmem>>
      %dma_start3A_334 = tpu.memref_squeeze %dma_start3A_333 : memref<1x64xf32, #tpu.memory_space<vmem>> -> memref<64xf32, #tpu.memory_space<vmem>>
      %dma_start3A_335 = arith.constant 0 : i32
      %dma_start3A_336 = tpu.memref_slice %arg2[%shift_right_arithmetic3A_319, %and3A_321, %dma_start3A_335] : memref<125000x8x64xf32, #tpu.memory_space<hbm>> -> memref<1x1x64xf32, #tpu.memory_space<hbm>>
      %dma_start3A_337 = tpu.memref_squeeze %dma_start3A_336 : memref<1x1x64xf32, #tpu.memory_space<hbm>> -> memref<64xf32, #tpu.memory_space<hbm>>
      tpu.enqueue_dma source(%dma_start3A_337 : memref<64xf32, #tpu.memory_space<hbm>>) target(%dma_start3A_334 : memref<64xf32, #tpu.memory_space<vmem>>) target_semaphore(%arg9 : memref<!tpu.dma_semaphore, #tpu.memory_space<semaphore_mem>>)
      %slice3A_338 = vector.extract_strided_slice %get3A_34 {offsets = [14], sizes = [1], strides = [1]} : vector<16xi32> to vector<1xi32>
      %squeeze3A_339 = vector.extract %slice3A_338[0] : i32 from vector<1xi32>
      %shift_right_arithmetic3A_340 = arith.constant 3 : i32
      %shift_right_arithmetic3A_341 = arith.shrsi %squeeze3A_339, %shift_right_arithmetic3A_340 : i32
      %and3A_342 = arith.constant 7 : i32
      %and3A_343 = arith.andi %squeeze3A_339, %and3A_342 : i32
      %mul3A_344 = arith.constant 16 : i32
      %mul3A_345 = arith.muli %scan3A_29, %mul3A_344 : i32
      %add3A_346 = arith.constant 14 : i32
      %add3A_347 = arith.addi %mul3A_345, %add3A_346 : i32
      %dma_start3A_348 = arith.constant 0 : i32
      %dma_start3A_349 = tpu.memref_slice %arg7[%add3A_347, %dma_start3A_348] : memref<256x64xf32, #tpu.memory_space<vmem>> -> memref<1x64xf32, #tpu.memory_space<vmem>>
      %dma_start3A_350 = tpu.memref_squeeze %dma_start3A_349 : memref<1x64xf32, #tpu.memory_space<vmem>> -> memref<64xf32, #tpu.memory_space<vmem>>
      %dma_start3A_351 = arith.constant 0 : i32
      %dma_start3A_352 = tpu.memref_slice %arg2[%shift_right_arithmetic3A_341, %and3A_343, %dma_start3A_351] : memref<125000x8x64xf32, #tpu.memory_space<hbm>> -> memref<1x1x64xf32, #tpu.memory_space<hbm>>
      %dma_start3A_353 = tpu.memref_squeeze %dma_start3A_352 : memref<1x1x64xf32, #tpu.memory_space<hbm>> -> memref<64xf32, #tpu.memory_space<hbm>>
      %dma_start3A_354 = arith.constant 0 : i32
      %dma_start3A_355 = tpu.memref_slice %arg7[%add3A_347, %dma_start3A_354] : memref<256x64xf32, #tpu.memory_space<vmem>> -> memref<1x64xf32, #tpu.memory_space<vmem>>
      %dma_start3A_356 = tpu.memref_squeeze %dma_start3A_355 : memref<1x64xf32, #tpu.memory_space<vmem>> -> memref<64xf32, #tpu.memory_space<vmem>>
      %dma_start3A_357 = arith.constant 0 : i32
      %dma_start3A_358 = tpu.memref_slice %arg2[%shift_right_arithmetic3A_341, %and3A_343, %dma_start3A_357] : memref<125000x8x64xf32, #tpu.memory_space<hbm>> -> memref<1x1x64xf32, #tpu.memory_space<hbm>>
      %dma_start3A_359 = tpu.memref_squeeze %dma_start3A_358 : memref<1x1x64xf32, #tpu.memory_space<hbm>> -> memref<64xf32, #tpu.memory_space<hbm>>
      tpu.enqueue_dma source(%dma_start3A_359 : memref<64xf32, #tpu.memory_space<hbm>>) target(%dma_start3A_356 : memref<64xf32, #tpu.memory_space<vmem>>) target_semaphore(%arg9 : memref<!tpu.dma_semaphore, #tpu.memory_space<semaphore_mem>>)
      %slice3A_360 = vector.extract_strided_slice %get3A_34 {offsets = [15], sizes = [1], strides = [1]} : vector<16xi32> to vector<1xi32>
      %squeeze3A_361 = vector.extract %slice3A_360[0] : i32 from vector<1xi32>
      %shift_right_arithmetic3A_362 = arith.constant 3 : i32
      %shift_right_arithmetic3A_363 = arith.shrsi %squeeze3A_361, %shift_right_arithmetic3A_362 : i32
      %and3A_364 = arith.constant 7 : i32
      %and3A_365 = arith.andi %squeeze3A_361, %and3A_364 : i32
      %mul3A_366 = arith.constant 16 : i32
      %mul3A_367 = arith.muli %scan3A_29, %mul3A_366 : i32
      %add3A_368 = arith.constant 15 : i32
      %add3A_369 = arith.addi %mul3A_367, %add3A_368 : i32
      %dma_start3A_370 = arith.constant 0 : i32
      %dma_start3A_371 = tpu.memref_slice %arg7[%add3A_369, %dma_start3A_370] : memref<256x64xf32, #tpu.memory_space<vmem>> -> memref<1x64xf32, #tpu.memory_space<vmem>>
      %dma_start3A_372 = tpu.memref_squeeze %dma_start3A_371 : memref<1x64xf32, #tpu.memory_space<vmem>> -> memref<64xf32, #tpu.memory_space<vmem>>
      %dma_start3A_373 = arith.constant 0 : i32
      %dma_start3A_374 = tpu.memref_slice %arg2[%shift_right_arithmetic3A_363, %and3A_365, %dma_start3A_373] : memref<125000x8x64xf32, #tpu.memory_space<hbm>> -> memref<1x1x64xf32, #tpu.memory_space<hbm>>
      %dma_start3A_375 = tpu.memref_squeeze %dma_start3A_374 : memref<1x1x64xf32, #tpu.memory_space<hbm>> -> memref<64xf32, #tpu.memory_space<hbm>>
      %dma_start3A_376 = arith.constant 0 : i32
      %dma_start3A_377 = tpu.memref_slice %arg7[%add3A_369, %dma_start3A_376] : memref<256x64xf32, #tpu.memory_space<vmem>> -> memref<1x64xf32, #tpu.memory_space<vmem>>
      %dma_start3A_378 = tpu.memref_squeeze %dma_start3A_377 : memref<1x64xf32, #tpu.memory_space<vmem>> -> memref<64xf32, #tpu.memory_space<vmem>>
      %dma_start3A_379 = arith.constant 0 : i32
      %dma_start3A_380 = tpu.memref_slice %arg2[%shift_right_arithmetic3A_363, %and3A_365, %dma_start3A_379] : memref<125000x8x64xf32, #tpu.memory_space<hbm>> -> memref<1x1x64xf32, #tpu.memory_space<hbm>>
      %dma_start3A_381 = tpu.memref_squeeze %dma_start3A_380 : memref<1x1x64xf32, #tpu.memory_space<hbm>> -> memref<64xf32, #tpu.memory_space<hbm>>
      tpu.enqueue_dma source(%dma_start3A_381 : memref<64xf32, #tpu.memory_space<hbm>>) target(%dma_start3A_378 : memref<64xf32, #tpu.memory_space<vmem>>) target_semaphore(%arg9 : memref<!tpu.dma_semaphore, #tpu.memory_space<semaphore_mem>>)
    }
    %scan3A_13 = arith.constant 16 : i32
    %add3A_14 = arith.constant 0 : i32
    %add3A_15 = arith.addi %mul3A_2, %add3A_14 : i32
    %dma_wait3A = arith.constant 0 : i32
    %dma_wait3A_16 = tpu.memref_slice %arg4[%add3A_15, %dma_wait3A] : memref<16384x64xf32, #tpu.memory_space<hbm>> -> memref<256x64xf32, #tpu.memory_space<hbm>>
    %dma_wait3A_17 = arith.constant 0 : i32
    %dma_wait3A_18 = tpu.memref_slice %arg4[%add3A_15, %dma_wait3A_17] : memref<16384x64xf32, #tpu.memory_space<hbm>> -> memref<256x64xf32, #tpu.memory_space<hbm>>
    tpu.wait_dma2 semaphore(%arg8 : memref<!tpu.dma_semaphore, #tpu.memory_space<semaphore_mem>>) src(%dma_wait3A_18 : memref<256x64xf32, #tpu.memory_space<hbm>>) dst(%arg6 : memref<256x64xf32, #tpu.memory_space<vmem>>)
    %add3A_19 = arith.constant 0 : i32
    %add3A_20 = arith.addi %mul3A_2, %add3A_19 : i32
    "tpu.region"() ({
      %run_scoped3A = tpu.sem_alloc : memref<!tpu.dma_semaphore, #tpu.memory_space<semaphore_mem>>
      %dma_start3A = arith.constant 0 : i32
      %dma_start3A_29 = tpu.memref_slice %arg4[%add3A_20, %dma_start3A] : memref<16384x64xf32, #tpu.memory_space<hbm>> -> memref<256x64xf32, #tpu.memory_space<hbm>>
      %dma_start3A_30 = arith.constant 0 : i32
      %dma_start3A_31 = tpu.memref_slice %arg4[%add3A_20, %dma_start3A_30] : memref<16384x64xf32, #tpu.memory_space<hbm>> -> memref<256x64xf32, #tpu.memory_space<hbm>>
      tpu.enqueue_dma source(%arg6 : memref<256x64xf32, #tpu.memory_space<vmem>>) target(%dma_start3A_31 : memref<256x64xf32, #tpu.memory_space<hbm>>) target_semaphore(%run_scoped3A : memref<!tpu.dma_semaphore, #tpu.memory_space<semaphore_mem>>)
      %dma_wait3A_32 = arith.constant 0 : i32
      %dma_wait3A_33 = tpu.memref_slice %arg4[%add3A_20, %dma_wait3A_32] : memref<16384x64xf32, #tpu.memory_space<hbm>> -> memref<256x64xf32, #tpu.memory_space<hbm>>
      %dma_wait3A_34 = arith.constant 0 : i32
      %dma_wait3A_35 = tpu.memref_slice %arg4[%add3A_20, %dma_wait3A_34] : memref<16384x64xf32, #tpu.memory_space<hbm>> -> memref<256x64xf32, #tpu.memory_space<hbm>>
      tpu.wait_dma2 semaphore(%run_scoped3A : memref<!tpu.dma_semaphore, #tpu.memory_space<semaphore_mem>>) src(%arg6 : memref<256x64xf32, #tpu.memory_space<vmem>>) dst(%dma_wait3A_35 : memref<256x64xf32, #tpu.memory_space<hbm>>)
      tpu.yield
    }) : () -> ()
    %add3A_21 = arith.constant 256 : i32
    %add3A_22 = arith.addi %mul3A_2, %add3A_21 : i32
    %dma_wait3A_23 = arith.constant 0 : i32
    %dma_wait3A_24 = tpu.memref_slice %arg4[%add3A_22, %dma_wait3A_23] : memref<16384x64xf32, #tpu.memory_space<hbm>> -> memref<256x64xf32, #tpu.memory_space<hbm>>
    %dma_wait3A_25 = arith.constant 0 : i32
    %dma_wait3A_26 = tpu.memref_slice %arg4[%add3A_22, %dma_wait3A_25] : memref<16384x64xf32, #tpu.memory_space<hbm>> -> memref<256x64xf32, #tpu.memory_space<hbm>>
    tpu.wait_dma2 semaphore(%arg9 : memref<!tpu.dma_semaphore, #tpu.memory_space<semaphore_mem>>) src(%dma_wait3A_26 : memref<256x64xf32, #tpu.memory_space<hbm>>) dst(%arg7 : memref<256x64xf32, #tpu.memory_space<vmem>>)
    %add3A_27 = arith.constant 256 : i32
    %add3A_28 = arith.addi %mul3A_2, %add3A_27 : i32
    "tpu.region"() ({
      %run_scoped3A = tpu.sem_alloc : memref<!tpu.dma_semaphore, #tpu.memory_space<semaphore_mem>>
      %dma_start3A = arith.constant 0 : i32
      %dma_start3A_29 = tpu.memref_slice %arg4[%add3A_28, %dma_start3A] : memref<16384x64xf32, #tpu.memory_space<hbm>> -> memref<256x64xf32, #tpu.memory_space<hbm>>
      %dma_start3A_30 = arith.constant 0 : i32
      %dma_start3A_31 = tpu.memref_slice %arg4[%add3A_28, %dma_start3A_30] : memref<16384x64xf32, #tpu.memory_space<hbm>> -> memref<256x64xf32, #tpu.memory_space<hbm>>
      tpu.enqueue_dma source(%arg7 : memref<256x64xf32, #tpu.memory_space<vmem>>) target(%dma_start3A_31 : memref<256x64xf32, #tpu.memory_space<hbm>>) target_semaphore(%run_scoped3A : memref<!tpu.dma_semaphore, #tpu.memory_space<semaphore_mem>>)
      %dma_wait3A_32 = arith.constant 0 : i32
      %dma_wait3A_33 = tpu.memref_slice %arg4[%add3A_28, %dma_wait3A_32] : memref<16384x64xf32, #tpu.memory_space<hbm>> -> memref<256x64xf32, #tpu.memory_space<hbm>>
      %dma_wait3A_34 = arith.constant 0 : i32
      %dma_wait3A_35 = tpu.memref_slice %arg4[%add3A_28, %dma_wait3A_34] : memref<16384x64xf32, #tpu.memory_space<hbm>> -> memref<256x64xf32, #tpu.memory_space<hbm>>
      tpu.wait_dma2 semaphore(%run_scoped3A : memref<!tpu.dma_semaphore, #tpu.memory_space<semaphore_mem>>) src(%arg7 : memref<256x64xf32, #tpu.memory_space<vmem>>) dst(%dma_wait3A_35 : memref<256x64xf32, #tpu.memory_space<hbm>>)
      tpu.yield
    }) : () -> ()
    return
  }
}

</mosaic_0001>

<sc_bundles>
// kernel: kernel.4.cloned.1.call-start
scs
__scs_entry_jumppad:
0x0: {  	(pc) =	sbr.rel $0x88, $3  }
0x1: {  	(tag) =	ssettag $0x0;
	lr =	simm.s32 $0x1  }
0x2: {  	[smem:$0x3F9D] =	sst lr;
	_ =	strace $0xD0000000  }
0x3: {  	_ = 	snop  }
0x4: {  	_ = 	snop  }
0x5: {  	_ = 	snop  }
0x6: {  	_ = 	snop  }
0x7: {  	_ = 	snop  }
__scs_overlays_trampoline_lowered:
0x8: {  	[smem:$0x3FAC] =	sst s0  }
0x9: {  	[smem:$0x3FAD] =	sst s1  }
0xa: {  	[smem:$0x3FAE] =	sst s2  }
0xb: {  	[smem:$0x3FAF] =	sst s3  }
0xc: {  	[smem:$0x3FB0] =	sst s4  }
0xd: {  	[smem:$0x3FB1] =	sst s5  }
0xe: {  	[smem:$0x3FB2] =	sst s6  }
0xf: {  	[smem:$0x3FB3] =	sst s7  }
0x10: {  	[smem:$0x3FB4] =	sst s8  }
0x11: {  	[smem:$0x3FB5] =	sst s9;
	s0 =	simm.s32 @!p0 $0x0  }
0x12: {  	s1 =	sld [smem:$0x3F9B];
	s0 =	simm.s32 @p0 $0x1  }
0x13: {  	[smem:$0x3FB6] =	sst s0;
	s0 =	simm.s32 @!p1 $0x0  }
0x14: {  	s2 =	sld [smem:$0x3F9A];
	s0 =	simm.s32 @p1 $0x1  }
0x15: {  	[smem:$0x3FB7] =	sst s0;
	s0 =	simm.s32 @!p2 $0x0  }
0x16: {  	s3 =	sld [smem:$0x3FDB];
	s0 =	simm.s32 @p2 $0x1  }
0x17: {  	s4 =	simm.s32 $0x1BF5;
	[smem:$0x3FB9] =	sst s0  }
0x18: {  	s0 =	sld [smem:$0x3F9C];
	_ =	swait.ge [sflag:s4], $0x0  }
0x19: {  	s7 =	sld [smem:$0x3F9D]  }
0x1a: {  	s8 =	sadd.s32 $0xFFFFE003, lr  }
0x1b: {  	s9 =	sadd.s32 $0xFFFFFEF7, lr;
	s5 =	simm.s32 $0xFFFFFFFF;
	p2 =	slt.u32 s8, $0xFFFFF086  }
0x1c: {  	p1 =	slt.u32 s9, $0xF7A;
	s5 =	simm.s32 @!p2 $0x0  }
0x1d: {  	s5 =	simm.s32 @p1 $0x1;
	p0 =	seq.s32 s7, s2  }
0x1e: {  	s7 =	smul.u32 @!p0 $0xF7A, s2;
	p2 =	seq.s32 @!p0 s5, $0x0  }
0x1f: {  	s9 =	smul.u32 $0xF7A, s1;
	s8 =	simm.s32 @!p0 $0x1BF5;
	p2 =	por !p2, p0  }
0x20: {  	[sflag:s8] =	ssyncset.s32 @!p0 $0xFFFFF086;
	s6 =	sadd.s32 @!p0 s3, s7;
	s7 =	simm.s32 @!p0 $0x108  }
0x21: {  	s3 =	sadd.s32 s3, s9;
	s6 =	sadd.s32 @!p0 $0x88, s6;
	s7 =	simm.s32 @p2 $0x1082  }
0x22: {  	[simem:s7], [sflag:s8] =	dma.local @!p0 [hbm:s6], $0xF7A  }
0x23: {  	s9 =	sor.u32 $0xD0000000, s2;
	s6 =	simm.s32 $0x108;
	_ =	swait.ge @!p0 [sflag:s8], $0x0  }
0x24: {  	s3 =	sadd.s32 $0x88, s3;
	s6 =	simm.s32 @!p1 $0x1082;
	[sflag:s4] =	ssyncset.s32 $0xFFFFF086  }
0x25: {  	[simem:s6], [sflag:s4] =	dma.local [hbm:s3], $0xF7A  }
0x26: {  	[smem:$0x3F9D] =	sst s1;
	(tag) =	ssettag s2;
	_ =	strace s9  }
0x27: {  	s1 =	sld [smem:$0x3FAD]  }
0x28: {  	s2 =	sld [smem:$0x3FAE]  }
0x29: {  	s4 =	sld [smem:$0x3FB0]  }
0x2a: {  	p0 =	seq.s32 s5, $0x0;
	s5 =	sld [smem:$0x3FB1]  }
0x2b: {  	s6 =	sld [smem:$0x3FB2]  }
0x2c: {  	s7 =	sld [smem:$0x3FB3]  }
0x2d: {  	s3 =	simm.s32 $0x108;
	s8 =	sld [smem:$0x3FB4]  }
0x2e: {  	s3 =	simm.s32 @!p0 $0x1082;
	s9 =	sld [smem:$0x3FB5]  }
0x2f: {  	lr =	sadd.s32 s0, s3;
	s0 =	sld [smem:$0x3FAC]  }
0x30: {  	s3 =	sld [smem:$0x3FAF]  }
0x31: {  	[smem:$0x3FB8] =	sst s10  }
0x32: {  	s10 =	sld [smem:$0x3FB6];
	_ =	sdelay $0x3  }
0x33: {  	p0 =	seq.s32 s10, $0x1;
	s10 =	sld [smem:$0x3FB8];
	_ =	sdelay $0x3  }
0x34: {  	[smem:$0x3FB8] =	sst s10  }
0x35: {  	s10 =	sld [smem:$0x3FB7];
	_ =	sdelay $0x3  }
0x36: {  	p1 =	seq.s32 s10, $0x1;
	s10 =	sld [smem:$0x3FB8];
	_ =	sdelay $0x3  }
0x37: {  	[smem:$0x3FB8] =	sst s10  }
0x38: {  	s10 =	sld [smem:$0x3FB9]  }
0x39: {  	_ = 	snop;
	(pc) =	sbr.ind lr, $3  }
0x3a: {  	_ = 	snop  }
0x3b: {  	_ = 	snop  }
0x3c: {  	p2 =	seq.s32 s10, $0x1;
	s10 =	sld [smem:$0x3FB8]  }
0x3d: {  	_ =	shalt  }
0x3e: {  	_ =	shalt  }
0x3f: {  	_ =	shalt  }
0x40: {  	_ =	shalt  }
0x41: {  	_ =	shalt  }
0x42: {  	_ =	shalt  }
0x43: {  	_ =	shalt  }
0x44: {  	_ =	shalt  }
0x45: {  	_ =	shalt  }
0x46: {  	_ =	shalt  }
0x47: {  	_ =	shalt  }
0x48: {  	_ =	shalt  }
0x49: {  	_ =	shalt  }
0x4a: {  	_ =	shalt  }
0x4b: {  	_ =	shalt  }
0x4c: {  	_ =	shalt  }
0x4d: {  	_ =	shalt  }
0x4e: {  	_ =	shalt  }
0x4f: {  	_ =	shalt  }
0x50: {  	_ =	shalt  }
0x51: {  	_ =	shalt  }
0x52: {  	_ =	shalt  }
0x53: {  	_ =	shalt  }
0x54: {  	_ =	shalt  }
0x55: {  	_ =	shalt  }
0x56: {  	_ =	shalt  }
0x57: {  	_ =	shalt  }
0x58: {  	_ =	shalt  }
0x59: {  	_ =	shalt  }
0x5a: {  	_ =	shalt  }
0x5b: {  	_ =	shalt  }
0x5c: {  	_ =	shalt  }
0x5d: {  	_ =	shalt  }
0x5e: {  	_ =	shalt  }
0x5f: {  	_ =	shalt  }
0x60: {  	_ =	shalt  }
0x61: {  	_ =	shalt  }
0x62: {  	_ =	shalt  }
0x63: {  	_ =	shalt  }
0x64: {  	_ =	shalt  }
0x65: {  	_ =	shalt  }
0x66: {  	_ =	shalt  }
0x67: {  	_ =	shalt  }
0x68: {  	_ =	shalt  }
0x69: {  	_ =	shalt  }
0x6a: {  	_ =	shalt  }
0x6b: {  	_ =	shalt  }
0x6c: {  	_ =	shalt  }
0x6d: {  	_ =	shalt  }
0x6e: {  	_ =	shalt  }
0x6f: {  	_ =	shalt  }
0x70: {  	_ =	shalt  }
0x71: {  	_ =	shalt  }
0x72: {  	_ =	shalt  }
0x73: {  	_ =	shalt  }
0x74: {  	_ =	shalt  }
0x75: {  	_ =	shalt  }
0x76: {  	_ =	shalt  }
0x77: {  	_ =	shalt  }
0x78: {  	_ =	shalt  }
0x79: {  	_ =	shalt  }
0x7a: {  	_ =	shalt  }
0x7b: {  	_ =	shalt  }
0x7c: {  	_ =	shalt  }
0x7d: {  	_ =	shalt  }
0x7e: {  	_ =	shalt  }
0x7f: {  	_ =	shalt  }
0x80: {  	_ =	shalt  }
0x81: {  	_ =	shalt  }
0x82: {  	_ =	shalt  }
0x83: {  	_ =	shalt  }
0x84: {  	_ =	shalt  }
0x85: {  	_ =	shalt  }
0x86: {  	_ =	shalt  }
0x87: {  	_ =	shalt  }
.Lfunc_end0:
.L_simem_size_0:
called_computation_lowered:
.L_overlay_start_0:
0x88: {  	s2 =	sld [smem:$0x3FD9]  }
0x89: {  	s3 =	sld [smem:$0x3FFE];
	_ =	sdelay $0x1  }
0x8a: {  	s1 =	srdreg.scid  }
0x8b: {  	s0 =	sand.u32 $0x1, s1  }
0x8c: {  	s17 =	sshll.u32 s0, $0xA;
	s2 =	sadd.s32 s3, s2  }
0x8d: {  	s2 =	sadd.s32 s2, s17  }
0x8e: {  	[smem:$0x3FC4] =	sst s2  }
0x8f: {  	_ = 	snop  }
0x90: {  	s18 =	sld [smem:$0x3FC6];
	(tm) =	ssettm $0x1  }
0x91: {  	s19 =	sld [smem:$0x3FFB];
	_ =	sdelay $0x3  }
0x92: {  	_ =	strace s19  }
0x93: {  	s2 =	sld [smem:$0x3FFC];
	_ =	sdelay $0x3  }
0x94: {  	_ =	strace s2  }
0x95: {  	s2 =	sld [smem:$0x3FFD];
	_ =	sdelay $0x3  }
0x96: {  	_ =	strace s2  }
0x97: {  	_ =	strace $0x8FFFFFFF  }
0x98: {  	s20 =	sld [smem:$0x3FDB];
	_ =	sdelay $0x1  }
0x99: {  	s4 =	simm.s32 $_scs_section_size  }
0x9a: {  	s5 =	simm.s32 $_size__tile_overlayer_lowered;
	s6 =	simm.s32 $_tile_overlayer_lowered  }
0x9b: {  	s7 =	simm.s32 $0x1BFF;
	s21 =	sshll.u32 s6, $0x1;
	s4 =	sadd.s32 s4, s20  }
0x9c: {  	s22 =	simm.s32 $0x0;
	s5 =	sshll.u32 s5, $0x1;
	s6 =	sadd.s32 s21, s4  }
0x9d: {  	[timem:s22], [sflag:s7] =	dma.local [hbm:s6], s5  }
0x9e: {  	_ =	swait.ge [sflag:s7], s5  }
0x9f: {  	s5 =	ssub.s32 $0x0, s5;
	[sflag:s7] =	ssyncset.done $0x0  }
0xa0: {  	[sflag:s7] =	ssyncadd.s32 s5;
	_ =	sdelay $0x1  }
0xa1: {  	s23 =	simm.s32 $0x1B8B  }
0xa2: {  	_ =	swait.ge [sflag:s23], $0x1  }
0xa3: {  	[sflag:s23] =	ssyncset.done $0x0  }
0xa4: {  	[sflag:s23] =	ssyncadd.s32 $0xFFFFFFFF  }
0xa5: {  	s5 =	sld [smem:$0x0]  }
0xa6: {  	s6 =	sand.u32 $0xFFFFFFFE, s1  }
0xa7: {  	p0 =	sne.s32 s1, s6  }
0xa8: {  	s6 =	sshll.u32 @p0 s6, $0xE  }
0xa9: {  	s6 =	sadd.s32 @p0 $0x11B8D, s6;
	s7 =	sshll.u32 @p0 s5, $0x11  }
0xaa: {  	s6 =	sor.u32 @p0 s7, s6  }
0xab: {  	[sflag:s6] =	ssyncadd.remote.s32 @p0 $0x1;
	_ =	sdelay $0x1  }
0xac: {  	s6 =	simm.s32 @p0 $0x1B8D  }
0xad: {  	_ =	swait.eq @p0 [sflag:s6], $0x1  }
0xae: {  	[sflag:s6] =	ssyncadd.s32 @p0 $0xFFFFFFFF  }
0xaf: {  	s7 =	sshll.u32 @!p0 s1, $0xE  }
0xb0: {  	s7 =	sor.u32 @!p0 $0x4000, s7;
	s6 =	simm.s32 @!p0 $0x1B8D  }
0xb1: {  	s5 =	sshll.u32 @!p0 s5, $0x11;
	s7 =	sadd.s32 @!p0 $0x11B8D, s7;
	_ =	swait.eq @!p0 [sflag:s6], $0x1  }
0xb2: {  	s5 =	sor.u32 @!p0 s5, s7;
	[sflag:s6] =	ssyncadd.s32 @!p0 $0xFFFFFFFF  }
0xb3: {  	s25 =	simm.s32 $0x1B8E;
	s24 =	sld [smem:$0x3FFE];
	[sflag:s5] =	ssyncadd.remote.s32 @!p0 $0x1  }
0xb4: {  	s26 =	simm.s32 $execute0_lowered;
	[smem:$0x3FD2] =	sst s25  }
0xb5: {  	s6 =	sshll.u32 s26, $0x1;
	_ =	strace $0x80000049;
	[dreg:$0x1] =	wrdreg $0xFFFFFFFF  }
0xb6: {  	s28 =	simm.s32 $_size_execute0_lowered;
	s4 =	sadd.s32 s4, s6;
	[dreg:$0x0] =	wrdreg $0x0  }
0xb7: {  	s6 =	sshll.u32 s28, $0x1;
	[dreg:$0x2] =	wrdreg s4  }
0xb8: {  	[dreg:$0x3] =	wrdreg s6  }
0xb9: {  	[dreg:$0x4] =	wrdreg $0xC0  }
0xba: {  	_ =	task [dreg:s22], $0x5FFFF  }
0xbb: {  	[dreg:$0x1] =	wrdreg $0xFFFFFFFF  }
0xbc: {  	[dreg:$0x0] =	wrdreg $0x60  }
0xbd: {  	[dreg:$0x2] =	wrdreg s24  }
0xbe: {  	[dreg:$0x3] =	wrdreg s18  }
0xbf: {  	[dreg:$0x4] =	wrdreg $0x9  }
0xc0: {  	_ =	task.clear_ibuf [dreg:s22], $0x5FFFF;
	_ =	strace $0x90000049  }
0xc1: {  	s29 =	simm.s32 $0x9;
	_ =	strace $0x8000004B  }
0xc2: {  	_ =	swait.ge [sflag:s29], $0x1  }
0xc3: {  	[sflag:s29] =	ssyncadd.s32 $0xFFFFFFFF  }
0xc4: {  	_ =	strace $0x9000004B  }
0xc5: {  	_ =	sfence  }
0xc6: {  	s30 =	sld [smem:$0x0];
	_ =	sdelay $0x2  }
0xc7: {  	s31 =	sshll.u32 s1, $0xD;
	s1 =	sshrl.u32 s1, $0x2  }
0xc8: {  	s4 =	sand.u32 $0x4000, s31;
	s1 =	sadd.s32 s1, s30  }
0xc9: {  	s0 =	sor.u32 s4, s0;
	s1 =	sshll.u32 s1, $0x11  }
0xca: {  	s0 =	sor.u32 s1, s0  }
0xcb: {  	s0 =	sadd.s32 $0x8F2B, s0  }
0xcc: {  	[sflag:s0] =	ssyncadd.remote.s32 $0x1  }
0xcd: {  	_ =	sfence.sel $0xFFFF  }
0xce: {  	[dreg:$0x0] =	wrdreg $0xFFFFFFFF;
	(pc) =	sbr.abs _section_cstart, $3  }
0xcf: {  	[dreg:$0x1] =	wrdreg $0xFFFFFFFF  }
0xd0: {  	_ =	task.clear_ibuf [dreg:s22], $0x2FFFF;
	_ =	strace $0x9FFFFFFF  }
0xd1: {  	(tm) =	ssettm $0x7FFFFFFF  }
tec
execute0_lowered:
.L_overlay_start_1:
0x0: {  	(tag) =	ssettag $0x1  }
0x1: {  	s4 =	rddreg [dreg:$0x0]  }
0x2: {  	s5 =	rddreg [dreg:$0x1]  }
0x3: {  	s2 =	simm.s32 $0x0;
	s3 =	srdreg.scid;
	s0 =	stileid.u32  }
0x4: {  	s11 =	simm.s32 $0x2;
	s13 =	simm.s32 $0x0;
	s6 =	sand.u32 $0x1, s3  }
0x5: {  	[smem:$0x7FF] =	sst s2;
	s7 =	sshll.u32 s0, $0xA;
	s8 =	sshll.u32 s6, $0x9  }
0x6: {  	s3 =	sadd.s32 $0xF82E00, s4;
	s6 =	ssub.s32 $0x2, s6;
	s7 =	sor.u32 s8, s7  }
0x7: {  	_ =	strace $0x8000004A;
	s9 =	sshrl.u32 s6, $0x1;
	s8 =	sshll.u32 s7, $0x4  }
0x8: {  	s7 =	sshrl.u32 s7, $0x3;
	s9 =	ssub.s32 s6, s9;
	s8 =	sadd.s32 s8, s4  }
0x9: {  	s4 =	sadd.s32 s5, s7;
	s7 =	smax.u32 s9, $0x1;
	s9 =	simm.s32 $0x1  }
0xa: {  	s5 =	sadd.s32 $0x1109800, s8;
	s6 =	sadd.s32 $0x110A800, s8;
	s8 =	simm.s32 $0x3  }
.LBB2_1:
0xb: {  	[tilespmem:s2], [sflag:$0x3] =	stream.linear.gather [hbm4b:s4+s2], $0x200, $0x38;
	[tilespmem:$0x10200] =	vst v63  }
0xc: {  	_ =	swait.ge [sflag:s8], $0x200  }
0xd: {  	[sflag:s8] =	ssyncset.done $0x0  }
0xe: {  	[sflag:s8] =	ssyncadd.s32 $0xFFFFFE00  }
0xf: {  	v0 =	vld [tilespmem:s2+$0x0];
	_ =	sdelay $0x4  }
0x10: {  	v0 =	vshll.u32 v0, $0x4  }
0x11: {  	(v2sf) =	vpush v0, $0x0  }
0x12: {  	(v2sf) =	vpush v0, $0x1  }
0x13: {  	(v2sf) =	vpush v0, $0x2;
	_ =	sdelay $0x1  }
0x14: {  	(v2sf) =	vpush v0, $0x4;
	_ =	sdelay $0x1  }
0x15: {  	(v2sf) =	vpush v0, $0x3  }
0x16: {  	(v2sf) =	vpush v0, $0x5  }
0x17: {  	s16 =	simm.s32 $0x2000;
	s15 =	simm.s32 $0x0;
	s17 =	simm.s32 $0x0;
	(v2sf) =	vpush v0, $0x6  }
.LBB2_2:
0x18: {  	p0 =	sne.s32 s16, $0x1E000  }
0x19: {  	s28 =	sadd.s32 $0x280, s15;
	s21 =	sadd.s32 $0x780, s15;
	s18 =	smov.u32 s16  }
0x1a: {  	s16 =	sadd.s32 $0x2000, s16;
	s24 =	sadd.s32 $0x580, s15;
	s19 =	sadd.s32 $0x800, s15;
	(v2sf) =	vpush v0, $0x7  }
0x1b: {  	s26 =	sadd.s32 $0x480, s15;
	s22 =	sadd.s32 $0x600, s15;
	s20 =	sadd.s32 $0x880, s15  }
0x1c: {  	s29 =	sadd.s32 $0x200, s15;
	s30 =	sadd.s32 $0x400, s15;
	(v2sf) =	vpush v0, $0x8  }
0x1d: {  	s14 =	simm.s32 $0x0;
	s31 =	sadd.s32 $0x500, s15;
	s17 =	sadd.s32 $0x10, s17  }
0x1e: {  	s0 =	sadd.s32 $0x300, s15;
	s23 =	sadd.s32 $0x700, s15;
	s25 =	spop (v2sf);
	(v2sf) =	vpush v0, $0x9  }
0x1f: {  	s1 =	sand.u32 $0x1FFFFFF0, s25;
	s25 =	sadd.s32 $0x680, s15;
	s10 =	spop (v2sf)  }
0x20: {  	s1 =	sadd.s32 s3, s1;
	s10 =	sand.u32 $0x1FFFFFF0, s10;
	s12 =	spop (v2sf);
	(v2sf) =	vpush v0, $0xA  }
0x21: {  	[tilespmem:s29], [sflag:$0x1] =	stream.linear.gather [hbm4b:s1+s14], $0x80, $0x38;
	[tilespmem:$0x10200] =	vst v63  }
0x22: {  	s1 =	sadd.s32 s3, s10;
	s10 =	sadd.s32 $0x380, s15;
	s29 =	spop (v2sf);
	(v2sf) =	vpush v0, $0xB  }
0x23: {  	[tilespmem:s28], [sflag:$0x1] =	stream.linear.gather [hbm4b:s1+s14], $0x80, $0x38;
	[tilespmem:$0x10200] =	vst v63  }
0x24: {  	s1 =	sand.u32 $0x1FFFFFF0, s12;
	s12 =	sand.u32 $0x1FFFFFF0, s29;
	s28 =	spop (v2sf);
	(v2sf) =	vpush v0, $0xC  }
0x25: {  	s1 =	sadd.s32 s3, s1;
	s28 =	sand.u32 $0x1FFFFFF0, s28;
	s29 =	spop (v2sf)  }
0x26: {  	[tilespmem:s0], [sflag:$0x1] =	stream.linear.gather [hbm4b:s1+s14], $0x80, $0x38;
	(v2sf) =	vpush v0, $0xD;
	[tilespmem:$0x10200] =	vst v63  }
0x27: {  	s0 =	sadd.s32 s3, s28;
	s1 =	sand.u32 $0x1FFFFFF0, s29;
	s28 =	spop (v2sf)  }
0x28: {  	[tilespmem:s10], [sflag:$0x1] =	stream.linear.gather [hbm4b:s0+s14], $0x80, $0x38;
	(v2sf) =	vpush v0, $0xE;
	[tilespmem:$0x10200] =	vst v63  }
0x29: {  	s0 =	sadd.s32 s3, s12;
	s10 =	sand.u32 $0x1FFFFFF0, s28;
	s12 =	spop (v2sf)  }
0x2a: {  	[tilespmem:s30], [sflag:$0x1] =	stream.linear.gather [hbm4b:s0+s14], $0x80, $0x38;
	(v2sf) =	vpush v0, $0xF;
	[tilespmem:$0x10200] =	vst v63  }
0x2b: {  	s0 =	sadd.s32 s3, s1;
	s1 =	sand.u32 $0x1FFFFFF0, s12;
	s12 =	spop (v2sf)  }
0x2c: {  	[tilespmem:s26], [sflag:$0x1] =	stream.linear.gather [hbm4b:s0+s14], $0x80, $0x38;
	[tilespmem:$0x10200] =	vst v63  }
0x2d: {  	s0 =	sadd.s32 s3, s10;
	s10 =	sand.u32 $0x1FFFFFF0, s12;
	s12 =	spop (v2sf)  }
0x2e: {  	[tilespmem:s31], [sflag:$0x1] =	stream.linear.gather [hbm4b:s0+s14], $0x80, $0x38;
	[tilespmem:$0x10200] =	vst v63  }
0x2f: {  	s0 =	sadd.s32 s3, s1;
	s1 =	sand.u32 $0x1FFFFFF0, s12;
	s12 =	spop (v2sf)  }
0x30: {  	[tilespmem:s24], [sflag:$0x1] =	stream.linear.gather [hbm4b:s0+s14], $0x80, $0x38;
	[tilespmem:$0x10200] =	vst v63  }
0x31: {  	s0 =	sadd.s32 s3, s10;
	s10 =	sand.u32 $0x1FFFFFF0, s12;
	s12 =	spop (v2sf)  }
0x32: {  	[tilespmem:s22], [sflag:$0x1] =	stream.linear.gather [hbm4b:s0+s14], $0x80, $0x38;
	[tilespmem:$0x10200] =	vst v63  }
0x33: {  	s0 =	sadd.s32 s3, s1;
	s1 =	sand.u32 $0x1FFFFFF0, s12;
	s12 =	spop (v2sf)  }
0x34: {  	[tilespmem:s25], [sflag:$0x1] =	stream.linear.gather [hbm4b:s0+s14], $0x80, $0x38;
	[tilespmem:$0x10200] =	vst v63  }
0x35: {  	s0 =	sadd.s32 s3, s10;
	s10 =	sand.u32 $0x1FFFFFF0, s12;
	s12 =	spop (v2sf)  }
0x36: {  	[tilespmem:s23], [sflag:$0x1] =	stream.linear.gather [hbm4b:s0+s14], $0x80, $0x38;
	[tilespmem:$0x10200] =	vst v63  }
0x37: {  	s0 =	sadd.s32 s3, s1;
	s1 =	sand.u32 $0x1FFFFFF0, s12;
	s12 =	spop (v2sf)  }
0x38: {  	[tilespmem:s21], [sflag:$0x1] =	stream.linear.gather [hbm4b:s0+s14], $0x80, $0x38;
	[tilespmem:$0x10200] =	vst v63  }
0x39: {  	s0 =	sadd.s32 s3, s10;
	s10 =	sand.u32 $0x1FFFFFF0, s12;
	s12 =	spop (v2sf)  }
0x3a: {  	[tilespmem:s19], [sflag:$0x1] =	stream.linear.gather [hbm4b:s0+s14], $0x80, $0x38;
	[tilespmem:$0x10200] =	vst v63  }
0x3b: {  	s0 =	sadd.s32 s3, s1;
	s1 =	sand.u32 $0x1FFFFFF0, s12  }
0x3c: {  	[tilespmem:s20], [sflag:$0x1] =	stream.linear.gather [hbm4b:s0+s14], $0x80, $0x38;
	[tilespmem:$0x10200] =	vst v63  }
0x3d: {  	s10 =	sadd.s32 s3, s10;
	s0 =	sadd.s32 $0x900, s15  }
0x3e: {  	[tilespmem:s0], [sflag:$0x1] =	stream.linear.gather [hbm4b:s10+s14], $0x80, $0x38;
	[tilespmem:$0x10200] =	vst v63  }
0x3f: {  	s1 =	sadd.s32 s3, s1;
	s0 =	sadd.s32 $0x980, s15  }
0x40: {  	[tilespmem:s0], [sflag:$0x1] =	stream.linear.gather [hbm4b:s1+s14], $0x80, $0x38;
	[tilespmem:$0x10200] =	vst v63  }
0x41: {  	v0 =	vld [tilespmem:s17+$0x0];
	_ =	sdelay $0x4  }
0x42: {  	v0 =	vshll.u32 v0, $0x4  }
0x43: {  	(v2sf) =	vpush v0, $0x0  }
0x44: {  	(v2sf) =	vpush v0, $0x1  }
0x45: {  	(v2sf) =	vpush v0, $0x2;
	_ =	sdelay $0x1  }
0x46: {  	(v2sf) =	vpush v0, $0x4  }
.Ltmp0:
0x47: {  	(pc) =	sbr.rel @p0 .LBB2_2-.Ltmp0, $3  }
0x48: {  	(v2sf) =	vpush v0, $0x3  }
0x49: {  	(v2sf) =	vpush v0, $0x5;
	_ =	sdelay $0x1  }
0x4a: {  	s15 =	sshra.s32 s18, $0x2;
	(v2sf) =	vpush v0, $0x6  }
0x4b: {  	_ =	sdelay $0x1  }
0x4c: {  	s0 =	sadd.s32 $0x280, s15;
	s18 =	sadd.s32 $0x780, s15  }
0x4d: {  	s1 =	sadd.s32 $0x580, s15;
	s16 =	sadd.s32 $0x800, s15;
	(v2sf) =	vpush v0, $0x7;
	s10 =	sadd.s32 $0x480, s15  }
0x4e: {  	s12 =	sadd.s32 $0x600, s15;
	s17 =	sadd.s32 $0x880, s15;
	s19 =	sadd.s32 $0x200, s15  }
0x4f: {  	s20 =	sadd.s32 $0x400, s15;
	s21 =	sadd.s32 $0x500, s15;
	(v2sf) =	vpush v0, $0x8;
	s22 =	spop (v2sf)  }
0x50: {  	s23 =	sadd.s32 $0x300, s15;
	s22 =	sand.u32 $0x1FFFFFF0, s22;
	s24 =	spop (v2sf)  }
0x51: {  	(v2sf) =	vpush v0, $0x9;
	s22 =	sadd.s32 s3, s22;
	s24 =	sand.u32 $0x1FFFFFF0, s24;
	s25 =	spop (v2sf)  }
0x52: {  	[tilespmem:s19], [sflag:$0x1] =	stream.linear.gather [hbm4b:s22+s14], $0x80, $0x38;
	[tilespmem:$0x10200] =	vst v63  }
0x53: {  	s26 =	sadd.s32 $0x380, s15;
	(v2sf) =	vpush v0, $0xA;
	s30 =	sadd.s32 s3, s24;
	s31 =	spop (v2sf)  }
0x54: {  	[tilespmem:s0], [sflag:$0x1] =	stream.linear.gather [hbm4b:s30+s14], $0x80, $0x38;
	[tilespmem:$0x10200] =	vst v63  }
0x55: {  	s19 =	sadd.s32 $0x700, s15;
	s28 =	sand.u32 $0x1FFFFFF0, s25;
	(v2sf) =	vpush v0, $0xB;
	s29 =	spop (v2sf)  }
0x56: {  	s22 =	sadd.s32 s3, s28;
	s0 =	sadd.s32 $0x680, s15;
	s25 =	sand.u32 $0x1FFFFFF0, s29  }
0x57: {  	(v2sf) =	vpush v0, $0xC;
	[tilespmem:s23], [sflag:$0x1] =	stream.linear.gather [hbm4b:s22+s14], $0x80, $0x38;
	[tilespmem:$0x10200] =	vst v63  }
0x58: {  	s30 =	sand.u32 $0x1FFFFFF0, s31;
	s31 =	spop (v2sf);
	s28 =	sadd.s32 s3, s25  }
0x59: {  	(v2sf) =	vpush v0, $0xD;
	[tilespmem:s26], [sflag:$0x1] =	stream.linear.gather [hbm4b:s28+s14], $0x80, $0x38;
	[tilespmem:$0x10200] =	vst v63  }
0x5a: {  	s22 =	sadd.s32 s3, s30;
	s23 =	sand.u32 $0x1FFFFFF0, s31;
	s29 =	spop (v2sf)  }
0x5b: {  	(v2sf) =	vpush v0, $0xE;
	[tilespmem:s20], [sflag:$0x1] =	stream.linear.gather [hbm4b:s22+s14], $0x80, $0x38;
	[tilespmem:$0x10200] =	vst v63  }
0x5c: {  	s23 =	sadd.s32 s3, s23;
	s30 =	sand.u32 $0x1FFFFFF0, s29;
	s31 =	spop (v2sf)  }
0x5d: {  	(v2sf) =	vpush v0, $0xF;
	[tilespmem:s10], [sflag:$0x1] =	stream.linear.gather [hbm4b:s23+s14], $0x80, $0x38;
	[tilespmem:$0x10200] =	vst v63  }
0x5e: {  	s24 =	sand.u32 $0x1FFFFFF0, s31;
	s25 =	spop (v2sf);
	s20 =	sadd.s32 s3, s30  }
0x5f: {  	[tilespmem:s21], [sflag:$0x1] =	stream.linear.gather [hbm4b:s20+s14], $0x80, $0x38;
	[tilespmem:$0x10200] =	vst v63  }
0x60: {  	s26 =	sand.u32 $0x1FFFFFF0, s25;
	s10 =	sadd.s32 s3, s24;
	s28 =	spop (v2sf)  }
0x61: {  	[tilespmem:s1], [sflag:$0x1] =	stream.linear.gather [hbm4b:s10+s14], $0x80, $0x38;
	[tilespmem:$0x10200] =	vst v63  }
0x62: {  	s20 =	sadd.s32 s3, s26;
	s29 =	sand.u32 $0x1FFFFFF0, s28;
	s30 =	spop (v2sf)  }
0x63: {  	[tilespmem:s12], [sflag:$0x1] =	stream.linear.gather [hbm4b:s20+s14], $0x80, $0x38;
	[tilespmem:$0x10200] =	vst v63  }
0x64: {  	s10 =	sand.u32 $0x1FFFFFF0, s30;
	s1 =	sadd.s32 s3, s29;
	s31 =	spop (v2sf)  }
0x65: {  	[tilespmem:s0], [sflag:$0x1] =	stream.linear.gather [hbm4b:s1+s14], $0x80, $0x38;
	[tilespmem:$0x10200] =	vst v63  }
0x66: {  	s10 =	sadd.s32 s3, s10;
	s20 =	sand.u32 $0x1FFFFFF0, s31;
	s21 =	spop (v2sf)  }
0x67: {  	[tilespmem:s19], [sflag:$0x1] =	stream.linear.gather [hbm4b:s10+s14], $0x80, $0x38;
	[tilespmem:$0x10200] =	vst v63  }
0x68: {  	s0 =	sadd.s32 s3, s20;
	s1 =	sand.u32 $0x1FFFFFF0, s21;
	s22 =	spop (v2sf)  }
0x69: {  	[tilespmem:s18], [sflag:$0x1] =	stream.linear.gather [hbm4b:s0+s14], $0x80, $0x38;
	[tilespmem:$0x10200] =	vst v63  }
0x6a: {  	s23 =	sand.u32 $0x1FFFFFF0, s22;
	s1 =	sadd.s32 s3, s1;
	s24 =	spop (v2sf)  }
0x6b: {  	[tilespmem:s16], [sflag:$0x1] =	stream.linear.gather [hbm4b:s1+s14], $0x80, $0x38;
	[tilespmem:$0x10200] =	vst v63  }
0x6c: {  	s25 =	sand.u32 $0x1FFFFFF0, s24;
	s26 =	spop (v2sf);
	s0 =	sadd.s32 s3, s23  }
0x6d: {  	[tilespmem:s17], [sflag:$0x1] =	stream.linear.gather [hbm4b:s0+s14], $0x80, $0x38;
	[tilespmem:$0x10200] =	vst v63  }
0x6e: {  	s29 =	sadd.s32 $0x900, s15;
	s28 =	sand.u32 $0x1FFFFFF0, s26;
	s1 =	sadd.s32 s3, s25  }
0x6f: {  	[tilespmem:s29], [sflag:$0x1] =	stream.linear.gather [hbm4b:s1+s14], $0x80, $0x38;
	[tilespmem:$0x10200] =	vst v63  }
0x70: {  	s30 =	sadd.s32 $0x980, s15;
	s31 =	sand.u32 $0xF0, s14;
	s0 =	sadd.s32 s3, s28  }
0x71: {  	[tilespmem:s30], [sflag:$0x1] =	stream.linear.gather [hbm4b:s0+s14], $0x80, $0x38;
	[tilespmem:$0x10200] =	vst v63  }
0x72: {  	v0 =	vld [tilespmem:s31+$0x100];
	_ =	sdelay $0x4  }
0x73: {  	v0 =	vshll.u32 v0, $0x4  }
0x74: {  	(v2sf) =	vpush v0, $0x0  }
0x75: {  	(v2sf) =	vpush v0, $0x2  }
0x76: {  	(v2sf) =	vpush v0, $0x1;
	_ =	sdelay $0x1  }
0x77: {  	(v2sf) =	vpush v0, $0x3  }
0x78: {  	(v2sf) =	vpush v0, $0x4;
	_ =	sdelay $0x2  }
0x79: {  	s15 =	simm.s32 $0x2000;
	s16 =	simm.s32 $0x10  }
.LBB2_4:
0x7a: {  	p0 =	sne.s32 s15, $0x1E000;
	(v2sf) =	vpush v0, $0x5;
	s0 =	smov.u32 s15;
	s15 =	sadd.s32 $0x2000, s15  }
0x7b: {  	s17 =	sshra.s32 s14, $0x2;
	s14 =	smov.u32 s0  }
0x7c: {  	s0 =	sadd.s32 $0x8280, s17;
	(v2sf) =	vpush v0, $0x6  }
0x7d: {  	s1 =	sadd.s32 $0x8200, s17  }
0x7e: {  	s20 =	sadd.s32 $0x8780, s17;
	s19 =	sadd.s32 $0x8800, s17;
	s18 =	sadd.s32 $0x8880, s17;
	(v2sf) =	vpush v0, $0x7  }
0x7f: {  	s23 =	sadd.s32 $0x8600, s17;
	s22 =	sadd.s32 $0x8680, s17;
	s21 =	sadd.s32 $0x8700, s17  }
0x80: {  	s10 =	sadd.s32 $0x8500, s17;
	s24 =	sadd.s32 $0x8580, s17;
	s12 =	spop (v2sf);
	(v2sf) =	vpush v0, $0x8  }
0x81: {  	s25 =	sadd.s32 $0x8300, s17;
	s12 =	sand.u32 $0x1FFFFFF0, s12;
	s26 =	spop (v2sf)  }
0x82: {  	s28 =	sadd.s32 $0x8480, s17;
	s12 =	sadd.s32 s3, s12;
	s29 =	spop (v2sf);
	(v2sf) =	vpush v0, $0x9  }
0x83: {  	[tilespmem:s1], [sflag:$0x2] =	stream.linear.gather [hbm4b:s12+s2], $0x80, $0x38;
	[tilespmem:$0x10200] =	vst v63  }
0x84: {  	s1 =	sand.u32 $0x1FFFFFF0, s29;
	s12 =	sand.u32 $0x1FFFFFF0, s26;
	s26 =	spop (v2sf);
	(v2sf) =	vpush v0, $0xA  }
0x85: {  	s29 =	sadd.s32 $0x8400, s17;
	s1 =	sadd.s32 s3, s1;
	s30 =	spop (v2sf)  }
0x86: {  	[tilespmem:s0], [sflag:$0x2] =	stream.linear.gather [hbm4b:s1+s2], $0x80, $0x38;
	(v2sf) =	vpush v0, $0xB;
	[tilespmem:$0x10200] =	vst v63  }
0x87: {  	s0 =	sadd.s32 s3, s12;
	s1 =	sand.u32 $0x1FFFFFF0, s26;
	s12 =	sand.u32 $0x1FFFFFF0, s30  }
0x88: {  	[tilespmem:s25], [sflag:$0x2] =	stream.linear.gather [hbm4b:s0+s2], $0x80, $0x38;
	(v2sf) =	vpush v0, $0xC;
	[tilespmem:$0x10200] =	vst v63  }
0x89: {  	s1 =	sadd.s32 s3, s1;
	s0 =	sadd.s32 $0x8380, s17;
	s25 =	spop (v2sf)  }
0x8a: {  	[tilespmem:s0], [sflag:$0x2] =	stream.linear.gather [hbm4b:s1+s2], $0x80, $0x38;
	(v2sf) =	vpush v0, $0xD;
	[tilespmem:$0x10200] =	vst v63  }
0x8b: {  	s0 =	sadd.s32 s3, s12;
	s1 =	sand.u32 $0x1FFFFFF0, s25;
	s12 =	spop (v2sf)  }
0x8c: {  	[tilespmem:s29], [sflag:$0x2] =	stream.linear.gather [hbm4b:s0+s2], $0x80, $0x38;
	(v2sf) =	vpush v0, $0xE;
	[tilespmem:$0x10200] =	vst v63  }
0x8d: {  	s0 =	sadd.s32 s3, s1;
	s1 =	sand.u32 $0x1FFFFFF0, s12;
	s12 =	spop (v2sf)  }
0x8e: {  	[tilespmem:s28], [sflag:$0x2] =	stream.linear.gather [hbm4b:s0+s2], $0x80, $0x38;
	(v2sf) =	vpush v0, $0xF;
	[tilespmem:$0x10200] =	vst v63  }
0x8f: {  	s0 =	sadd.s32 s3, s1;
	s1 =	sand.u32 $0x1FFFFFF0, s12;
	s12 =	spop (v2sf)  }
0x90: {  	[tilespmem:s10], [sflag:$0x2] =	stream.linear.gather [hbm4b:s0+s2], $0x80, $0x38;
	[tilespmem:$0x10200] =	vst v63  }
0x91: {  	s0 =	sadd.s32 s3, s1;
	s1 =	sand.u32 $0x1FFFFFF0, s12;
	s10 =	spop (v2sf)  }
0x92: {  	[tilespmem:s24], [sflag:$0x2] =	stream.linear.gather [hbm4b:s0+s2], $0x80, $0x38;
	[tilespmem:$0x10200] =	vst v63  }
0x93: {  	s0 =	sadd.s32 s3, s1;
	s1 =	sand.u32 $0x1FFFFFF0, s10;
	s10 =	spop (v2sf)  }
0x94: {  	[tilespmem:s23], [sflag:$0x2] =	stream.linear.gather [hbm4b:s0+s2], $0x80, $0x38;
	[tilespmem:$0x10200] =	vst v63  }
0x95: {  	s0 =	sadd.s32 s3, s1;
	s1 =	sand.u32 $0x1FFFFFF0, s10;
	s10 =	spop (v2sf)  }
0x96: {  	[tilespmem:s22], [sflag:$0x2] =	stream.linear.gather [hbm4b:s0+s2], $0x80, $0x38;
	[tilespmem:$0x10200] =	vst v63  }
0x97: {  	s0 =	sadd.s32 s3, s1;
	s1 =	sand.u32 $0x1FFFFFF0, s10;
	s10 =	spop (v2sf)  }
0x98: {  	[tilespmem:s21], [sflag:$0x2] =	stream.linear.gather [hbm4b:s0+s2], $0x80, $0x38;
	[tilespmem:$0x10200] =	vst v63  }
0x99: {  	s0 =	sadd.s32 s3, s1;
	s1 =	sand.u32 $0x1FFFFFF0, s10;
	s10 =	spop (v2sf)  }
0x9a: {  	[tilespmem:s20], [sflag:$0x2] =	stream.linear.gather [hbm4b:s0+s2], $0x80, $0x38;
	[tilespmem:$0x10200] =	vst v63  }
0x9b: {  	s0 =	sadd.s32 s3, s1;
	s1 =	sand.u32 $0x1FFFFFF0, s10;
	s10 =	spop (v2sf)  }
0x9c: {  	[tilespmem:s19], [sflag:$0x2] =	stream.linear.gather [hbm4b:s0+s2], $0x80, $0x38;
	[tilespmem:$0x10200] =	vst v63  }
0x9d: {  	s0 =	sadd.s32 s3, s1;
	s1 =	sand.u32 $0x1FFFFFF0, s10;
	s10 =	spop (v2sf)  }
0x9e: {  	[tilespmem:s18], [sflag:$0x2] =	stream.linear.gather [hbm4b:s0+s2], $0x80, $0x38;
	[tilespmem:$0x10200] =	vst v63  }
0x9f: {  	s1 =	sadd.s32 s3, s1;
	s0 =	sadd.s32 $0x8900, s17;
	s10 =	sand.u32 $0x1FFFFFF0, s10  }
0xa0: {  	[tilespmem:s0], [sflag:$0x2] =	stream.linear.gather [hbm4b:s1+s2], $0x80, $0x38;
	[tilespmem:$0x10200] =	vst v63  }
0xa1: {  	s10 =	sadd.s32 s3, s10;
	s0 =	sand.u32 $0xF0, s16;
	s1 =	sadd.s32 $0x8980, s17  }
0xa2: {  	[tilespmem:s1], [sflag:$0x2] =	stream.linear.gather [hbm4b:s10+s2], $0x80, $0x38;
	[tilespmem:$0x10200] =	vst v63  }
0xa3: {  	v0 =	vld [tilespmem:s0+$0x100];
	_ =	sdelay $0x4  }
0xa4: {  	v0 =	vshll.u32 v0, $0x4  }
0xa5: {  	(v2sf) =	vpush v0, $0x0  }
0xa6: {  	(v2sf) =	vpush v0, $0x2  }
0xa7: {  	(v2sf) =	vpush v0, $0x1;
	_ =	sdelay $0x1  }
.Ltmp1:
0xa8: {  	(v2sf) =	vpush v0, $0x3;
	(pc) =	sbr.rel @p0 .LBB2_4-.Ltmp1, $2  }
0xa9: {  	(v2sf) =	vpush v0, $0x4;
	_ =	sdelay $0x2  }
0xaa: {  	s16 =	sadd.s32 $0x10, s16  }
0xab: {  	_ =	sdelay $0x5  }
0xac: {  	s0 =	spop (v2sf)  }
0xad: {  	s10 =	spop (v2sf);
	(v2sf) =	vpush v0, $0x5;
	_ =	sdelay $0x1  }
0xae: {  	s17 =	spop (v2sf);
	(v2sf) =	vpush v0, $0x6;
	_ =	sdelay $0x2  }
0xaf: {  	s21 =	spop (v2sf);
	(v2sf) =	vpush v0, $0x7  }
0xb0: {  	s14 =	sshra.s32 s14, $0x2;
	s0 =	sand.u32 $0x1FFFFFF0, s0  }
0xb1: {  	s1 =	sadd.s32 $0x8200, s14;
	s0 =	sadd.s32 s3, s0  }
0xb2: {  	[tilespmem:s1], [sflag:$0x2] =	stream.linear.gather [hbm4b:s0+s2], $0x80, $0x38;
	[tilespmem:$0x10200] =	vst v63  }
0xb3: {  	s0 =	sand.u32 $0x1FFFFFF0, s17;
	s23 =	spop (v2sf);
	(v2sf) =	vpush v0, $0x8  }
0xb4: {  	s18 =	sadd.s32 $0x8280, s14;
	s19 =	sand.u32 $0x1FFFFFF0, s10;
	s0 =	sadd.s32 s3, s0  }
0xb5: {  	[tilespmem:s18], [sflag:$0x2] =	stream.linear.gather [hbm4b:s0+s2], $0x80, $0x38;
	[tilespmem:$0x10200] =	vst v63  }
0xb6: {  	s20 =	sadd.s32 $0x8300, s14;
	s0 =	sadd.s32 s3, s19  }
0xb7: {  	[tilespmem:s20], [sflag:$0x2] =	stream.linear.gather [hbm4b:s0+s2], $0x80, $0x38;
	[tilespmem:$0x10200] =	vst v63  }
0xb8: {  	s0 =	sand.u32 $0x1FFFFFF0, s21  }
0xb9: {  	s22 =	sadd.s32 $0x8380, s14;
	s0 =	sadd.s32 s3, s0;
	s25 =	spop (v2sf);
	(v2sf) =	vpush v0, $0x9  }
0xba: {  	[tilespmem:s22], [sflag:$0x2] =	stream.linear.gather [hbm4b:s0+s2], $0x80, $0x38;
	[tilespmem:$0x10200] =	vst v63  }
0xbb: {  	s0 =	sand.u32 $0x1FFFFFF0, s23;
	s28 =	spop (v2sf);
	(v2sf) =	vpush v0, $0xA  }
0xbc: {  	s24 =	sadd.s32 $0x8400, s14;
	s0 =	sadd.s32 s3, s0  }
0xbd: {  	[tilespmem:s24], [sflag:$0x2] =	stream.linear.gather [hbm4b:s0+s2], $0x80, $0x38;
	[tilespmem:$0x10200] =	vst v63  }
0xbe: {  	s0 =	sand.u32 $0x1FFFFFF0, s25;
	s30 =	spop (v2sf);
	(v2sf) =	vpush v0, $0xB  }
0xbf: {  	s26 =	sadd.s32 $0x8480, s14;
	s0 =	sadd.s32 s3, s0  }
0xc0: {  	[tilespmem:s26], [sflag:$0x2] =	stream.linear.gather [hbm4b:s0+s2], $0x80, $0x38;
	[tilespmem:$0x10200] =	vst v63  }
0xc1: {  	s0 =	sand.u32 $0x1FFFFFF0, s28  }
0xc2: {  	s29 =	sadd.s32 $0x8500, s14;
	s0 =	sadd.s32 s3, s0;
	s10 =	spop (v2sf)  }
0xc3: {  	(v2sf) =	vpush v0, $0xC;
	[tilespmem:s29], [sflag:$0x2] =	stream.linear.gather [hbm4b:s0+s2], $0x80, $0x38;
	[tilespmem:$0x10200] =	vst v63  }
0xc4: {  	s0 =	sand.u32 $0x1FFFFFF0, s30  }
0xc5: {  	s31 =	sadd.s32 $0x8580, s14;
	s0 =	sadd.s32 s3, s0  }
0xc6: {  	[tilespmem:s31], [sflag:$0x2] =	stream.linear.gather [hbm4b:s0+s2], $0x80, $0x38;
	[tilespmem:$0x10200] =	vst v63  }
0xc7: {  	s0 =	sand.u32 $0x1FFFFFF0, s10  }
0xc8: {  	s12 =	sadd.s32 $0x8600, s14;
	s0 =	sadd.s32 s3, s0;
	s15 =	spop (v2sf);
	(v2sf) =	vpush v0, $0xD  }
0xc9: {  	[tilespmem:s12], [sflag:$0x2] =	stream.linear.gather [hbm4b:s0+s2], $0x80, $0x38;
	[tilespmem:$0x10200] =	vst v63  }
0xca: {  	s0 =	sand.u32 $0x1FFFFFF0, s15;
	s17 =	spop (v2sf);
	(v2sf) =	vpush v0, $0xE  }
0xcb: {  	s16 =	sadd.s32 $0x8680, s14;
	s0 =	sadd.s32 s3, s0  }
0xcc: {  	[tilespmem:s16], [sflag:$0x2] =	stream.linear.gather [hbm4b:s0+s2], $0x80, $0x38;
	[tilespmem:$0x10200] =	vst v63  }
0xcd: {  	s19 =	spop (v2sf);
	(v2sf) =	vpush v0, $0xF  }
0xce: {  	s0 =	sand.u32 $0x1FFFFFF0, s17  }
0xcf: {  	s18 =	sadd.s32 $0x8700, s14;
	s0 =	sadd.s32 s3, s0  }
0xd0: {  	[tilespmem:s18], [sflag:$0x2] =	stream.linear.gather [hbm4b:s0+s2], $0x80, $0x38;
	[tilespmem:$0x10200] =	vst v63  }
0xd1: {  	s0 =	sand.u32 $0x1FFFFFF0, s19  }
0xd2: {  	s20 =	sadd.s32 $0x8780, s14;
	s21 =	spop (v2sf);
	s0 =	sadd.s32 s3, s0  }
0xd3: {  	[tilespmem:s20], [sflag:$0x2] =	stream.linear.gather [hbm4b:s0+s2], $0x80, $0x38;
	[tilespmem:$0x10200] =	vst v63  }
0xd4: {  	s0 =	sand.u32 $0x1FFFFFF0, s21  }
0xd5: {  	s22 =	sadd.s32 $0x8800, s14;
	s0 =	sadd.s32 s3, s0  }
0xd6: {  	[tilespmem:s22], [sflag:$0x2] =	stream.linear.gather [hbm4b:s0+s2], $0x80, $0x38;
	[tilespmem:$0x10200] =	vst v63  }
0xd7: {  	s23 =	spop (v2sf)  }
0xd8: {  	s0 =	sand.u32 $0x1FFFFFF0, s23  }
0xd9: {  	s24 =	sadd.s32 $0x8880, s14;
	s25 =	spop (v2sf);
	s0 =	sadd.s32 s3, s0  }
0xda: {  	[tilespmem:s24], [sflag:$0x2] =	stream.linear.gather [hbm4b:s0+s2], $0x80, $0x38;
	[tilespmem:$0x10200] =	vst v63  }
0xdb: {  	s0 =	sand.u32 $0x1FFFFFF0, s25  }
0xdc: {  	s26 =	sadd.s32 $0x8900, s14;
	s28 =	spop (v2sf);
	s0 =	sadd.s32 s3, s0  }
0xdd: {  	[tilespmem:s26], [sflag:$0x2] =	stream.linear.gather [hbm4b:s0+s2], $0x80, $0x38;
	[tilespmem:$0x10200] =	vst v63  }
0xde: {  	s0 =	sand.u32 $0x1FFFFFF0, s28  }
0xdf: {  	s29 =	sadd.s32 $0x8980, s14;
	s0 =	sadd.s32 s3, s0  }
0xe0: {  	[tilespmem:s29], [sflag:$0x2] =	stream.linear.gather [hbm4b:s0+s2], $0x80, $0x38;
	[tilespmem:$0x10200] =	vst v63  }
0xe1: {  	_ =	swait.ge [sflag:s9], $0x8000  }
0xe2: {  	[sflag:s9] =	ssyncset.done $0x0  }
0xe3: {  	s30 =	simm.s32 $0x200;
	[sflag:s9] =	ssyncadd.s32 $0xFFFF8000  }
0xe4: {  	[hbm4b:s5+s2] =	stream.linear.scatter [tilespmem:s30], [sflag:$0x3], $0x8000, $0x38;
	[tilespmem:$0x10200] =	vst v63  }
0xe5: {  	_ =	swait.ge [sflag:s8], $0x8000  }
0xe6: {  	[sflag:s8] =	ssyncset.done $0x0  }
0xe7: {  	[sflag:s8] =	ssyncadd.s32 $0xFFFF8000  }
0xe8: {  	s13 =	sadd.s32 $0x1, s13;
	_ =	swait.ge [sflag:s11], $0x8000  }
0xe9: {  	p0 =	sne.s32 s13, s7;
	[sflag:s11] =	ssyncset.done $0x0  }
.Ltmp2:
0xea: {  	s31 =	simm.s32 $0x8200;
	[sflag:s11] =	ssyncadd.s32 $0xFFFF8000;
	(pc) =	sbr.rel @p0 .LBB2_1-.Ltmp2, $4  }
0xeb: {  	[hbm4b:s6+s2] =	stream.linear.scatter [tilespmem:s31], [sflag:$0x3], $0x8000, $0x38;
	[tilespmem:$0x10200] =	vst v63  }
0xec: {  	_ =	swait.ge [sflag:s8], $0x8000  }
0xed: {  	[sflag:s8] =	ssyncset.done $0x0  }
0xee: {  	[sflag:s8] =	ssyncadd.s32 $0xFFFF8000  }
0xef: {  	_ =	sfence.sel $0x180000  }
0xf0: {  	[bflag:$0x0] =	sbarrier.arrive $0xFFFF  }
0xf1: {  	_ =	strace $0x9000004A  }
0xf2: {  	s0 =	stileid.u32;
	[bflag:$0x2] =	sbarrier.arrive $0xFFFF  }
0xf3: {  	p0 =	sne.s32 s0, $0x0;
	s0 =	rddreg [dreg:$0x2]  }
0xf4: {  	s0 =	sadd.s32 @!p0 $0x100000, s0  }
0xf5: {  	[sflag:s0] =	ssyncadd.tile.s32 @!p0 $0x1;
	_ =	shalt  }
.Lfunc_end2:
_tile_overlayer_lowered:
.L_overlay_start_2:
0xf6: {  	(tag) =	ssettag $0x2  }
0xf7: {  	s0 =	rddreg [dreg:$0x0];
	s2 =	stileid.u32  }
0xf8: {  	s1 =	rddreg [dreg:$0x1];
	p0 =	sne.s32 s2, $0x0  }
0xf9: {  	s3 =	rddreg [dreg:$0x2];
	[bflag:$0x3] =	sbarrier.arrive $0xFFFF;
	s2 =	simm.s32 @!p0 $0x1C03  }
0xfa: {  	[timem:s3], [sflag:s2] =	dma.local @!p0 [hbm:s0], s1  }
0xfb: {  	s0 =	simm.s32 @!p0 $0x3  }
0xfc: {  	_ =	swait.ge @!p0 [sflag:s0], s1  }
0xfd: {  	s1 =	ssub.s32 @!p0 $0x0, s1;
	[sflag:s0] =	ssyncset.done @!p0 $0x0  }
0xfe: {  	[sflag:s0] =	ssyncadd.s32 @!p0 s1  }
0xff: {  	[bflag:$0x3] =	sbarrier.arrive $0xFFFF  }
0x100: {  	_ =	shalt  }

// kernel: kernel.7.cloned.1.call-start
scs
__scs_entry_jumppad:
0x0: {  	(pc) =	sbr.rel $0x88, $3  }
0x1: {  	(tag) =	ssettag $0x0;
	lr =	simm.s32 $0x1  }
0x2: {  	[smem:$0x3F9D] =	sst lr;
	_ =	strace $0xD0000000  }
0x3: {  	_ = 	snop  }
0x4: {  	_ = 	snop  }
0x5: {  	_ = 	snop  }
0x6: {  	_ = 	snop  }
0x7: {  	_ = 	snop  }
__scs_overlays_trampoline_lowered:
0x8: {  	[smem:$0x3FAC] =	sst s0  }
0x9: {  	[smem:$0x3FAD] =	sst s1  }
0xa: {  	[smem:$0x3FAE] =	sst s2  }
0xb: {  	[smem:$0x3FAF] =	sst s3  }
0xc: {  	[smem:$0x3FB0] =	sst s4  }
0xd: {  	[smem:$0x3FB1] =	sst s5  }
0xe: {  	[smem:$0x3FB2] =	sst s6  }
0xf: {  	[smem:$0x3FB3] =	sst s7  }
0x10: {  	[smem:$0x3FB4] =	sst s8  }
0x11: {  	[smem:$0x3FB5] =	sst s9;
	s0 =	simm.s32 @!p0 $0x0  }
0x12: {  	s1 =	sld [smem:$0x3F9B];
	s0 =	simm.s32 @p0 $0x1  }
0x13: {  	[smem:$0x3FB6] =	sst s0;
	s0 =	simm.s32 @!p1 $0x0  }
0x14: {  	s2 =	sld [smem:$0x3F9A];
	s0 =	simm.s32 @p1 $0x1  }
0x15: {  	[smem:$0x3FB7] =	sst s0;
	s0 =	simm.s32 @!p2 $0x0  }
0x16: {  	s3 =	sld [smem:$0x3FDB];
	s0 =	simm.s32 @p2 $0x1  }
0x17: {  	s4 =	simm.s32 $0x1BF5;
	[smem:$0x3FB9] =	sst s0  }
0x18: {  	s0 =	sld [smem:$0x3F9C];
	_ =	swait.ge [sflag:s4], $0x0  }
0x19: {  	s7 =	sld [smem:$0x3F9D]  }
0x1a: {  	s8 =	sadd.s32 $0xFFFFE003, lr  }
0x1b: {  	s9 =	sadd.s32 $0xFFFFFEF7, lr;
	s5 =	simm.s32 $0xFFFFFFFF;
	p2 =	slt.u32 s8, $0xFFFFF086  }
0x1c: {  	p1 =	slt.u32 s9, $0xF7A;
	s5 =	simm.s32 @!p2 $0x0  }
0x1d: {  	s5 =	simm.s32 @p1 $0x1;
	p0 =	seq.s32 s7, s2  }
0x1e: {  	s7 =	smul.u32 @!p0 $0xF7A, s2;
	p2 =	seq.s32 @!p0 s5, $0x0  }
0x1f: {  	s9 =	smul.u32 $0xF7A, s1;
	s8 =	simm.s32 @!p0 $0x1BF5;
	p2 =	por !p2, p0  }
0x20: {  	[sflag:s8] =	ssyncset.s32 @!p0 $0xFFFFF086;
	s6 =	sadd.s32 @!p0 s3, s7;
	s7 =	simm.s32 @!p0 $0x108  }
0x21: {  	s3 =	sadd.s32 s3, s9;
	s6 =	sadd.s32 @!p0 $0x88, s6;
	s7 =	simm.s32 @p2 $0x1082  }
0x22: {  	[simem:s7], [sflag:s8] =	dma.local @!p0 [hbm:s6], $0xF7A  }
0x23: {  	s9 =	sor.u32 $0xD0000000, s2;
	s6 =	simm.s32 $0x108;
	_ =	swait.ge @!p0 [sflag:s8], $0x0  }
0x24: {  	s3 =	sadd.s32 $0x88, s3;
	s6 =	simm.s32 @!p1 $0x1082;
	[sflag:s4] =	ssyncset.s32 $0xFFFFF086  }
0x25: {  	[simem:s6], [sflag:s4] =	dma.local [hbm:s3], $0xF7A  }
0x26: {  	[smem:$0x3F9D] =	sst s1;
	(tag) =	ssettag s2;
	_ =	strace s9  }
0x27: {  	s1 =	sld [smem:$0x3FAD]  }
0x28: {  	s2 =	sld [smem:$0x3FAE]  }
0x29: {  	s4 =	sld [smem:$0x3FB0]  }
0x2a: {  	p0 =	seq.s32 s5, $0x0;
	s5 =	sld [smem:$0x3FB1]  }
0x2b: {  	s6 =	sld [smem:$0x3FB2]  }
0x2c: {  	s7 =	sld [smem:$0x3FB3]  }
0x2d: {  	s3 =	simm.s32 $0x108;
	s8 =	sld [smem:$0x3FB4]  }
0x2e: {  	s3 =	simm.s32 @!p0 $0x1082;
	s9 =	sld [smem:$0x3FB5]  }
0x2f: {  	lr =	sadd.s32 s0, s3;
	s0 =	sld [smem:$0x3FAC]  }
0x30: {  	s3 =	sld [smem:$0x3FAF]  }
0x31: {  	[smem:$0x3FB8] =	sst s10  }
0x32: {  	s10 =	sld [smem:$0x3FB6];
	_ =	sdelay $0x3  }
0x33: {  	p0 =	seq.s32 s10, $0x1;
	s10 =	sld [smem:$0x3FB8];
	_ =	sdelay $0x3  }
0x34: {  	[smem:$0x3FB8] =	sst s10  }
0x35: {  	s10 =	sld [smem:$0x3FB7];
	_ =	sdelay $0x3  }
0x36: {  	p1 =	seq.s32 s10, $0x1;
	s10 =	sld [smem:$0x3FB8];
	_ =	sdelay $0x3  }
0x37: {  	[smem:$0x3FB8] =	sst s10  }
0x38: {  	s10 =	sld [smem:$0x3FB9]  }
0x39: {  	_ = 	snop;
	(pc) =	sbr.ind lr, $3  }
0x3a: {  	_ = 	snop  }
0x3b: {  	_ = 	snop  }
0x3c: {  	p2 =	seq.s32 s10, $0x1;
	s10 =	sld [smem:$0x3FB8]  }
0x3d: {  	_ =	shalt  }
0x3e: {  	_ =	shalt  }
0x3f: {  	_ =	shalt  }
0x40: {  	_ =	shalt  }
0x41: {  	_ =	shalt  }
0x42: {  	_ =	shalt  }
0x43: {  	_ =	shalt  }
0x44: {  	_ =	shalt  }
0x45: {  	_ =	shalt  }
0x46: {  	_ =	shalt  }
0x47: {  	_ =	shalt  }
0x48: {  	_ =	shalt  }
0x49: {  	_ =	shalt  }
0x4a: {  	_ =	shalt  }
0x4b: {  	_ =	shalt  }
0x4c: {  	_ =	shalt  }
0x4d: {  	_ =	shalt  }
0x4e: {  	_ =	shalt  }
0x4f: {  	_ =	shalt  }
0x50: {  	_ =	shalt  }
0x51: {  	_ =	shalt  }
0x52: {  	_ =	shalt  }
0x53: {  	_ =	shalt  }
0x54: {  	_ =	shalt  }
0x55: {  	_ =	shalt  }
0x56: {  	_ =	shalt  }
0x57: {  	_ =	shalt  }
0x58: {  	_ =	shalt  }
0x59: {  	_ =	shalt  }
0x5a: {  	_ =	shalt  }
0x5b: {  	_ =	shalt  }
0x5c: {  	_ =	shalt  }
0x5d: {  	_ =	shalt  }
0x5e: {  	_ =	shalt  }
0x5f: {  	_ =	shalt  }
0x60: {  	_ =	shalt  }
0x61: {  	_ =	shalt  }
0x62: {  	_ =	shalt  }
0x63: {  	_ =	shalt  }
0x64: {  	_ =	shalt  }
0x65: {  	_ =	shalt  }
0x66: {  	_ =	shalt  }
0x67: {  	_ =	shalt  }
0x68: {  	_ =	shalt  }
0x69: {  	_ =	shalt  }
0x6a: {  	_ =	shalt  }
0x6b: {  	_ =	shalt  }
0x6c: {  	_ =	shalt  }
0x6d: {  	_ =	shalt  }
0x6e: {  	_ =	shalt  }
0x6f: {  	_ =	shalt  }
0x70: {  	_ =	shalt  }
0x71: {  	_ =	shalt  }
0x72: {  	_ =	shalt  }
0x73: {  	_ =	shalt  }
0x74: {  	_ =	shalt  }
0x75: {  	_ =	shalt  }
0x76: {  	_ =	shalt  }
0x77: {  	_ =	shalt  }
0x78: {  	_ =	shalt  }
0x79: {  	_ =	shalt  }
0x7a: {  	_ =	shalt  }
0x7b: {  	_ =	shalt  }
0x7c: {  	_ =	shalt  }
0x7d: {  	_ =	shalt  }
0x7e: {  	_ =	shalt  }
0x7f: {  	_ =	shalt  }
0x80: {  	_ =	shalt  }
0x81: {  	_ =	shalt  }
0x82: {  	_ =	shalt  }
0x83: {  	_ =	shalt  }
0x84: {  	_ =	shalt  }
0x85: {  	_ =	shalt  }
0x86: {  	_ =	shalt  }
0x87: {  	_ =	shalt  }
.Lfunc_end0:
.L_simem_size_0:
called_computation.1_lowered:
.L_overlay_start_0:
0x88: {  	s2 =	sld [smem:$0x3FD9]  }
0x89: {  	s3 =	sld [smem:$0x3FFE];
	_ =	sdelay $0x1  }
0x8a: {  	s1 =	srdreg.scid  }
0x8b: {  	s0 =	sand.u32 $0x1, s1  }
0x8c: {  	s17 =	sshll.u32 s0, $0xA;
	s2 =	sadd.s32 s3, s2  }
0x8d: {  	s2 =	sadd.s32 s2, s17  }
0x8e: {  	[smem:$0x3FC4] =	sst s2  }
0x8f: {  	_ = 	snop  }
0x90: {  	s2 =	sld [smem:$0x3FC7];
	(tm) =	ssettm $0x1  }
0x91: {  	s18 =	sld [smem:$0x3FFB];
	_ =	sdelay $0x3  }
0x92: {  	_ =	strace s18  }
0x93: {  	s3 =	sld [smem:$0x3FFC];
	_ =	sdelay $0x3  }
0x94: {  	_ =	strace s3  }
0x95: {  	s3 =	sld [smem:$0x3FFD];
	_ =	sdelay $0x3  }
0x96: {  	_ =	strace s3  }
0x97: {  	_ =	strace $0x8FFFFFFF  }
0x98: {  	s19 =	sld [smem:$0x3FDB];
	_ =	sdelay $0x1  }
0x99: {  	s4 =	simm.s32 $_scs_section_size  }
0x9a: {  	s5 =	simm.s32 $_size__tile_overlayer_lowered;
	s6 =	simm.s32 $_tile_overlayer_lowered  }
0x9b: {  	s22 =	simm.s32 $0x1BFF;
	s21 =	sshll.u32 s6, $0x1;
	s3 =	sadd.s32 s4, s19  }
0x9c: {  	s7 =	simm.s32 $0x0;
	s20 =	sshll.u32 s5, $0x1;
	s5 =	sadd.s32 s21, s3  }
0x9d: {  	[timem:s7], [sflag:s22] =	dma.local [hbm:s5], s20  }
0x9e: {  	_ =	swait.ge [sflag:s22], s20  }
0x9f: {  	s4 =	ssub.s32 $0x0, s20;
	[sflag:s22] =	ssyncset.done $0x0  }
0xa0: {  	[sflag:s22] =	ssyncadd.s32 s4;
	_ =	sdelay $0x1  }
0xa1: {  	s23 =	simm.s32 $0x1B8B  }
0xa2: {  	_ =	swait.ge [sflag:s23], $0x1  }
0xa3: {  	[sflag:s23] =	ssyncset.done $0x0  }
0xa4: {  	s25 =	simm.s32 $0x1B8E;
	s24 =	sld [smem:$0x3FFE];
	[sflag:s23] =	ssyncadd.s32 $0xFFFFFFFF  }
0xa5: {  	s26 =	simm.s32 $execute0_lowered;
	[smem:$0x3FD2] =	sst s25  }
0xa6: {  	s5 =	sshll.u32 s26, $0x1;
	_ =	strace $0x80000046;
	[dreg:$0x1] =	wrdreg $0xFFFFFFFF  }
0xa7: {  	s28 =	simm.s32 $_size_execute0_lowered;
	s3 =	sadd.s32 s3, s5;
	[dreg:$0x0] =	wrdreg $0x0  }
0xa8: {  	s5 =	sshll.u32 s28, $0x1;
	[dreg:$0x2] =	wrdreg s3  }
0xa9: {  	[dreg:$0x3] =	wrdreg s5  }
0xaa: {  	[dreg:$0x4] =	wrdreg $0xC0  }
0xab: {  	_ =	task [dreg:s7], $0x5FFFF  }
0xac: {  	[dreg:$0x1] =	wrdreg $0xFFFFFFFF  }
0xad: {  	[dreg:$0x0] =	wrdreg $0x60  }
0xae: {  	[dreg:$0x2] =	wrdreg s24  }
0xaf: {  	[dreg:$0x3] =	wrdreg s2  }
0xb0: {  	[dreg:$0x4] =	wrdreg $0xA  }
0xb1: {  	_ =	task.clear_ibuf [dreg:s7], $0x5FFFF;
	_ =	strace $0x90000046  }
0xb2: {  	s29 =	simm.s32 $0xA;
	_ =	strace $0x80000048  }
0xb3: {  	_ =	swait.ge [sflag:s29], $0x1  }
0xb4: {  	[sflag:s29] =	ssyncadd.s32 $0xFFFFFFFF  }
0xb5: {  	_ =	strace $0x90000048  }
0xb6: {  	_ =	sfence  }
0xb7: {  	s30 =	sld [smem:$0x0];
	_ =	sdelay $0x2  }
0xb8: {  	s31 =	sshll.u32 s1, $0xD;
	s1 =	sshrl.u32 s1, $0x2  }
0xb9: {  	s3 =	sand.u32 $0x4000, s31;
	s1 =	sadd.s32 s1, s30  }
0xba: {  	s0 =	sor.u32 s3, s0;
	s1 =	sshll.u32 s1, $0x11  }
0xbb: {  	s0 =	sor.u32 s1, s0  }
0xbc: {  	s0 =	sadd.s32 $0x8F2B, s0  }
0xbd: {  	[sflag:s0] =	ssyncadd.remote.s32 $0x1  }
0xbe: {  	_ =	sfence.sel $0xFFFF  }
0xbf: {  	[dreg:$0x0] =	wrdreg $0xFFFFFFFF;
	(pc) =	sbr.abs _section_cstart, $3  }
0xc0: {  	[dreg:$0x1] =	wrdreg $0xFFFFFFFF  }
0xc1: {  	_ =	task.clear_ibuf [dreg:s7], $0x2FFFF;
	_ =	strace $0x9FFFFFFF  }
0xc2: {  	(tm) =	ssettm $0x7FFFFFFF  }
0xc3: {  	_ =	shalt  }
tec
execute0_lowered:
.L_overlay_start_1:
0x0: {  	(tag) =	ssettag $0x1  }
0x1: {  	s4 =	rddreg [dreg:$0x0]  }
0x2: {  	s5 =	rddreg [dreg:$0x1]  }
0x3: {  	s2 =	simm.s32 $0x0;
	s3 =	srdreg.scid;
	s0 =	stileid.u32  }
0x4: {  	s11 =	simm.s32 $0x2;
	s13 =	simm.s32 $0x0;
	s6 =	sand.u32 $0x1, s3  }
0x5: {  	[smem:$0x7FF] =	sst s2;
	s7 =	sshll.u32 s0, $0xA;
	s8 =	sshll.u32 s6, $0x9  }
0x6: {  	s3 =	sadd.s32 $0xA00, s4;
	s6 =	ssub.s32 $0x2, s6;
	s7 =	sor.u32 s8, s7  }
0x7: {  	_ =	strace $0x80000047;
	s9 =	sshrl.u32 s6, $0x1;
	s8 =	sshll.u32 s7, $0x4  }
0x8: {  	s7 =	sshrl.u32 s7, $0x3;
	s9 =	ssub.s32 s6, s9;
	s8 =	sadd.s32 s8, s4  }
0x9: {  	s4 =	sadd.s32 s5, s7;
	s7 =	smax.u32 s9, $0x1;
	s9 =	simm.s32 $0x1  }
0xa: {  	s5 =	sadd.s32 $0xF42E00, s8;
	s6 =	sadd.s32 $0xF43E00, s8;
	s8 =	simm.s32 $0x3  }
.LBB2_1:
0xb: {  	[tilespmem:s2], [sflag:$0x3] =	stream.linear.gather [hbm4b:s4+s2], $0x200, $0x38;
	[tilespmem:$0x10200] =	vst v63  }
0xc: {  	_ =	swait.ge [sflag:s8], $0x200  }
0xd: {  	[sflag:s8] =	ssyncset.done $0x0  }
0xe: {  	[sflag:s8] =	ssyncadd.s32 $0xFFFFFE00  }
0xf: {  	v0 =	vld [tilespmem:s2+$0x0];
	_ =	sdelay $0x4  }
0x10: {  	v0 =	vshll.u32 v0, $0x4  }
0x11: {  	(v2sf) =	vpush v0, $0x0  }
0x12: {  	(v2sf) =	vpush v0, $0x1  }
0x13: {  	(v2sf) =	vpush v0, $0x2;
	_ =	sdelay $0x1  }
0x14: {  	(v2sf) =	vpush v0, $0x4;
	_ =	sdelay $0x1  }
0x15: {  	(v2sf) =	vpush v0, $0x3  }
0x16: {  	(v2sf) =	vpush v0, $0x5  }
0x17: {  	s16 =	simm.s32 $0x2000;
	s15 =	simm.s32 $0x0;
	s17 =	simm.s32 $0x0;
	(v2sf) =	vpush v0, $0x6  }
.LBB2_2:
0x18: {  	p0 =	sne.s32 s16, $0x1E000  }
0x19: {  	s28 =	sadd.s32 $0x280, s15;
	s21 =	sadd.s32 $0x780, s15;
	s18 =	smov.u32 s16  }
0x1a: {  	s16 =	sadd.s32 $0x2000, s16;
	s24 =	sadd.s32 $0x580, s15;
	s19 =	sadd.s32 $0x800, s15;
	(v2sf) =	vpush v0, $0x7  }
0x1b: {  	s26 =	sadd.s32 $0x480, s15;
	s22 =	sadd.s32 $0x600, s15;
	s20 =	sadd.s32 $0x880, s15  }
0x1c: {  	s29 =	sadd.s32 $0x200, s15;
	s30 =	sadd.s32 $0x400, s15;
	(v2sf) =	vpush v0, $0x8  }
0x1d: {  	s14 =	simm.s32 $0x0;
	s31 =	sadd.s32 $0x500, s15;
	s17 =	sadd.s32 $0x10, s17  }
0x1e: {  	s0 =	sadd.s32 $0x300, s15;
	s23 =	sadd.s32 $0x700, s15;
	s25 =	spop (v2sf);
	(v2sf) =	vpush v0, $0x9  }
0x1f: {  	s1 =	sand.u32 $0x1FFFFFF0, s25;
	s25 =	sadd.s32 $0x680, s15;
	s10 =	spop (v2sf)  }
0x20: {  	s1 =	sadd.s32 s3, s1;
	s10 =	sand.u32 $0x1FFFFFF0, s10;
	s12 =	spop (v2sf);
	(v2sf) =	vpush v0, $0xA  }
0x21: {  	[tilespmem:s29], [sflag:$0x1] =	stream.linear.gather [hbm4b:s1+s14], $0x80, $0x38;
	[tilespmem:$0x10200] =	vst v63  }
0x22: {  	s1 =	sadd.s32 s3, s10;
	s10 =	sadd.s32 $0x380, s15;
	s29 =	spop (v2sf);
	(v2sf) =	vpush v0, $0xB  }
0x23: {  	[tilespmem:s28], [sflag:$0x1] =	stream.linear.gather [hbm4b:s1+s14], $0x80, $0x38;
	[tilespmem:$0x10200] =	vst v63  }
0x24: {  	s1 =	sand.u32 $0x1FFFFFF0, s12;
	s12 =	sand.u32 $0x1FFFFFF0, s29;
	s28 =	spop (v2sf);
	(v2sf) =	vpush v0, $0xC  }
0x25: {  	s1 =	sadd.s32 s3, s1;
	s28 =	sand.u32 $0x1FFFFFF0, s28;
	s29 =	spop (v2sf)  }
0x26: {  	[tilespmem:s0], [sflag:$0x1] =	stream.linear.gather [hbm4b:s1+s14], $0x80, $0x38;
	(v2sf) =	vpush v0, $0xD;
	[tilespmem:$0x10200] =	vst v63  }
0x27: {  	s0 =	sadd.s32 s3, s28;
	s1 =	sand.u32 $0x1FFFFFF0, s29;
	s28 =	spop (v2sf)  }
0x28: {  	[tilespmem:s10], [sflag:$0x1] =	stream.linear.gather [hbm4b:s0+s14], $0x80, $0x38;
	(v2sf) =	vpush v0, $0xE;
	[tilespmem:$0x10200] =	vst v63  }
0x29: {  	s0 =	sadd.s32 s3, s12;
	s10 =	sand.u32 $0x1FFFFFF0, s28;
	s12 =	spop (v2sf)  }
0x2a: {  	[tilespmem:s30], [sflag:$0x1] =	stream.linear.gather [hbm4b:s0+s14], $0x80, $0x38;
	(v2sf) =	vpush v0, $0xF;
	[tilespmem:$0x10200] =	vst v63  }
0x2b: {  	s0 =	sadd.s32 s3, s1;
	s1 =	sand.u32 $0x1FFFFFF0, s12;
	s12 =	spop (v2sf)  }
0x2c: {  	[tilespmem:s26], [sflag:$0x1] =	stream.linear.gather [hbm4b:s0+s14], $0x80, $0x38;
	[tilespmem:$0x10200] =	vst v63  }
0x2d: {  	s0 =	sadd.s32 s3, s10;
	s10 =	sand.u32 $0x1FFFFFF0, s12;
	s12 =	spop (v2sf)  }
0x2e: {  	[tilespmem:s31], [sflag:$0x1] =	stream.linear.gather [hbm4b:s0+s14], $0x80, $0x38;
	[tilespmem:$0x10200] =	vst v63  }
0x2f: {  	s0 =	sadd.s32 s3, s1;
	s1 =	sand.u32 $0x1FFFFFF0, s12;
	s12 =	spop (v2sf)  }
0x30: {  	[tilespmem:s24], [sflag:$0x1] =	stream.linear.gather [hbm4b:s0+s14], $0x80, $0x38;
	[tilespmem:$0x10200] =	vst v63  }
0x31: {  	s0 =	sadd.s32 s3, s10;
	s10 =	sand.u32 $0x1FFFFFF0, s12;
	s12 =	spop (v2sf)  }
0x32: {  	[tilespmem:s22], [sflag:$0x1] =	stream.linear.gather [hbm4b:s0+s14], $0x80, $0x38;
	[tilespmem:$0x10200] =	vst v63  }
0x33: {  	s0 =	sadd.s32 s3, s1;
	s1 =	sand.u32 $0x1FFFFFF0, s12;
	s12 =	spop (v2sf)  }
0x34: {  	[tilespmem:s25], [sflag:$0x1] =	stream.linear.gather [hbm4b:s0+s14], $0x80, $0x38;
	[tilespmem:$0x10200] =	vst v63  }
0x35: {  	s0 =	sadd.s32 s3, s10;
	s10 =	sand.u32 $0x1FFFFFF0, s12;
	s12 =	spop (v2sf)  }
0x36: {  	[tilespmem:s23], [sflag:$0x1] =	stream.linear.gather [hbm4b:s0+s14], $0x80, $0x38;
	[tilespmem:$0x10200] =	vst v63  }
0x37: {  	s0 =	sadd.s32 s3, s1;
	s1 =	sand.u32 $0x1FFFFFF0, s12;
	s12 =	spop (v2sf)  }
0x38: {  	[tilespmem:s21], [sflag:$0x1] =	stream.linear.gather [hbm4b:s0+s14], $0x80, $0x38;
	[tilespmem:$0x10200] =	vst v63  }
0x39: {  	s0 =	sadd.s32 s3, s10;
	s10 =	sand.u32 $0x1FFFFFF0, s12;
	s12 =	spop (v2sf)  }
0x3a: {  	[tilespmem:s19], [sflag:$0x1] =	stream.linear.gather [hbm4b:s0+s14], $0x80, $0x38;
	[tilespmem:$0x10200] =	vst v63  }
0x3b: {  	s0 =	sadd.s32 s3, s1;
	s1 =	sand.u32 $0x1FFFFFF0, s12  }
0x3c: {  	[tilespmem:s20], [sflag:$0x1] =	stream.linear.gather [hbm4b:s0+s14], $0x80, $0x38;
	[tilespmem:$0x10200] =	vst v63  }
0x3d: {  	s10 =	sadd.s32 s3, s10;
	s0 =	sadd.s32 $0x900, s15  }
0x3e: {  	[tilespmem:s0], [sflag:$0x1] =	stream.linear.gather [hbm4b:s10+s14], $0x80, $0x38;
	[tilespmem:$0x10200] =	vst v63  }
0x3f: {  	s1 =	sadd.s32 s3, s1;
	s0 =	sadd.s32 $0x980, s15  }
0x40: {  	[tilespmem:s0], [sflag:$0x1] =	stream.linear.gather [hbm4b:s1+s14], $0x80, $0x38;
	[tilespmem:$0x10200] =	vst v63  }
0x41: {  	v0 =	vld [tilespmem:s17+$0x0];
	_ =	sdelay $0x4  }
0x42: {  	v0 =	vshll.u32 v0, $0x4  }
0x43: {  	(v2sf) =	vpush v0, $0x0  }
0x44: {  	(v2sf) =	vpush v0, $0x1  }
0x45: {  	(v2sf) =	vpush v0, $0x2;
	_ =	sdelay $0x1  }
0x46: {  	(v2sf) =	vpush v0, $0x4  }
.Ltmp0:
0x47: {  	(pc) =	sbr.rel @p0 .LBB2_2-.Ltmp0, $3  }
0x48: {  	(v2sf) =	vpush v0, $0x3  }
0x49: {  	(v2sf) =	vpush v0, $0x5;
	_ =	sdelay $0x1  }
0x4a: {  	s15 =	sshra.s32 s18, $0x2;
	(v2sf) =	vpush v0, $0x6  }
0x4b: {  	_ =	sdelay $0x1  }
0x4c: {  	s0 =	sadd.s32 $0x280, s15;
	s18 =	sadd.s32 $0x780, s15  }
0x4d: {  	s1 =	sadd.s32 $0x580, s15;
	s16 =	sadd.s32 $0x800, s15;
	(v2sf) =	vpush v0, $0x7;
	s10 =	sadd.s32 $0x480, s15  }
0x4e: {  	s12 =	sadd.s32 $0x600, s15;
	s17 =	sadd.s32 $0x880, s15;
	s19 =	sadd.s32 $0x200, s15  }
0x4f: {  	s20 =	sadd.s32 $0x400, s15;
	s21 =	sadd.s32 $0x500, s15;
	(v2sf) =	vpush v0, $0x8;
	s22 =	spop (v2sf)  }
0x50: {  	s23 =	sadd.s32 $0x300, s15;
	s22 =	sand.u32 $0x1FFFFFF0, s22;
	s24 =	spop (v2sf)  }
0x51: {  	(v2sf) =	vpush v0, $0x9;
	s22 =	sadd.s32 s3, s22;
	s24 =	sand.u32 $0x1FFFFFF0, s24;
	s25 =	spop (v2sf)  }
0x52: {  	[tilespmem:s19], [sflag:$0x1] =	stream.linear.gather [hbm4b:s22+s14], $0x80, $0x38;
	[tilespmem:$0x10200] =	vst v63  }
0x53: {  	s26 =	sadd.s32 $0x380, s15;
	(v2sf) =	vpush v0, $0xA;
	s30 =	sadd.s32 s3, s24;
	s31 =	spop (v2sf)  }
0x54: {  	[tilespmem:s0], [sflag:$0x1] =	stream.linear.gather [hbm4b:s30+s14], $0x80, $0x38;
	[tilespmem:$0x10200] =	vst v63  }
0x55: {  	s19 =	sadd.s32 $0x700, s15;
	s28 =	sand.u32 $0x1FFFFFF0, s25;
	(v2sf) =	vpush v0, $0xB;
	s29 =	spop (v2sf)  }
0x56: {  	s22 =	sadd.s32 s3, s28;
	s0 =	sadd.s32 $0x680, s15;
	s25 =	sand.u32 $0x1FFFFFF0, s29  }
0x57: {  	(v2sf) =	vpush v0, $0xC;
	[tilespmem:s23], [sflag:$0x1] =	stream.linear.gather [hbm4b:s22+s14], $0x80, $0x38;
	[tilespmem:$0x10200] =	vst v63  }
0x58: {  	s30 =	sand.u32 $0x1FFFFFF0, s31;
	s31 =	spop (v2sf);
	s28 =	sadd.s32 s3, s25  }
0x59: {  	(v2sf) =	vpush v0, $0xD;
	[tilespmem:s26], [sflag:$0x1] =	stream.linear.gather [hbm4b:s28+s14], $0x80, $0x38;
	[tilespmem:$0x10200] =	vst v63  }
0x5a: {  	s22 =	sadd.s32 s3, s30;
	s23 =	sand.u32 $0x1FFFFFF0, s31;
	s29 =	spop (v2sf)  }
0x5b: {  	(v2sf) =	vpush v0, $0xE;
	[tilespmem:s20], [sflag:$0x1] =	stream.linear.gather [hbm4b:s22+s14], $0x80, $0x38;
	[tilespmem:$0x10200] =	vst v63  }
0x5c: {  	s23 =	sadd.s32 s3, s23;
	s30 =	sand.u32 $0x1FFFFFF0, s29;
	s31 =	spop (v2sf)  }
0x5d: {  	(v2sf) =	vpush v0, $0xF;
	[tilespmem:s10], [sflag:$0x1] =	stream.linear.gather [hbm4b:s23+s14], $0x80, $0x38;
	[tilespmem:$0x10200] =	vst v63  }
0x5e: {  	s24 =	sand.u32 $0x1FFFFFF0, s31;
	s25 =	spop (v2sf);
	s20 =	sadd.s32 s3, s30  }
0x5f: {  	[tilespmem:s21], [sflag:$0x1] =	stream.linear.gather [hbm4b:s20+s14], $0x80, $0x38;
	[tilespmem:$0x10200] =	vst v63  }
0x60: {  	s26 =	sand.u32 $0x1FFFFFF0, s25;
	s10 =	sadd.s32 s3, s24;
	s28 =	spop (v2sf)  }
0x61: {  	[tilespmem:s1], [sflag:$0x1] =	stream.linear.gather [hbm4b:s10+s14], $0x80, $0x38;
	[tilespmem:$0x10200] =	vst v63  }
0x62: {  	s20 =	sadd.s32 s3, s26;
	s29 =	sand.u32 $0x1FFFFFF0, s28;
	s30 =	spop (v2sf)  }
0x63: {  	[tilespmem:s12], [sflag:$0x1] =	stream.linear.gather [hbm4b:s20+s14], $0x80, $0x38;
	[tilespmem:$0x10200] =	vst v63  }
0x64: {  	s10 =	sand.u32 $0x1FFFFFF0, s30;
	s1 =	sadd.s32 s3, s29;
	s31 =	spop (v2sf)  }
0x65: {  	[tilespmem:s0], [sflag:$0x1] =	stream.linear.gather [hbm4b:s1+s14], $0x80, $0x38;
	[tilespmem:$0x10200] =	vst v63  }
0x66: {  	s10 =	sadd.s32 s3, s10;
	s20 =	sand.u32 $0x1FFFFFF0, s31;
	s21 =	spop (v2sf)  }
0x67: {  	[tilespmem:s19], [sflag:$0x1] =	stream.linear.gather [hbm4b:s10+s14], $0x80, $0x38;
	[tilespmem:$0x10200] =	vst v63  }
0x68: {  	s0 =	sadd.s32 s3, s20;
	s1 =	sand.u32 $0x1FFFFFF0, s21;
	s22 =	spop (v2sf)  }
0x69: {  	[tilespmem:s18], [sflag:$0x1] =	stream.linear.gather [hbm4b:s0+s14], $0x80, $0x38;
	[tilespmem:$0x10200] =	vst v63  }
0x6a: {  	s23 =	sand.u32 $0x1FFFFFF0, s22;
	s1 =	sadd.s32 s3, s1;
	s24 =	spop (v2sf)  }
0x6b: {  	[tilespmem:s16], [sflag:$0x1] =	stream.linear.gather [hbm4b:s1+s14], $0x80, $0x38;
	[tilespmem:$0x10200] =	vst v63  }
0x6c: {  	s25 =	sand.u32 $0x1FFFFFF0, s24;
	s26 =	spop (v2sf);
	s0 =	sadd.s32 s3, s23  }
0x6d: {  	[tilespmem:s17], [sflag:$0x1] =	stream.linear.gather [hbm4b:s0+s14], $0x80, $0x38;
	[tilespmem:$0x10200] =	vst v63  }
0x6e: {  	s29 =	sadd.s32 $0x900, s15;
	s28 =	sand.u32 $0x1FFFFFF0, s26;
	s1 =	sadd.s32 s3, s25  }
0x6f: {  	[tilespmem:s29], [sflag:$0x1] =	stream.linear.gather [hbm4b:s1+s14], $0x80, $0x38;
	[tilespmem:$0x10200] =	vst v63  }
0x70: {  	s30 =	sadd.s32 $0x980, s15;
	s31 =	sand.u32 $0xF0, s14;
	s0 =	sadd.s32 s3, s28  }
0x71: {  	[tilespmem:s30], [sflag:$0x1] =	stream.linear.gather [hbm4b:s0+s14], $0x80, $0x38;
	[tilespmem:$0x10200] =	vst v63  }
0x72: {  	v0 =	vld [tilespmem:s31+$0x100];
	_ =	sdelay $0x4  }
0x73: {  	v0 =	vshll.u32 v0, $0x4  }
0x74: {  	(v2sf) =	vpush v0, $0x0  }
0x75: {  	(v2sf) =	vpush v0, $0x2  }
0x76: {  	(v2sf) =	vpush v0, $0x1;
	_ =	sdelay $0x1  }
0x77: {  	(v2sf) =	vpush v0, $0x3  }
0x78: {  	(v2sf) =	vpush v0, $0x4;
	_ =	sdelay $0x2  }
0x79: {  	s15 =	simm.s32 $0x2000;
	s16 =	simm.s32 $0x10  }
.LBB2_4:
0x7a: {  	p0 =	sne.s32 s15, $0x1E000;
	(v2sf) =	vpush v0, $0x5;
	s0 =	smov.u32 s15;
	s15 =	sadd.s32 $0x2000, s15  }
0x7b: {  	s17 =	sshra.s32 s14, $0x2;
	s14 =	smov.u32 s0  }
0x7c: {  	s0 =	sadd.s32 $0x8280, s17;
	(v2sf) =	vpush v0, $0x6  }
0x7d: {  	s1 =	sadd.s32 $0x8200, s17  }
0x7e: {  	s20 =	sadd.s32 $0x8780, s17;
	s19 =	sadd.s32 $0x8800, s17;
	s18 =	sadd.s32 $0x8880, s17;
	(v2sf) =	vpush v0, $0x7  }
0x7f: {  	s23 =	sadd.s32 $0x8600, s17;
	s22 =	sadd.s32 $0x8680, s17;
	s21 =	sadd.s32 $0x8700, s17  }
0x80: {  	s10 =	sadd.s32 $0x8500, s17;
	s24 =	sadd.s32 $0x8580, s17;
	s12 =	spop (v2sf);
	(v2sf) =	vpush v0, $0x8  }
0x81: {  	s25 =	sadd.s32 $0x8300, s17;
	s12 =	sand.u32 $0x1FFFFFF0, s12;
	s26 =	spop (v2sf)  }
0x82: {  	s28 =	sadd.s32 $0x8480, s17;
	s12 =	sadd.s32 s3, s12;
	s29 =	spop (v2sf);
	(v2sf) =	vpush v0, $0x9  }
0x83: {  	[tilespmem:s1], [sflag:$0x2] =	stream.linear.gather [hbm4b:s12+s2], $0x80, $0x38;
	[tilespmem:$0x10200] =	vst v63  }
0x84: {  	s1 =	sand.u32 $0x1FFFFFF0, s29;
	s12 =	sand.u32 $0x1FFFFFF0, s26;
	s26 =	spop (v2sf);
	(v2sf) =	vpush v0, $0xA  }
0x85: {  	s29 =	sadd.s32 $0x8400, s17;
	s1 =	sadd.s32 s3, s1;
	s30 =	spop (v2sf)  }
0x86: {  	[tilespmem:s0], [sflag:$0x2] =	stream.linear.gather [hbm4b:s1+s2], $0x80, $0x38;
	(v2sf) =	vpush v0, $0xB;
	[tilespmem:$0x10200] =	vst v63  }
0x87: {  	s0 =	sadd.s32 s3, s12;
	s1 =	sand.u32 $0x1FFFFFF0, s26;
	s12 =	sand.u32 $0x1FFFFFF0, s30  }
0x88: {  	[tilespmem:s25], [sflag:$0x2] =	stream.linear.gather [hbm4b:s0+s2], $0x80, $0x38;
	(v2sf) =	vpush v0, $0xC;
	[tilespmem:$0x10200] =	vst v63  }
0x89: {  	s1 =	sadd.s32 s3, s1;
	s0 =	sadd.s32 $0x8380, s17;
	s25 =	spop (v2sf)  }
0x8a: {  	[tilespmem:s0], [sflag:$0x2] =	stream.linear.gather [hbm4b:s1+s2], $0x80, $0x38;
	(v2sf) =	vpush v0, $0xD;
	[tilespmem:$0x10200] =	vst v63  }
0x8b: {  	s0 =	sadd.s32 s3, s12;
	s1 =	sand.u32 $0x1FFFFFF0, s25;
	s12 =	spop (v2sf)  }
0x8c: {  	[tilespmem:s29], [sflag:$0x2] =	stream.linear.gather [hbm4b:s0+s2], $0x80, $0x38;
	(v2sf) =	vpush v0, $0xE;
	[tilespmem:$0x10200] =	vst v63  }
0x8d: {  	s0 =	sadd.s32 s3, s1;
	s1 =	sand.u32 $0x1FFFFFF0, s12;
	s12 =	spop (v2sf)  }
0x8e: {  	[tilespmem:s28], [sflag:$0x2] =	stream.linear.gather [hbm4b:s0+s2], $0x80, $0x38;
	(v2sf) =	vpush v0, $0xF;
	[tilespmem:$0x10200] =	vst v63  }
0x8f: {  	s0 =	sadd.s32 s3, s1;
	s1 =	sand.u32 $0x1FFFFFF0, s12;
	s12 =	spop (v2sf)  }
0x90: {  	[tilespmem:s10], [sflag:$0x2] =	stream.linear.gather [hbm4b:s0+s2], $0x80, $0x38;
	[tilespmem:$0x10200] =	vst v63  }
0x91: {  	s0 =	sadd.s32 s3, s1;
	s1 =	sand.u32 $0x1FFFFFF0, s12;
	s10 =	spop (v2sf)  }
0x92: {  	[tilespmem:s24], [sflag:$0x2] =	stream.linear.gather [hbm4b:s0+s2], $0x80, $0x38;
	[tilespmem:$0x10200] =	vst v63  }
0x93: {  	s0 =	sadd.s32 s3, s1;
	s1 =	sand.u32 $0x1FFFFFF0, s10;
	s10 =	spop (v2sf)  }
0x94: {  	[tilespmem:s23], [sflag:$0x2] =	stream.linear.gather [hbm4b:s0+s2], $0x80, $0x38;
	[tilespmem:$0x10200] =	vst v63  }
0x95: {  	s0 =	sadd.s32 s3, s1;
	s1 =	sand.u32 $0x1FFFFFF0, s10;
	s10 =	spop (v2sf)  }
0x96: {  	[tilespmem:s22], [sflag:$0x2] =	stream.linear.gather [hbm4b:s0+s2], $0x80, $0x38;
	[tilespmem:$0x10200] =	vst v63  }
0x97: {  	s0 =	sadd.s32 s3, s1;
	s1 =	sand.u32 $0x1FFFFFF0, s10;
	s10 =	spop (v2sf)  }
0x98: {  	[tilespmem:s21], [sflag:$0x2] =	stream.linear.gather [hbm4b:s0+s2], $0x80, $0x38;
	[tilespmem:$0x10200] =	vst v63  }
0x99: {  	s0 =	sadd.s32 s3, s1;
	s1 =	sand.u32 $0x1FFFFFF0, s10;
	s10 =	spop (v2sf)  }
0x9a: {  	[tilespmem:s20], [sflag:$0x2] =	stream.linear.gather [hbm4b:s0+s2], $0x80, $0x38;
	[tilespmem:$0x10200] =	vst v63  }
0x9b: {  	s0 =	sadd.s32 s3, s1;
	s1 =	sand.u32 $0x1FFFFFF0, s10;
	s10 =	spop (v2sf)  }
0x9c: {  	[tilespmem:s19], [sflag:$0x2] =	stream.linear.gather [hbm4b:s0+s2], $0x80, $0x38;
	[tilespmem:$0x10200] =	vst v63  }
0x9d: {  	s0 =	sadd.s32 s3, s1;
	s1 =	sand.u32 $0x1FFFFFF0, s10;
	s10 =	spop (v2sf)  }
0x9e: {  	[tilespmem:s18], [sflag:$0x2] =	stream.linear.gather [hbm4b:s0+s2], $0x80, $0x38;
	[tilespmem:$0x10200] =	vst v63  }
0x9f: {  	s1 =	sadd.s32 s3, s1;
	s0 =	sadd.s32 $0x8900, s17;
	s10 =	sand.u32 $0x1FFFFFF0, s10  }
0xa0: {  	[tilespmem:s0], [sflag:$0x2] =	stream.linear.gather [hbm4b:s1+s2], $0x80, $0x38;
	[tilespmem:$0x10200] =	vst v63  }
0xa1: {  	s10 =	sadd.s32 s3, s10;
	s0 =	sand.u32 $0xF0, s16;
	s1 =	sadd.s32 $0x8980, s17  }
0xa2: {  	[tilespmem:s1], [sflag:$0x2] =	stream.linear.gather [hbm4b:s10+s2], $0x80, $0x38;
	[tilespmem:$0x10200] =	vst v63  }
0xa3: {  	v0 =	vld [tilespmem:s0+$0x100];
	_ =	sdelay $0x4  }
0xa4: {  	v0 =	vshll.u32 v0, $0x4  }
0xa5: {  	(v2sf) =	vpush v0, $0x0  }
0xa6: {  	(v2sf) =	vpush v0, $0x2  }
0xa7: {  	(v2sf) =	vpush v0, $0x1;
	_ =	sdelay $0x1  }
.Ltmp1:
0xa8: {  	(v2sf) =	vpush v0, $0x3;
	(pc) =	sbr.rel @p0 .LBB2_4-.Ltmp1, $2  }
0xa9: {  	(v2sf) =	vpush v0, $0x4;
	_ =	sdelay $0x2  }
0xaa: {  	s16 =	sadd.s32 $0x10, s16  }
0xab: {  	_ =	sdelay $0x5  }
0xac: {  	s0 =	spop (v2sf)  }
0xad: {  	s10 =	spop (v2sf);
	(v2sf) =	vpush v0, $0x5;
	_ =	sdelay $0x1  }
0xae: {  	s17 =	spop (v2sf);
	(v2sf) =	vpush v0, $0x6;
	_ =	sdelay $0x2  }
0xaf: {  	s21 =	spop (v2sf);
	(v2sf) =	vpush v0, $0x7  }
0xb0: {  	s14 =	sshra.s32 s14, $0x2;
	s0 =	sand.u32 $0x1FFFFFF0, s0  }
0xb1: {  	s1 =	sadd.s32 $0x8200, s14;
	s0 =	sadd.s32 s3, s0  }
0xb2: {  	[tilespmem:s1], [sflag:$0x2] =	stream.linear.gather [hbm4b:s0+s2], $0x80, $0x38;
	[tilespmem:$0x10200] =	vst v63  }
0xb3: {  	s0 =	sand.u32 $0x1FFFFFF0, s17;
	s23 =	spop (v2sf);
	(v2sf) =	vpush v0, $0x8  }
0xb4: {  	s18 =	sadd.s32 $0x8280, s14;
	s19 =	sand.u32 $0x1FFFFFF0, s10;
	s0 =	sadd.s32 s3, s0  }
0xb5: {  	[tilespmem:s18], [sflag:$0x2] =	stream.linear.gather [hbm4b:s0+s2], $0x80, $0x38;
	[tilespmem:$0x10200] =	vst v63  }
0xb6: {  	s20 =	sadd.s32 $0x8300, s14;
	s0 =	sadd.s32 s3, s19  }
0xb7: {  	[tilespmem:s20], [sflag:$0x2] =	stream.linear.gather [hbm4b:s0+s2], $0x80, $0x38;
	[tilespmem:$0x10200] =	vst v63  }
0xb8: {  	s0 =	sand.u32 $0x1FFFFFF0, s21  }
0xb9: {  	s22 =	sadd.s32 $0x8380, s14;
	s0 =	sadd.s32 s3, s0;
	s25 =	spop (v2sf);
	(v2sf) =	vpush v0, $0x9  }
0xba: {  	[tilespmem:s22], [sflag:$0x2] =	stream.linear.gather [hbm4b:s0+s2], $0x80, $0x38;
	[tilespmem:$0x10200] =	vst v63  }
0xbb: {  	s0 =	sand.u32 $0x1FFFFFF0, s23;
	s28 =	spop (v2sf);
	(v2sf) =	vpush v0, $0xA  }
0xbc: {  	s24 =	sadd.s32 $0x8400, s14;
	s0 =	sadd.s32 s3, s0  }
0xbd: {  	[tilespmem:s24], [sflag:$0x2] =	stream.linear.gather [hbm4b:s0+s2], $0x80, $0x38;
	[tilespmem:$0x10200] =	vst v63  }
0xbe: {  	s0 =	sand.u32 $0x1FFFFFF0, s25;
	s30 =	spop (v2sf);
	(v2sf) =	vpush v0, $0xB  }
0xbf: {  	s26 =	sadd.s32 $0x8480, s14;
	s0 =	sadd.s32 s3, s0  }
0xc0: {  	[tilespmem:s26], [sflag:$0x2] =	stream.linear.gather [hbm4b:s0+s2], $0x80, $0x38;
	[tilespmem:$0x10200] =	vst v63  }
0xc1: {  	s0 =	sand.u32 $0x1FFFFFF0, s28  }
0xc2: {  	s29 =	sadd.s32 $0x8500, s14;
	s0 =	sadd.s32 s3, s0;
	s10 =	spop (v2sf)  }
0xc3: {  	(v2sf) =	vpush v0, $0xC;
	[tilespmem:s29], [sflag:$0x2] =	stream.linear.gather [hbm4b:s0+s2], $0x80, $0x38;
	[tilespmem:$0x10200] =	vst v63  }
0xc4: {  	s0 =	sand.u32 $0x1FFFFFF0, s30  }
0xc5: {  	s31 =	sadd.s32 $0x8580, s14;
	s0 =	sadd.s32 s3, s0  }
0xc6: {  	[tilespmem:s31], [sflag:$0x2] =	stream.linear.gather [hbm4b:s0+s2], $0x80, $0x38;
	[tilespmem:$0x10200] =	vst v63  }
0xc7: {  	s0 =	sand.u32 $0x1FFFFFF0, s10  }
0xc8: {  	s12 =	sadd.s32 $0x8600, s14;
	s0 =	sadd.s32 s3, s0;
	s15 =	spop (v2sf);
	(v2sf) =	vpush v0, $0xD  }
0xc9: {  	[tilespmem:s12], [sflag:$0x2] =	stream.linear.gather [hbm4b:s0+s2], $0x80, $0x38;
	[tilespmem:$0x10200] =	vst v63  }
0xca: {  	s0 =	sand.u32 $0x1FFFFFF0, s15;
	s17 =	spop (v2sf);
	(v2sf) =	vpush v0, $0xE  }
0xcb: {  	s16 =	sadd.s32 $0x8680, s14;
	s0 =	sadd.s32 s3, s0  }
0xcc: {  	[tilespmem:s16], [sflag:$0x2] =	stream.linear.gather [hbm4b:s0+s2], $0x80, $0x38;
	[tilespmem:$0x10200] =	vst v63  }
0xcd: {  	s19 =	spop (v2sf);
	(v2sf) =	vpush v0, $0xF  }
0xce: {  	s0 =	sand.u32 $0x1FFFFFF0, s17  }
0xcf: {  	s18 =	sadd.s32 $0x8700, s14;
	s0 =	sadd.s32 s3, s0  }
0xd0: {  	[tilespmem:s18], [sflag:$0x2] =	stream.linear.gather [hbm4b:s0+s2], $0x80, $0x38;
	[tilespmem:$0x10200] =	vst v63  }
0xd1: {  	s0 =	sand.u32 $0x1FFFFFF0, s19  }
0xd2: {  	s20 =	sadd.s32 $0x8780, s14;
	s21 =	spop (v2sf);
	s0 =	sadd.s32 s3, s0  }
0xd3: {  	[tilespmem:s20], [sflag:$0x2] =	stream.linear.gather [hbm4b:s0+s2], $0x80, $0x38;
	[tilespmem:$0x10200] =	vst v63  }
0xd4: {  	s0 =	sand.u32 $0x1FFFFFF0, s21  }
0xd5: {  	s22 =	sadd.s32 $0x8800, s14;
	s0 =	sadd.s32 s3, s0  }
0xd6: {  	[tilespmem:s22], [sflag:$0x2] =	stream.linear.gather [hbm4b:s0+s2], $0x80, $0x38;
	[tilespmem:$0x10200] =	vst v63  }
0xd7: {  	s23 =	spop (v2sf)  }
0xd8: {  	s0 =	sand.u32 $0x1FFFFFF0, s23  }
0xd9: {  	s24 =	sadd.s32 $0x8880, s14;
	s25 =	spop (v2sf);
	s0 =	sadd.s32 s3, s0  }
0xda: {  	[tilespmem:s24], [sflag:$0x2] =	stream.linear.gather [hbm4b:s0+s2], $0x80, $0x38;
	[tilespmem:$0x10200] =	vst v63  }
0xdb: {  	s0 =	sand.u32 $0x1FFFFFF0, s25  }
0xdc: {  	s26 =	sadd.s32 $0x8900, s14;
	s28 =	spop (v2sf);
	s0 =	sadd.s32 s3, s0  }
0xdd: {  	[tilespmem:s26], [sflag:$0x2] =	stream.linear.gather [hbm4b:s0+s2], $0x80, $0x38;
	[tilespmem:$0x10200] =	vst v63  }
0xde: {  	s0 =	sand.u32 $0x1FFFFFF0, s28  }
0xdf: {  	s29 =	sadd.s32 $0x8980, s14;
	s0 =	sadd.s32 s3, s0  }
0xe0: {  	[tilespmem:s29], [sflag:$0x2] =	stream.linear.gather [hbm4b:s0+s2], $0x80, $0x38;
	[tilespmem:$0x10200] =	vst v63  }
0xe1: {  	_ =	swait.ge [sflag:s9], $0x8000  }
0xe2: {  	[sflag:s9] =	ssyncset.done $0x0  }
0xe3: {  	s30 =	simm.s32 $0x200;
	[sflag:s9] =	ssyncadd.s32 $0xFFFF8000  }
0xe4: {  	[hbm4b:s5+s2] =	stream.linear.scatter [tilespmem:s30], [sflag:$0x3], $0x8000, $0x38;
	[tilespmem:$0x10200] =	vst v63  }
0xe5: {  	_ =	swait.ge [sflag:s8], $0x8000  }
0xe6: {  	[sflag:s8] =	ssyncset.done $0x0  }
0xe7: {  	[sflag:s8] =	ssyncadd.s32 $0xFFFF8000  }
0xe8: {  	s13 =	sadd.s32 $0x1, s13;
	_ =	swait.ge [sflag:s11], $0x8000  }
0xe9: {  	p0 =	sne.s32 s13, s7;
	[sflag:s11] =	ssyncset.done $0x0  }
.Ltmp2:
0xea: {  	s31 =	simm.s32 $0x8200;
	[sflag:s11] =	ssyncadd.s32 $0xFFFF8000;
	(pc) =	sbr.rel @p0 .LBB2_1-.Ltmp2, $4  }
0xeb: {  	[hbm4b:s6+s2] =	stream.linear.scatter [tilespmem:s31], [sflag:$0x3], $0x8000, $0x38;
	[tilespmem:$0x10200] =	vst v63  }
0xec: {  	_ =	swait.ge [sflag:s8], $0x8000  }
0xed: {  	[sflag:s8] =	ssyncset.done $0x0  }
0xee: {  	[sflag:s8] =	ssyncadd.s32 $0xFFFF8000  }
0xef: {  	_ =	sfence.sel $0x180000  }
0xf0: {  	[bflag:$0x0] =	sbarrier.arrive $0xFFFF  }
0xf1: {  	_ =	strace $0x90000047  }
0xf2: {  	s0 =	stileid.u32;
	[bflag:$0x2] =	sbarrier.arrive $0xFFFF  }
0xf3: {  	p0 =	sne.s32 s0, $0x0;
	s0 =	rddreg [dreg:$0x2]  }
0xf4: {  	s0 =	sadd.s32 @!p0 $0x100000, s0  }
0xf5: {  	[sflag:s0] =	ssyncadd.tile.s32 @!p0 $0x1;
	_ =	shalt  }
.Lfunc_end2:
_tile_overlayer_lowered:
.L_overlay_start_2:
0xf6: {  	(tag) =	ssettag $0x2  }
0xf7: {  	s0 =	rddreg [dreg:$0x0];
	s2 =	stileid.u32  }
0xf8: {  	s1 =	rddreg [dreg:$0x1];
	p0 =	sne.s32 s2, $0x0  }
0xf9: {  	s3 =	rddreg [dreg:$0x2];
	[bflag:$0x3] =	sbarrier.arrive $0xFFFF;
	s2 =	simm.s32 @!p0 $0x1C03  }
0xfa: {  	[timem:s3], [sflag:s2] =	dma.local @!p0 [hbm:s0], s1  }
0xfb: {  	s0 =	simm.s32 @!p0 $0x3  }
0xfc: {  	_ =	swait.ge @!p0 [sflag:s0], s1  }
0xfd: {  	s1 =	ssub.s32 @!p0 $0x0, s1;
	[sflag:s0] =	ssyncset.done @!p0 $0x0  }
0xfe: {  	[sflag:s0] =	ssyncadd.s32 @!p0 s1  }
0xff: {  	[bflag:$0x3] =	sbarrier.arrive $0xFFFF  }
0x100: {  	_ =	shalt  }

</sc_bundles>
